<compile_context>
chip_gen: v7x
topology: tpu7x:2x2x1
jax: 0.10.2.dev20260603
libtpu: 0.0.44.dev20260713+nightly
codegen_flags: <defaults>
</compile_context>

<pallas_src>
import functools

import jax
import jax.numpy as jnp
from jax import lax
from jax.experimental import pallas as pl
from jax.experimental.pallas import tpu as pltpu
from jax.experimental.pallas import tpu_sc as plsc

N_NODES = 10000
N_EDGES = 320000
D = 128

NUM_CORES = 2
NUM_SUBCORES = 16
NUM_TILES = NUM_CORES * NUM_SUBCORES
EDGES_PER_TILE = N_EDGES // NUM_TILES
CHUNK = 112
CHUNKS_PER_TILE = 90
SUPER = 6
NSUPER = CHUNKS_PER_TILE // SUPER
PAD_EDGES = CHUNKS_PER_TILE * CHUNK - EDGES_PER_TILE
N_ACC = 10240
STRIPE = N_ACC // NUM_SUBCORES


def _make_sc_aggregate(with_counts: bool):
    mesh = plsc.VectorSubcoreMesh(
        core_axis_name="c", subcore_axis_name="s", num_cores=NUM_CORES)

    out_type = [jax.ShapeDtypeStruct((NUM_CORES, N_ACC, D), jnp.float32)]
    scratch = [
        pltpu.VMEM((2, SUPER, CHUNK), jnp.int32),
        pltpu.VMEM((2, SUPER, CHUNK), jnp.int32),
        pltpu.VMEM((CHUNK, D), jnp.float32),
        pltpu.VMEM((CHUNK, D), jnp.float32),
        pltpu.VMEM((CHUNK, D), jnp.float32),
        pltpu.VMEM_SHARED((N_ACC, D), jnp.float32),
        pltpu.SemaphoreType.DMA,
        pltpu.SemaphoreType.DMA,
        pltpu.SemaphoreType.DMA,
        pltpu.SemaphoreType.DMA,
        pltpu.SemaphoreType.DMA,
        pltpu.SemaphoreType.DMA,
        pltpu.SemaphoreType.DMA,
    ]
    if with_counts:
        out_type.append(jax.ShapeDtypeStruct((NUM_CORES, N_ACC), jnp.float32))
        scratch += [
            pltpu.VMEM((CHUNK,), jnp.float32),
            pltpu.VMEM((128,), jnp.float32),
            pltpu.VMEM_SHARED((N_ACC,), jnp.float32),
        ]

    def body(idx_hbm, x_hbm, *rest):
        if with_counts:
            (psum_out, cnt_out, src_v, dst_v, rows0, rows1, rows2, accum,
             semg0, semg1, semg2, sems0, sems1, sems2, semi,
             ones_v, zbuf_v, cnts) = rest
        else:
            (psum_out, src_v, dst_v, rows0, rows1, rows2, accum,
             semg0, semg1, semg2, sems0, sems1, sems2, semi) = rest
            cnt_out = ones_v = zbuf_v = cnts = None
        rows = (rows0, rows1, rows2)
        semg = (semg0, semg1, semg2)
        sems = (sems0, sems1, sems2)

        c = lax.axis_index("c")
        s = lax.axis_index("s")
        wid = s * NUM_CORES + c

        def zrow(r, carry):
            for i in range(D // 16):
                rows0[r, pl.ds(16 * i, 16)] = jnp.zeros((16,), jnp.float32)
            return carry
        lax.fori_loop(0, CHUNK, zrow, 0)
        nfull = STRIPE // CHUNK
        for i in range(nfull):
            pltpu.sync_copy(
                rows0, accum.at[pl.ds(s * STRIPE + i * CHUNK, CHUNK)])
        rem = STRIPE - nfull * CHUNK
        if rem:
            pltpu.sync_copy(
                rows0.at[pl.ds(0, rem)],
                accum.at[pl.ds(s * STRIPE + nfull * CHUNK, rem)])
        if with_counts:
            for i in range(CHUNK // 16):
                ones_v[pl.ds(16 * i, 16)] = jnp.ones((16,), jnp.float32)
            for i in range(128 // 16):
                zbuf_v[pl.ds(16 * i, 16)] = jnp.zeros((16,), jnp.float32)
            for i in range(STRIPE // 128):
                pltpu.sync_copy(
                    zbuf_v, cnts.at[pl.ds(s * STRIPE + i * 128, 128)])

        soff = wid * NSUPER
        doff = NUM_TILES * NSUPER + wid * NSUPER
        pltpu.sync_copy(idx_hbm.at[soff], src_v.at[0])
        pltpu.sync_copy(idx_hbm.at[doff], dst_v.at[0])

        plsc.subcore_barrier()

        pltpu.async_copy(x_hbm.at[src_v.at[0, 0]], rows0, semg0)
        pltpu.async_copy(x_hbm.at[src_v.at[0, 1]], rows1, semg1)

        def super_body(t, carry):
            slot = lax.rem(t, 2)
            nslot = lax.rem(t + 1, 2)
            not_last = t < NSUPER - 1

            @pl.when(t > 0)
            def _():
                pltpu.make_async_copy(
                    rows[2], accum.at[dst_v.at[0, 0]], sems[2]).wait()

            @pl.when(not_last)
            def _():
                pltpu.async_copy(
                    idx_hbm.at[soff + t + 1], src_v.at[nslot], semi)
                pltpu.async_copy(
                    idx_hbm.at[doff + t + 1], dst_v.at[nslot], semi)

            for k in range(SUPER):
                b = k % 3
                pltpu.make_async_copy(
                    x_hbm.at[src_v.at[slot, k]], rows[b], semg[b]).wait()
                pltpu.async_copy(rows[b], accum.at[dst_v.at[slot, k]],
                                 sems[b], add=True)
                if with_counts:
                    pltpu.sync_copy(ones_v, cnts.at[dst_v.at[slot, k]],
                                    add=True)
                if k == SUPER - 3:
                    @pl.when(not_last)
                    def _():
                        pltpu.make_async_copy(
                            idx_hbm.at[soff + t + 1],
                            src_v.at[nslot], semi).wait()
                        pltpu.make_async_copy(
                            idx_hbm.at[doff + t + 1],
                            dst_v.at[nslot], semi).wait()
                if k >= 1:
                    bp = (k - 1) % 3
                    pltpu.make_async_copy(
                        rows[bp], accum.at[dst_v.at[slot, k - 1]],
                        sems[bp]).wait()
                bn = (k + 2) % 3
                if k < SUPER - 2:
                    pltpu.async_copy(
                        x_hbm.at[src_v.at[slot, k + 2]], rows[bn], semg[bn])
                else:
                    @pl.when(not_last)
                    def _():
                        pltpu.async_copy(
                            x_hbm.at[src_v.at[nslot, k - (SUPER - 2)]],
                            rows[bn], semg[bn])
            return carry

        lax.fori_loop(0, NSUPER, super_body, 0)
        pltpu.make_async_copy(
            rows[2], accum.at[dst_v.at[0, 0]], sems[2]).wait()

        plsc.subcore_barrier()

        pltpu.sync_copy(accum.at[pl.ds(s * STRIPE, STRIPE)],
                        psum_out.at[c, pl.ds(s * STRIPE, STRIPE)])
        if with_counts:
            pltpu.sync_copy(cnts.at[pl.ds(s * STRIPE, STRIPE)],
                            cnt_out.at[c, pl.ds(s * STRIPE, STRIPE)])

    return pl.kernel(body, out_type=out_type, mesh=mesh,
                     scratch_types=scratch)


_agg_with_counts = _make_sc_aggregate(True)
_agg_no_counts = _make_sc_aggregate(False)


def _tc_xr_body(xref, wrref, bref, oref):
    oref[...] = (jnp.dot(xref[...], wrref[...],
                         preferred_element_type=jnp.float32)
                 + bref[...][None, :])


def _tc_xr(x, wr, b):
    R = 2000
    return pl.pallas_call(
        _tc_xr_body,
        grid=(N_NODES // R,),
        in_specs=[
            pl.BlockSpec((R, D), lambda j: (j, 0)),
            pl.BlockSpec((D, D), lambda j: (0, 0)),
            pl.BlockSpec((D,), lambda j: (0,)),
        ],
        out_specs=pl.BlockSpec((R, D), lambda j: (j, 0)),
        out_shape=jax.ShapeDtypeStruct((N_NODES, D), jnp.float32),
    )(x, wr, b)


def _tc_combine_body(relu, pref, cref, xrref, wlref, oref):
    csum = cref[0] + cref[1]
    inv = 1.0 / jnp.maximum(csum, 1.0)
    mean = (pref[0] + pref[1]) * inv
    y = (jnp.dot(mean, wlref[...], preferred_element_type=jnp.float32)
         + xrref[...])
    oref[...] = jnp.maximum(y, 0.0) if relu else y


def _tc_combine(psum, cnt, xr, wl, relu):
    R = 2000
    return pl.pallas_call(
        functools.partial(_tc_combine_body, relu),
        grid=(N_NODES // R,),
        in_specs=[
            pl.BlockSpec((NUM_CORES, R, D), lambda j: (0, j, 0)),
            pl.BlockSpec((NUM_CORES, R, 1), lambda j: (0, j, 0)),
            pl.BlockSpec((R, D), lambda j: (j, 0)),
            pl.BlockSpec((D, D), lambda j: (0, 0)),
        ],
        out_specs=pl.BlockSpec((R, D), lambda j: (j, 0)),
        out_shape=jax.ShapeDtypeStruct((N_NODES, D), jnp.float32),
    )(psum, cnt, xr, wl)


def _pad_idx(prop_edge_index):
    pad_ar = jnp.broadcast_to(
        jnp.arange(PAD_EDGES, dtype=jnp.int32)[None, None],
        (2, NUM_TILES, PAD_EDGES))
    pad = jnp.where(jnp.arange(2, dtype=jnp.int32)[:, None, None] == 0,
                    pad_ar % 16, N_NODES + pad_ar)
    e3 = prop_edge_index.reshape(2, NUM_TILES, EDGES_PER_TILE)
    out = jnp.concatenate([e3, pad], axis=2)
    return out.reshape(2 * NUM_TILES * NSUPER, SUPER, CHUNK)


def kernel(prop_edge_index, emb, Wl1, Wr1, b1, Wl2, Wr2, b2):
    idx_p = _pad_idx(prop_edge_index)

    xr1 = _tc_xr(emb, Wr1, b1)
    psum1, cnt = _agg_with_counts(idx_p, emb)
    cnt3 = cnt.reshape(NUM_CORES, N_ACC, 1)
    h1 = _tc_combine(psum1, cnt3, xr1, Wl1, relu=True)
    xr2 = _tc_xr(h1, Wr2, b2)
    (psum2,) = _agg_no_counts(idx_p, h1)
    return _tc_combine(psum2, cnt3, xr2, Wl2, relu=False)

# --- scband reference (transcript-rebuilt; emitter-appended) ---
"""Pipeline reference for scband-sageencoder-37726992728723 (READ-ONLY COPY).

The authoritative reference and input builder live on the scoring server;
editing this copy changes nothing except your own understanding.
"""

import jax, jax.numpy as jnp
import numpy as np

N_NODES = 10000
N_EDGES = 320000
D_EMBED = 128
D_HIDDEN = 128


def _glorot(key, shape):
    scale = 1.0 / np.sqrt(shape[0])
    return jax.random.uniform(key, shape, jnp.float32, -scale, scale)


def setup_inputs(seed: int = 0):
    key = jax.random.key(seed)
    ks = jax.random.split(key, 8)
    prop_edge_index = jax.random.randint(ks[0], (2, N_EDGES), 0, N_NODES, dtype=jnp.int32)
    emb = jax.random.normal(ks[1], (N_NODES, D_EMBED), jnp.float32)
    Wl1 = _glorot(ks[2], (D_EMBED, D_HIDDEN))
    Wr1 = _glorot(ks[3], (D_EMBED, D_HIDDEN))
    b1 = jnp.zeros((D_HIDDEN,), jnp.float32)
    Wl2 = _glorot(ks[4], (D_HIDDEN, D_HIDDEN))
    Wr2 = _glorot(ks[5], (D_HIDDEN, D_HIDDEN))
    b2 = jnp.zeros((D_HIDDEN,), jnp.float32)
    return {
        "prop_edge_index": prop_edge_index,
        "emb": emb,
        "Wl1": Wl1, "Wr1": Wr1, "b1": b1,
        "Wl2": Wl2, "Wr2": Wr2, "b2": b2,
    }


def _sage_conv(x, edge_index, Wl, Wr, b):
    # PyG SAGEConv: mean aggregation of source-node messages at destinations,
    # then out = lin_l(mean_aggr) + lin_r(x) (bias in lin_l only).
    src = edge_index[0]
    dst = edge_index[1]
    msgs = jnp.take(x, src, axis=0)
    summed = jax.ops.segment_sum(msgs, dst, num_segments=x.shape[0])
    counts = jax.ops.segment_sum(jnp.ones((edge_index.shape[1],), x.dtype), dst, num_segments=x.shape[0])
    mean = summed / jnp.maximum(counts, 1.0)[:, None]
    return mean @ Wl + x @ Wr + b


def reference(prop_edge_index, emb, Wl1, Wr1, b1, Wl2, Wr2, b2):
    # x = embedding.weight  (the whole table is the node-feature matrix)
    x = _sage_conv(emb, prop_edge_index, Wl1, Wr1, b1)
    x = jax.nn.relu(x)
    # F.dropout with args.training=False -> identity
    x = _sage_conv(x, prop_edge_index, Wl2, Wr2, b2)
    return x

if __name__ == "__main__":
    import jax
    _d = setup_inputs()
    print(jax.jit(kernel)(*tuple(_d.values())))

</pallas_src>

<mosaic_0001>
#map = affine_map<(d0, d1) -> (0, 0, 0)>
#map1 = affine_map<(d0, d1) -> (0, 0)>
module attributes {stable_mosaic.version = 14 : i64} {
  func.func @body(%arg0: i32, %arg1: i32, %arg2: memref<960x6x112xi32, #tpu.memory_space<hbm>>, %arg3: memref<10000x128xf32, #tpu.memory_space<hbm>>, %arg4: memref<2x10240x128xf32, #tpu.memory_space<hbm>>, %arg5: memref<2x6x112xi32, #tpu.memory_space<vmem>>, %arg6: memref<2x6x112xi32, #tpu.memory_space<vmem>>, %arg7: memref<112x128xf32, #tpu.memory_space<vmem>>, %arg8: memref<112x128xf32, #tpu.memory_space<vmem>>, %arg9: memref<112x128xf32, #tpu.memory_space<vmem>>, %arg10: memref<10240x128xf32, #tpu.memory_space<vmem_shared>>, %arg11: memref<!tpu.dma_semaphore, #tpu.memory_space<semaphore_mem>>, %arg12: memref<!tpu.dma_semaphore, #tpu.memory_space<semaphore_mem>>, %arg13: memref<!tpu.dma_semaphore, #tpu.memory_space<semaphore_mem>>, %arg14: memref<!tpu.dma_semaphore, #tpu.memory_space<semaphore_mem>>, %arg15: memref<!tpu.dma_semaphore, #tpu.memory_space<semaphore_mem>>, %arg16: memref<!tpu.dma_semaphore, #tpu.memory_space<semaphore_mem>>, %arg17: memref<!tpu.dma_semaphore, #tpu.memory_space<semaphore_mem>>) attributes {dimension_semantics = [#tpu.dimension_semantics<core_parallel>, #tpu.dimension_semantics<subcore_parallel>], iteration_bounds = array<i64: 2, 16>, scalar_prefetch = 0 : i64, scratch_operands = 13 : i64, tpu.core_type = #tpu.core_type<sc_vector_subcore>, window_params = [{transform_indices = #map}, {transform_indices = #map1}, {transform_indices = #map}]} {
    %mul3A = arith.constant 2 : i32
    %mul3A_0 = arith.muli %arg1, %mul3A : i32
    %add3A = arith.addi %mul3A_0, %arg0 : i32
    %scan3A = arith.constant 0 : i32
    %scan3A_1 = arith.constant 0 : i32
    %scan3A_2 = arith.constant 112 : i32
    %scan3A_3 = arith.addi %scan3A_1, %scan3A_2 : i32
    %scan3A_4 = arith.constant 1 : i32
    scf.for %scan3A_70 = %scan3A_1 to %scan3A_3 step %scan3A_4  : i32 {
      %broadcast_in_dim3A = arith.constant 0.000000e+00 : f32
      %broadcast_in_dim3A_71 = vector.broadcast %broadcast_in_dim3A : f32 to vector<16xf32>
      %swap3A = arith.index_cast %scan3A_70 : i32 to index
      %swap3A_72 = arith.constant 0 : index
      %swap3A_73 = tpu.vector_load %arg7[%swap3A, %swap3A_72] {strides = array<i32>} : memref<112x128xf32, #tpu.memory_space<vmem>>, vector<1x16xf32>,
      %swap3A_74 = vector.shape_cast %swap3A_73 : vector<1x16xf32> to vector<16xf32>
      %swap3A_75 = vector.shape_cast %broadcast_in_dim3A_71 : vector<16xf32> to vector<1x16xf32>
      tpu.vector_store %arg7[%swap3A, %swap3A_72], %swap3A_75 {strides = array<i32>} : memref<112x128xf32, #tpu.memory_space<vmem>>, vector<1x16xf32>,
      %broadcast_in_dim3A_76 = arith.constant 0.000000e+00 : f32
      %broadcast_in_dim3A_77 = vector.broadcast %broadcast_in_dim3A_76 : f32 to vector<16xf32>
      %swap3A_78 = arith.index_cast %scan3A_70 : i32 to index
      %swap3A_79 = arith.constant 16 : index
      %swap3A_80 = tpu.vector_load %arg7[%swap3A_78, %swap3A_79] {strides = array<i32>} : memref<112x128xf32, #tpu.memory_space<vmem>>, vector<1x16xf32>,
      %swap3A_81 = vector.shape_cast %swap3A_80 : vector<1x16xf32> to vector<16xf32>
      %swap3A_82 = vector.shape_cast %broadcast_in_dim3A_77 : vector<16xf32> to vector<1x16xf32>
      tpu.vector_store %arg7[%swap3A_78, %swap3A_79], %swap3A_82 {strides = array<i32>} : memref<112x128xf32, #tpu.memory_space<vmem>>, vector<1x16xf32>,
      %broadcast_in_dim3A_83 = arith.constant 0.000000e+00 : f32
      %broadcast_in_dim3A_84 = vector.broadcast %broadcast_in_dim3A_83 : f32 to vector<16xf32>
      %swap3A_85 = arith.index_cast %scan3A_70 : i32 to index
      %swap3A_86 = arith.constant 32 : index
      %swap3A_87 = tpu.vector_load %arg7[%swap3A_85, %swap3A_86] {strides = array<i32>} : memref<112x128xf32, #tpu.memory_space<vmem>>, vector<1x16xf32>,
      %swap3A_88 = vector.shape_cast %swap3A_87 : vector<1x16xf32> to vector<16xf32>
      %swap3A_89 = vector.shape_cast %broadcast_in_dim3A_84 : vector<16xf32> to vector<1x16xf32>
      tpu.vector_store %arg7[%swap3A_85, %swap3A_86], %swap3A_89 {strides = array<i32>} : memref<112x128xf32, #tpu.memory_space<vmem>>, vector<1x16xf32>,
      %broadcast_in_dim3A_90 = arith.constant 0.000000e+00 : f32
      %broadcast_in_dim3A_91 = vector.broadcast %broadcast_in_dim3A_90 : f32 to vector<16xf32>
      %swap3A_92 = arith.index_cast %scan3A_70 : i32 to index
      %swap3A_93 = arith.constant 48 : index
      %swap3A_94 = tpu.vector_load %arg7[%swap3A_92, %swap3A_93] {strides = array<i32>} : memref<112x128xf32, #tpu.memory_space<vmem>>, vector<1x16xf32>,
      %swap3A_95 = vector.shape_cast %swap3A_94 : vector<1x16xf32> to vector<16xf32>
      %swap3A_96 = vector.shape_cast %broadcast_in_dim3A_91 : vector<16xf32> to vector<1x16xf32>
      tpu.vector_store %arg7[%swap3A_92, %swap3A_93], %swap3A_96 {strides = array<i32>} : memref<112x128xf32, #tpu.memory_space<vmem>>, vector<1x16xf32>,
      %broadcast_in_dim3A_97 = arith.constant 0.000000e+00 : f32
      %broadcast_in_dim3A_98 = vector.broadcast %broadcast_in_dim3A_97 : f32 to vector<16xf32>
      %swap3A_99 = arith.index_cast %scan3A_70 : i32 to index
      %swap3A_100 = arith.constant 64 : index
      %swap3A_101 = tpu.vector_load %arg7[%swap3A_99, %swap3A_100] {strides = array<i32>} : memref<112x128xf32, #tpu.memory_space<vmem>>, vector<1x16xf32>,
      %swap3A_102 = vector.shape_cast %swap3A_101 : vector<1x16xf32> to vector<16xf32>
      %swap3A_103 = vector.shape_cast %broadcast_in_dim3A_98 : vector<16xf32> to vector<1x16xf32>
      tpu.vector_store %arg7[%swap3A_99, %swap3A_100], %swap3A_103 {strides = array<i32>} : memref<112x128xf32, #tpu.memory_space<vmem>>, vector<1x16xf32>,
      %broadcast_in_dim3A_104 = arith.constant 0.000000e+00 : f32
      %broadcast_in_dim3A_105 = vector.broadcast %broadcast_in_dim3A_104 : f32 to vector<16xf32>
      %swap3A_106 = arith.index_cast %scan3A_70 : i32 to index
      %swap3A_107 = arith.constant 80 : index
      %swap3A_108 = tpu.vector_load %arg7[%swap3A_106, %swap3A_107] {strides = array<i32>} : memref<112x128xf32, #tpu.memory_space<vmem>>, vector<1x16xf32>,
      %swap3A_109 = vector.shape_cast %swap3A_108 : vector<1x16xf32> to vector<16xf32>
      %swap3A_110 = vector.shape_cast %broadcast_in_dim3A_105 : vector<16xf32> to vector<1x16xf32>
      tpu.vector_store %arg7[%swap3A_106, %swap3A_107], %swap3A_110 {strides = array<i32>} : memref<112x128xf32, #tpu.memory_space<vmem>>, vector<1x16xf32>,
      %broadcast_in_dim3A_111 = arith.constant 0.000000e+00 : f32
      %broadcast_in_dim3A_112 = vector.broadcast %broadcast_in_dim3A_111 : f32 to vector<16xf32>
      %swap3A_113 = arith.index_cast %scan3A_70 : i32 to index
      %swap3A_114 = arith.constant 96 : index
      %swap3A_115 = tpu.vector_load %arg7[%swap3A_113, %swap3A_114] {strides = array<i32>} : memref<112x128xf32, #tpu.memory_space<vmem>>, vector<1x16xf32>,
      %swap3A_116 = vector.shape_cast %swap3A_115 : vector<1x16xf32> to vector<16xf32>
      %swap3A_117 = vector.shape_cast %broadcast_in_dim3A_112 : vector<16xf32> to vector<1x16xf32>
      tpu.vector_store %arg7[%swap3A_113, %swap3A_114], %swap3A_117 {strides = array<i32>} : memref<112x128xf32, #tpu.memory_space<vmem>>, vector<1x16xf32>,
      %broadcast_in_dim3A_118 = arith.constant 0.000000e+00 : f32
      %broadcast_in_dim3A_119 = vector.broadcast %broadcast_in_dim3A_118 : f32 to vector<16xf32>
      %swap3A_120 = arith.index_cast %scan3A_70 : i32 to index
      %swap3A_121 = arith.constant 112 : index
      %swap3A_122 = tpu.vector_load %arg7[%swap3A_120, %swap3A_121] {strides = array<i32>} : memref<112x128xf32, #tpu.memory_space<vmem>>, vector<1x16xf32>,
      %swap3A_123 = vector.shape_cast %swap3A_122 : vector<1x16xf32> to vector<16xf32>
      %swap3A_124 = vector.shape_cast %broadcast_in_dim3A_119 : vector<16xf32> to vector<1x16xf32>
      tpu.vector_store %arg7[%swap3A_120, %swap3A_121], %swap3A_124 {strides = array<i32>} : memref<112x128xf32, #tpu.memory_space<vmem>>, vector<1x16xf32>,
    }
    %scan3A_5 = arith.constant 112 : i32
    %mul3A_6 = arith.constant 640 : i32
    %mul3A_7 = arith.muli %arg1, %mul3A_6 : i32
    %add3A_8 = arith.constant 0 : i32
    %add3A_9 = arith.addi %mul3A_7, %add3A_8 : i32
    "tpu.region"() ({
      %run_scoped3A_70 = tpu.sem_alloc : memref<!tpu.dma_semaphore, #tpu.memory_space<semaphore_mem>>
      %dma_start3A_71 = arith.constant 0 : i32
      %dma_start3A_72 = tpu.memref_slice %arg10[%add3A_9, %dma_start3A_71] : memref<10240x128xf32, #tpu.memory_space<vmem_shared>> -> memref<112x128xf32, #tpu.memory_space<vmem_shared>>
      %dma_start3A_73 = arith.constant 0 : i32
      %dma_start3A_74 = tpu.memref_slice %arg10[%add3A_9, %dma_start3A_73] : memref<10240x128xf32, #tpu.memory_space<vmem_shared>> -> memref<112x128xf32, #tpu.memory_space<vmem_shared>>
      tpu.enqueue_dma source(%arg7 : memref<112x128xf32, #tpu.memory_space<vmem>>) target(%dma_start3A_74 : memref<112x128xf32, #tpu.memory_space<vmem_shared>>) target_semaphore(%run_scoped3A_70 : memref<!tpu.dma_semaphore, #tpu.memory_space<semaphore_mem>>)
      %dma_wait3A_75 = arith.constant 0 : i32
      %dma_wait3A_76 = tpu.memref_slice %arg10[%add3A_9, %dma_wait3A_75] : memref<10240x128xf32, #tpu.memory_space<vmem_shared>> -> memref<112x128xf32, #tpu.memory_space<vmem_shared>>
      %dma_wait3A_77 = arith.constant 0 : i32
      %dma_wait3A_78 = tpu.memref_slice %arg10[%add3A_9, %dma_wait3A_77] : memref<10240x128xf32, #tpu.memory_space<vmem_shared>> -> memref<112x128xf32, #tpu.memory_space<vmem_shared>>
      tpu.wait_dma2 semaphore(%run_scoped3A_70 : memref<!tpu.dma_semaphore, #tpu.memory_space<semaphore_mem>>) src(%arg7 : memref<112x128xf32, #tpu.memory_space<vmem>>) dst(%dma_wait3A_78 : memref<112x128xf32, #tpu.memory_space<vmem_shared>>)
      tpu.yield
    }) : () -> ()
    %mul3A_10 = arith.constant 640 : i32
    %mul3A_11 = arith.muli %arg1, %mul3A_10 : i32
    %add3A_12 = arith.constant 112 : i32
    %add3A_13 = arith.addi %mul3A_11, %add3A_12 : i32
    "tpu.region"() ({
      %run_scoped3A_70 = tpu.sem_alloc : memref<!tpu.dma_semaphore, #tpu.memory_space<semaphore_mem>>
      %dma_start3A_71 = arith.constant 0 : i32
      %dma_start3A_72 = tpu.memref_slice %arg10[%add3A_13, %dma_start3A_71] : memref<10240x128xf32, #tpu.memory_space<vmem_shared>> -> memref<112x128xf32, #tpu.memory_space<vmem_shared>>
      %dma_start3A_73 = arith.constant 0 : i32
      %dma_start3A_74 = tpu.memref_slice %arg10[%add3A_13, %dma_start3A_73] : memref<10240x128xf32, #tpu.memory_space<vmem_shared>> -> memref<112x128xf32, #tpu.memory_space<vmem_shared>>
      tpu.enqueue_dma source(%arg7 : memref<112x128xf32, #tpu.memory_space<vmem>>) target(%dma_start3A_74 : memref<112x128xf32, #tpu.memory_space<vmem_shared>>) target_semaphore(%run_scoped3A_70 : memref<!tpu.dma_semaphore, #tpu.memory_space<semaphore_mem>>)
      %dma_wait3A_75 = arith.constant 0 : i32
      %dma_wait3A_76 = tpu.memref_slice %arg10[%add3A_13, %dma_wait3A_75] : memref<10240x128xf32, #tpu.memory_space<vmem_shared>> -> memref<112x128xf32, #tpu.memory_space<vmem_shared>>
      %dma_wait3A_77 = arith.constant 0 : i32
      %dma_wait3A_78 = tpu.memref_slice %arg10[%add3A_13, %dma_wait3A_77] : memref<10240x128xf32, #tpu.memory_space<vmem_shared>> -> memref<112x128xf32, #tpu.memory_space<vmem_shared>>
      tpu.wait_dma2 semaphore(%run_scoped3A_70 : memref<!tpu.dma_semaphore, #tpu.memory_space<semaphore_mem>>) src(%arg7 : memref<112x128xf32, #tpu.memory_space<vmem>>) dst(%dma_wait3A_78 : memref<112x128xf32, #tpu.memory_space<vmem_shared>>)
      tpu.yield
    }) : () -> ()
    %mul3A_14 = arith.constant 640 : i32
    %mul3A_15 = arith.muli %arg1, %mul3A_14 : i32
    %add3A_16 = arith.constant 224 : i32
    %add3A_17 = arith.addi %mul3A_15, %add3A_16 : i32
    "tpu.region"() ({
      %run_scoped3A_70 = tpu.sem_alloc : memref<!tpu.dma_semaphore, #tpu.memory_space<semaphore_mem>>
      %dma_start3A_71 = arith.constant 0 : i32
      %dma_start3A_72 = tpu.memref_slice %arg10[%add3A_17, %dma_start3A_71] : memref<10240x128xf32, #tpu.memory_space<vmem_shared>> -> memref<112x128xf32, #tpu.memory_space<vmem_shared>>
      %dma_start3A_73 = arith.constant 0 : i32
      %dma_start3A_74 = tpu.memref_slice %arg10[%add3A_17, %dma_start3A_73] : memref<10240x128xf32, #tpu.memory_space<vmem_shared>> -> memref<112x128xf32, #tpu.memory_space<vmem_shared>>
      tpu.enqueue_dma source(%arg7 : memref<112x128xf32, #tpu.memory_space<vmem>>) target(%dma_start3A_74 : memref<112x128xf32, #tpu.memory_space<vmem_shared>>) target_semaphore(%run_scoped3A_70 : memref<!tpu.dma_semaphore, #tpu.memory_space<semaphore_mem>>)
      %dma_wait3A_75 = arith.constant 0 : i32
      %dma_wait3A_76 = tpu.memref_slice %arg10[%add3A_17, %dma_wait3A_75] : memref<10240x128xf32, #tpu.memory_space<vmem_shared>> -> memref<112x128xf32, #tpu.memory_space<vmem_shared>>
      %dma_wait3A_77 = arith.constant 0 : i32
      %dma_wait3A_78 = tpu.memref_slice %arg10[%add3A_17, %dma_wait3A_77] : memref<10240x128xf32, #tpu.memory_space<vmem_shared>> -> memref<112x128xf32, #tpu.memory_space<vmem_shared>>
      tpu.wait_dma2 semaphore(%run_scoped3A_70 : memref<!tpu.dma_semaphore, #tpu.memory_space<semaphore_mem>>) src(%arg7 : memref<112x128xf32, #tpu.memory_space<vmem>>) dst(%dma_wait3A_78 : memref<112x128xf32, #tpu.memory_space<vmem_shared>>)
      tpu.yield
    }) : () -> ()
    %mul3A_18 = arith.constant 640 : i32
    %mul3A_19 = arith.muli %arg1, %mul3A_18 : i32
    %add3A_20 = arith.constant 336 : i32
    %add3A_21 = arith.addi %mul3A_19, %add3A_20 : i32
    "tpu.region"() ({
      %run_scoped3A_70 = tpu.sem_alloc : memref<!tpu.dma_semaphore, #tpu.memory_space<semaphore_mem>>
      %dma_start3A_71 = arith.constant 0 : i32
      %dma_start3A_72 = tpu.memref_slice %arg10[%add3A_21, %dma_start3A_71] : memref<10240x128xf32, #tpu.memory_space<vmem_shared>> -> memref<112x128xf32, #tpu.memory_space<vmem_shared>>
      %dma_start3A_73 = arith.constant 0 : i32
      %dma_start3A_74 = tpu.memref_slice %arg10[%add3A_21, %dma_start3A_73] : memref<10240x128xf32, #tpu.memory_space<vmem_shared>> -> memref<112x128xf32, #tpu.memory_space<vmem_shared>>
      tpu.enqueue_dma source(%arg7 : memref<112x128xf32, #tpu.memory_space<vmem>>) target(%dma_start3A_74 : memref<112x128xf32, #tpu.memory_space<vmem_shared>>) target_semaphore(%run_scoped3A_70 : memref<!tpu.dma_semaphore, #tpu.memory_space<semaphore_mem>>)
      %dma_wait3A_75 = arith.constant 0 : i32
      %dma_wait3A_76 = tpu.memref_slice %arg10[%add3A_21, %dma_wait3A_75] : memref<10240x128xf32, #tpu.memory_space<vmem_shared>> -> memref<112x128xf32, #tpu.memory_space<vmem_shared>>
      %dma_wait3A_77 = arith.constant 0 : i32
      %dma_wait3A_78 = tpu.memref_slice %arg10[%add3A_21, %dma_wait3A_77] : memref<10240x128xf32, #tpu.memory_space<vmem_shared>> -> memref<112x128xf32, #tpu.memory_space<vmem_shared>>
      tpu.wait_dma2 semaphore(%run_scoped3A_70 : memref<!tpu.dma_semaphore, #tpu.memory_space<semaphore_mem>>) src(%arg7 : memref<112x128xf32, #tpu.memory_space<vmem>>) dst(%dma_wait3A_78 : memref<112x128xf32, #tpu.memory_space<vmem_shared>>)
      tpu.yield
    }) : () -> ()
    %mul3A_22 = arith.constant 640 : i32
    %mul3A_23 = arith.muli %arg1, %mul3A_22 : i32
    %add3A_24 = arith.constant 448 : i32
    %add3A_25 = arith.addi %mul3A_23, %add3A_24 : i32
    "tpu.region"() ({
      %run_scoped3A_70 = tpu.sem_alloc : memref<!tpu.dma_semaphore, #tpu.memory_space<semaphore_mem>>
      %dma_start3A_71 = arith.constant 0 : i32
      %dma_start3A_72 = tpu.memref_slice %arg10[%add3A_25, %dma_start3A_71] : memref<10240x128xf32, #tpu.memory_space<vmem_shared>> -> memref<112x128xf32, #tpu.memory_space<vmem_shared>>
      %dma_start3A_73 = arith.constant 0 : i32
      %dma_start3A_74 = tpu.memref_slice %arg10[%add3A_25, %dma_start3A_73] : memref<10240x128xf32, #tpu.memory_space<vmem_shared>> -> memref<112x128xf32, #tpu.memory_space<vmem_shared>>
      tpu.enqueue_dma source(%arg7 : memref<112x128xf32, #tpu.memory_space<vmem>>) target(%dma_start3A_74 : memref<112x128xf32, #tpu.memory_space<vmem_shared>>) target_semaphore(%run_scoped3A_70 : memref<!tpu.dma_semaphore, #tpu.memory_space<semaphore_mem>>)
      %dma_wait3A_75 = arith.constant 0 : i32
      %dma_wait3A_76 = tpu.memref_slice %arg10[%add3A_25, %dma_wait3A_75] : memref<10240x128xf32, #tpu.memory_space<vmem_shared>> -> memref<112x128xf32, #tpu.memory_space<vmem_shared>>
      %dma_wait3A_77 = arith.constant 0 : i32
      %dma_wait3A_78 = tpu.memref_slice %arg10[%add3A_25, %dma_wait3A_77] : memref<10240x128xf32, #tpu.memory_space<vmem_shared>> -> memref<112x128xf32, #tpu.memory_space<vmem_shared>>
      tpu.wait_dma2 semaphore(%run_scoped3A_70 : memref<!tpu.dma_semaphore, #tpu.memory_space<semaphore_mem>>) src(%arg7 : memref<112x128xf32, #tpu.memory_space<vmem>>) dst(%dma_wait3A_78 : memref<112x128xf32, #tpu.memory_space<vmem_shared>>)
      tpu.yield
    }) : () -> ()
    %mul3A_26 = arith.constant 640 : i32
    %mul3A_27 = arith.muli %arg1, %mul3A_26 : i32
    %add3A_28 = arith.constant 560 : i32
    %add3A_29 = arith.addi %mul3A_27, %add3A_28 : i32
    "tpu.region"() ({
      %run_scoped3A_70 = tpu.sem_alloc : memref<!tpu.dma_semaphore, #tpu.memory_space<semaphore_mem>>
      %dma_start3A_71 = arith.constant 0 : i32
      %dma_start3A_72 = arith.constant 0 : i32
      %dma_start3A_73 = tpu.memref_slice %arg7[%dma_start3A_71, %dma_start3A_72] : memref<112x128xf32, #tpu.memory_space<vmem>> -> memref<80x128xf32, #tpu.memory_space<vmem>>
      %dma_start3A_74 = arith.constant 0 : i32
      %dma_start3A_75 = tpu.memref_slice %arg10[%add3A_29, %dma_start3A_74] : memref<10240x128xf32, #tpu.memory_space<vmem_shared>> -> memref<80x128xf32, #tpu.memory_space<vmem_shared>>
      %dma_start3A_76 = arith.constant 0 : i32
      %dma_start3A_77 = tpu.memref_slice %arg10[%add3A_29, %dma_start3A_76] : memref<10240x128xf32, #tpu.memory_space<vmem_shared>> -> memref<80x128xf32, #tpu.memory_space<vmem_shared>>
      %dma_start3A_78 = arith.constant 0 : i32
      %dma_start3A_79 = arith.constant 0 : i32
      %dma_start3A_80 = tpu.memref_slice %arg7[%dma_start3A_78, %dma_start3A_79] : memref<112x128xf32, #tpu.memory_space<vmem>> -> memref<80x128xf32, #tpu.memory_space<vmem>>
      tpu.enqueue_dma source(%dma_start3A_80 : memref<80x128xf32, #tpu.memory_space<vmem>>) target(%dma_start3A_77 : memref<80x128xf32, #tpu.memory_space<vmem_shared>>) target_semaphore(%run_scoped3A_70 : memref<!tpu.dma_semaphore, #tpu.memory_space<semaphore_mem>>)
      %dma_wait3A_81 = arith.constant 0 : i32
      %dma_wait3A_82 = arith.constant 0 : i32
      %dma_wait3A_83 = tpu.memref_slice %arg7[%dma_wait3A_81, %dma_wait3A_82] : memref<112x128xf32, #tpu.memory_space<vmem>> -> memref<80x128xf32, #tpu.memory_space<vmem>>
      %dma_wait3A_84 = arith.constant 0 : i32
      %dma_wait3A_85 = tpu.memref_slice %arg10[%add3A_29, %dma_wait3A_84] : memref<10240x128xf32, #tpu.memory_space<vmem_shared>> -> memref<80x128xf32, #tpu.memory_space<vmem_shared>>
      %dma_wait3A_86 = arith.constant 0 : i32
      %dma_wait3A_87 = tpu.memref_slice %arg10[%add3A_29, %dma_wait3A_86] : memref<10240x128xf32, #tpu.memory_space<vmem_shared>> -> memref<80x128xf32, #tpu.memory_space<vmem_shared>>
      %dma_wait3A_88 = arith.constant 0 : i32
      %dma_wait3A_89 = arith.constant 0 : i32
      %dma_wait3A_90 = tpu.memref_slice %arg7[%dma_wait3A_88, %dma_wait3A_89] : memref<112x128xf32, #tpu.memory_space<vmem>> -> memref<80x128xf32, #tpu.memory_space<vmem>>
      tpu.wait_dma2 semaphore(%run_scoped3A_70 : memref<!tpu.dma_semaphore, #tpu.memory_space<semaphore_mem>>) src(%dma_wait3A_90 : memref<80x128xf32, #tpu.memory_space<vmem>>) dst(%dma_wait3A_87 : memref<80x128xf32, #tpu.memory_space<vmem_shared>>)
      tpu.yield
    }) : () -> ()
    %mul3A_30 = arith.constant 15 : i32
    %mul3A_31 = arith.muli %add3A, %mul3A_30 : i32
    %mul3A_32 = arith.constant 15 : i32
    %mul3A_33 = arith.muli %add3A, %mul3A_32 : i32
    %add3A_34 = arith.constant 480 : i32
    %add3A_35 = arith.addi %add3A_34, %mul3A_33 : i32
    %run_scoped3A = arith.constant 0 : i32
    "tpu.region"() ({
      %run_scoped3A_70 = tpu.sem_alloc : memref<!tpu.dma_semaphore, #tpu.memory_space<semaphore_mem>>
      %dma_start3A_71 = arith.constant 0 : i32
      %dma_start3A_72 = arith.constant 0 : i32
      %dma_start3A_73 = tpu.memref_slice %arg5[%run_scoped3A, %dma_start3A_71, %dma_start3A_72] : memref<2x6x112xi32, #tpu.memory_space<vmem>> -> memref<1x6x112xi32, #tpu.memory_space<vmem>>
      %dma_start3A_74 = tpu.memref_squeeze %dma_start3A_73 : memref<1x6x112xi32, #tpu.memory_space<vmem>> -> memref<6x112xi32, #tpu.memory_space<vmem>>
      %dma_start3A_75 = arith.constant 0 : i32
      %dma_start3A_76 = arith.constant 0 : i32
      %dma_start3A_77 = tpu.memref_slice %arg2[%mul3A_31, %dma_start3A_75, %dma_start3A_76] : memref<960x6x112xi32, #tpu.memory_space<hbm>> -> memref<1x6x112xi32, #tpu.memory_space<hbm>>
      %dma_start3A_78 = tpu.memref_squeeze %dma_start3A_77 : memref<1x6x112xi32, #tpu.memory_space<hbm>> -> memref<6x112xi32, #tpu.memory_space<hbm>>
      %dma_start3A_79 = arith.constant 0 : i32
      %dma_start3A_80 = arith.constant 0 : i32
      %dma_start3A_81 = tpu.memref_slice %arg5[%run_scoped3A, %dma_start3A_79, %dma_start3A_80] : memref<2x6x112xi32, #tpu.memory_space<vmem>> -> memref<1x6x112xi32, #tpu.memory_space<vmem>>
      %dma_start3A_82 = tpu.memref_squeeze %dma_start3A_81 : memref<1x6x112xi32, #tpu.memory_space<vmem>> -> memref<6x112xi32, #tpu.memory_space<vmem>>
      %dma_start3A_83 = arith.constant 0 : i32
      %dma_start3A_84 = arith.constant 0 : i32
      %dma_start3A_85 = tpu.memref_slice %arg2[%mul3A_31, %dma_start3A_83, %dma_start3A_84] : memref<960x6x112xi32, #tpu.memory_space<hbm>> -> memref<1x6x112xi32, #tpu.memory_space<hbm>>
      %dma_start3A_86 = tpu.memref_squeeze %dma_start3A_85 : memref<1x6x112xi32, #tpu.memory_space<hbm>> -> memref<6x112xi32, #tpu.memory_space<hbm>>
      tpu.enqueue_dma source(%dma_start3A_86 : memref<6x112xi32, #tpu.memory_space<hbm>>) target(%dma_start3A_82 : memref<6x112xi32, #tpu.memory_space<vmem>>) target_semaphore(%run_scoped3A_70 : memref<!tpu.dma_semaphore, #tpu.memory_space<semaphore_mem>>)
      %dma_wait3A_87 = arith.constant 0 : i32
      %dma_wait3A_88 = arith.constant 0 : i32
      %dma_wait3A_89 = tpu.memref_slice %arg5[%run_scoped3A, %dma_wait3A_87, %dma_wait3A_88] : memref<2x6x112xi32, #tpu.memory_space<vmem>> -> memref<1x6x112xi32, #tpu.memory_space<vmem>>
      %dma_wait3A_90 = tpu.memref_squeeze %dma_wait3A_89 : memref<1x6x112xi32, #tpu.memory_space<vmem>> -> memref<6x112xi32, #tpu.memory_space<vmem>>
      %dma_wait3A_91 = arith.constant 0 : i32
      %dma_wait3A_92 = arith.constant 0 : i32
      %dma_wait3A_93 = tpu.memref_slice %arg2[%mul3A_31, %dma_wait3A_91, %dma_wait3A_92] : memref<960x6x112xi32, #tpu.memory_space<hbm>> -> memref<1x6x112xi32, #tpu.memory_space<hbm>>
      %dma_wait3A_94 = tpu.memref_squeeze %dma_wait3A_93 : memref<1x6x112xi32, #tpu.memory_space<hbm>> -> memref<6x112xi32, #tpu.memory_space<hbm>>
      %dma_wait3A_95 = arith.constant 0 : i32
      %dma_wait3A_96 = arith.constant 0 : i32
      %dma_wait3A_97 = tpu.memref_slice %arg5[%run_scoped3A, %dma_wait3A_95, %dma_wait3A_96] : memref<2x6x112xi32, #tpu.memory_space<vmem>> -> memref<1x6x112xi32, #tpu.memory_space<vmem>>
      %dma_wait3A_98 = tpu.memref_squeeze %dma_wait3A_97 : memref<1x6x112xi32, #tpu.memory_space<vmem>> -> memref<6x112xi32, #tpu.memory_space<vmem>>
      %dma_wait3A_99 = arith.constant 0 : i32
      %dma_wait3A_100 = arith.constant 0 : i32
      %dma_wait3A_101 = tpu.memref_slice %arg2[%mul3A_31, %dma_wait3A_99, %dma_wait3A_100] : memref<960x6x112xi32, #tpu.memory_space<hbm>> -> memref<1x6x112xi32, #tpu.memory_space<hbm>>
      %dma_wait3A_102 = tpu.memref_squeeze %dma_wait3A_101 : memref<1x6x112xi32, #tpu.memory_space<hbm>> -> memref<6x112xi32, #tpu.memory_space<hbm>>
      tpu.wait_dma2 semaphore(%run_scoped3A_70 : memref<!tpu.dma_semaphore, #tpu.memory_space<semaphore_mem>>) src(%dma_wait3A_102 : memref<6x112xi32, #tpu.memory_space<hbm>>) dst(%dma_wait3A_98 : memref<6x112xi32, #tpu.memory_space<vmem>>)
      tpu.yield
    }) : () -> ()
    %run_scoped3A_36 = arith.constant 0 : i32
    "tpu.region"() ({
      %run_scoped3A_70 = tpu.sem_alloc : memref<!tpu.dma_semaphore, #tpu.memory_space<semaphore_mem>>
      %dma_start3A_71 = arith.constant 0 : i32
      %dma_start3A_72 = arith.constant 0 : i32
      %dma_start3A_73 = tpu.memref_slice %arg6[%run_scoped3A_36, %dma_start3A_71, %dma_start3A_72] : memref<2x6x112xi32, #tpu.memory_space<vmem>> -> memref<1x6x112xi32, #tpu.memory_space<vmem>>
      %dma_start3A_74 = tpu.memref_squeeze %dma_start3A_73 : memref<1x6x112xi32, #tpu.memory_space<vmem>> -> memref<6x112xi32, #tpu.memory_space<vmem>>
      %dma_start3A_75 = arith.constant 0 : i32
      %dma_start3A_76 = arith.constant 0 : i32
      %dma_start3A_77 = tpu.memref_slice %arg2[%add3A_35, %dma_start3A_75, %dma_start3A_76] : memref<960x6x112xi32, #tpu.memory_space<hbm>> -> memref<1x6x112xi32, #tpu.memory_space<hbm>>
      %dma_start3A_78 = tpu.memref_squeeze %dma_start3A_77 : memref<1x6x112xi32, #tpu.memory_space<hbm>> -> memref<6x112xi32, #tpu.memory_space<hbm>>
      %dma_start3A_79 = arith.constant 0 : i32
      %dma_start3A_80 = arith.constant 0 : i32
      %dma_start3A_81 = tpu.memref_slice %arg6[%run_scoped3A_36, %dma_start3A_79, %dma_start3A_80] : memref<2x6x112xi32, #tpu.memory_space<vmem>> -> memref<1x6x112xi32, #tpu.memory_space<vmem>>
      %dma_start3A_82 = tpu.memref_squeeze %dma_start3A_81 : memref<1x6x112xi32, #tpu.memory_space<vmem>> -> memref<6x112xi32, #tpu.memory_space<vmem>>
      %dma_start3A_83 = arith.constant 0 : i32
      %dma_start3A_84 = arith.constant 0 : i32
      %dma_start3A_85 = tpu.memref_slice %arg2[%add3A_35, %dma_start3A_83, %dma_start3A_84] : memref<960x6x112xi32, #tpu.memory_space<hbm>> -> memref<1x6x112xi32, #tpu.memory_space<hbm>>
      %dma_start3A_86 = tpu.memref_squeeze %dma_start3A_85 : memref<1x6x112xi32, #tpu.memory_space<hbm>> -> memref<6x112xi32, #tpu.memory_space<hbm>>
      tpu.enqueue_dma source(%dma_start3A_86 : memref<6x112xi32, #tpu.memory_space<hbm>>) target(%dma_start3A_82 : memref<6x112xi32, #tpu.memory_space<vmem>>) target_semaphore(%run_scoped3A_70 : memref<!tpu.dma_semaphore, #tpu.memory_space<semaphore_mem>>)
      %dma_wait3A_87 = arith.constant 0 : i32
      %dma_wait3A_88 = arith.constant 0 : i32
      %dma_wait3A_89 = tpu.memref_slice %arg6[%run_scoped3A_36, %dma_wait3A_87, %dma_wait3A_88] : memref<2x6x112xi32, #tpu.memory_space<vmem>> -> memref<1x6x112xi32, #tpu.memory_space<vmem>>
      %dma_wait3A_90 = tpu.memref_squeeze %dma_wait3A_89 : memref<1x6x112xi32, #tpu.memory_space<vmem>> -> memref<6x112xi32, #tpu.memory_space<vmem>>
      %dma_wait3A_91 = arith.constant 0 : i32
      %dma_wait3A_92 = arith.constant 0 : i32
      %dma_wait3A_93 = tpu.memref_slice %arg2[%add3A_35, %dma_wait3A_91, %dma_wait3A_92] : memref<960x6x112xi32, #tpu.memory_space<hbm>> -> memref<1x6x112xi32, #tpu.memory_space<hbm>>
      %dma_wait3A_94 = tpu.memref_squeeze %dma_wait3A_93 : memref<1x6x112xi32, #tpu.memory_space<hbm>> -> memref<6x112xi32, #tpu.memory_space<hbm>>
      %dma_wait3A_95 = arith.constant 0 : i32
      %dma_wait3A_96 = arith.constant 0 : i32
      %dma_wait3A_97 = tpu.memref_slice %arg6[%run_scoped3A_36, %dma_wait3A_95, %dma_wait3A_96] : memref<2x6x112xi32, #tpu.memory_space<vmem>> -> memref<1x6x112xi32, #tpu.memory_space<vmem>>
      %dma_wait3A_98 = tpu.memref_squeeze %dma_wait3A_97 : memref<1x6x112xi32, #tpu.memory_space<vmem>> -> memref<6x112xi32, #tpu.memory_space<vmem>>
      %dma_wait3A_99 = arith.constant 0 : i32
      %dma_wait3A_100 = arith.constant 0 : i32
      %dma_wait3A_101 = tpu.memref_slice %arg2[%add3A_35, %dma_wait3A_99, %dma_wait3A_100] : memref<960x6x112xi32, #tpu.memory_space<hbm>> -> memref<1x6x112xi32, #tpu.memory_space<hbm>>
      %dma_wait3A_102 = tpu.memref_squeeze %dma_wait3A_101 : memref<1x6x112xi32, #tpu.memory_space<hbm>> -> memref<6x112xi32, #tpu.memory_space<hbm>>
      tpu.wait_dma2 semaphore(%run_scoped3A_70 : memref<!tpu.dma_semaphore, #tpu.memory_space<semaphore_mem>>) src(%dma_wait3A_102 : memref<6x112xi32, #tpu.memory_space<hbm>>) dst(%dma_wait3A_98 : memref<6x112xi32, #tpu.memory_space<vmem>>)
      tpu.yield
    }) : () -> ()
    %barrier3A = arith.constant 0 : index
    tpu.barrier barrier_id(%barrier3A)
    %dma_start3A = arith.constant 0 : i32
    %dma_start3A_37 = arith.constant 0 : i32
    %dma_start3A_38 = arith.constant 0 : i32
    %dma_start3A_39 = tpu.memref_slice %arg5[%dma_start3A, %dma_start3A_37, %dma_start3A_38] : memref<2x6x112xi32, #tpu.memory_space<vmem>> -> memref<1x1x112xi32, #tpu.memory_space<vmem>>
    %dma_start3A_40 = tpu.memref_squeeze %dma_start3A_39 : memref<1x1x112xi32, #tpu.memory_space<vmem>> -> memref<112xi32, #tpu.memory_space<vmem>>
    %dma_start3A_41 = arith.constant 0 : i32
    %dma_start3A_42 = arith.constant 0 : i32
    %dma_start3A_43 = tpu.memref_slice %arg3[%dma_start3A_41, %dma_start3A_42] : memref<10000x128xf32, #tpu.memory_space<hbm>> -> memref<10000x128xf32, #tpu.memory_space<hbm>>
    tpu.enqueue_indirect_dma source(%dma_start3A_43 : memref<10000x128xf32, #tpu.memory_space<hbm>>) target(%arg7 : memref<112x128xf32, #tpu.memory_space<vmem>>) offsets(%dma_start3A_40 : memref<112xi32, #tpu.memory_space<vmem>>) semaphore(%arg11 : memref<!tpu.dma_semaphore, #tpu.memory_space<semaphore_mem>>)
    %dma_start3A_44 = arith.constant 0 : i32
    %dma_start3A_45 = arith.constant 1 : i32
    %dma_start3A_46 = arith.constant 0 : i32
    %dma_start3A_47 = tpu.memref_slice %arg5[%dma_start3A_44, %dma_start3A_45, %dma_start3A_46] : memref<2x6x112xi32, #tpu.memory_space<vmem>> -> memref<1x1x112xi32, #tpu.memory_space<vmem>>
    %dma_start3A_48 = tpu.memref_squeeze %dma_start3A_47 : memref<1x1x112xi32, #tpu.memory_space<vmem>> -> memref<112xi32, #tpu.memory_space<vmem>>
    %dma_start3A_49 = arith.constant 0 : i32
    %dma_start3A_50 = arith.constant 0 : i32
    %dma_start3A_51 = tpu.memref_slice %arg3[%dma_start3A_49, %dma_start3A_50] : memref<10000x128xf32, #tpu.memory_space<hbm>> -> memref<10000x128xf32, #tpu.memory_space<hbm>>
    tpu.enqueue_indirect_dma source(%dma_start3A_51 : memref<10000x128xf32, #tpu.memory_space<hbm>>) target(%arg8 : memref<112x128xf32, #tpu.memory_space<vmem>>) offsets(%dma_start3A_48 : memref<112xi32, #tpu.memory_space<vmem>>) semaphore(%arg12 : memref<!tpu.dma_semaphore, #tpu.memory_space<semaphore_mem>>)
    %scan3A_52 = arith.constant 0 : i32
    %scan3A_53 = arith.constant 0 : i32
    %scan3A_54 = arith.constant 15 : i32
    %scan3A_55 = arith.addi %scan3A_53, %scan3A_54 : i32
    %scan3A_56 = arith.constant 1 : i32
    scf.for %scan3A_70 = %scan3A_53 to %scan3A_55 step %scan3A_56  : i32 {
      %rem3A = arith.constant 2 : i32
      %rem3A_71 = arith.remsi %scan3A_70, %rem3A : i32
      %add3A_72 = arith.constant 1 : i32
      %add3A_73 = arith.addi %scan3A_70, %add3A_72 : i32
      %rem3A_74 = arith.constant 2 : i32
      %rem3A_75 = arith.remsi %add3A_73, %rem3A_74 : i32
      %lt3A = arith.constant 14 : i32
      %lt3A_76 = arith.cmpi slt, %scan3A_70, %lt3A : i32
      %gt3A = arith.constant 0 : i32
      %gt3A_77 = arith.cmpi sgt, %scan3A_70, %gt3A : i32
      %convert_element_type3A = arith.extui %gt3A_77 : i1 to i32
      %cond3A = arith.constant 0 : i32
      %cond3A_78 = arith.cmpi ne, %convert_element_type3A, %cond3A : i32
      scf.if %cond3A_78 {
        %dma_wait3A_238 = arith.constant 0 : i32
        %dma_wait3A_239 = arith.constant 0 : i32
        %dma_wait3A_240 = arith.constant 0 : i32
        %dma_wait3A_241 = tpu.memref_slice %arg6[%dma_wait3A_238, %dma_wait3A_239, %dma_wait3A_240] : memref<2x6x112xi32, #tpu.memory_space<vmem>> -> memref<1x1x112xi32, #tpu.memory_space<vmem>>
        %dma_wait3A_242 = tpu.memref_squeeze %dma_wait3A_241 : memref<1x1x112xi32, #tpu.memory_space<vmem>> -> memref<112xi32, #tpu.memory_space<vmem>>
        %dma_wait3A_243 = arith.constant 0 : i32
        %dma_wait3A_244 = arith.constant 0 : i32
        %dma_wait3A_245 = tpu.memref_slice %arg10[%dma_wait3A_243, %dma_wait3A_244] : memref<10240x128xf32, #tpu.memory_space<vmem_shared>> -> memref<10240x128xf32, #tpu.memory_space<vmem_shared>>
        tpu.wait_indirect_dma semaphore(%arg16 : memref<!tpu.dma_semaphore, #tpu.memory_space<semaphore_mem>>) src(%arg9 : memref<112x128xf32, #tpu.memory_space<vmem>>) dst(%dma_wait3A_245 : memref<10240x128xf32, #tpu.memory_space<vmem_shared>>)
      } else {
      }
      %convert_element_type3A_79 = arith.extui %lt3A_76 : i1 to i32
      %cond3A_80 = arith.constant 0 : i32
      %cond3A_81 = arith.cmpi ne, %convert_element_type3A_79, %cond3A_80 : i32
      scf.if %cond3A_81 {
        %add3A_238 = arith.addi %mul3A_31, %scan3A_70 : i32
        %add3A_239 = arith.constant 1 : i32
        %add3A_240 = arith.addi %add3A_238, %add3A_239 : i32
        %dma_start3A_241 = arith.constant 0 : i32
        %dma_start3A_242 = arith.constant 0 : i32
        %dma_start3A_243 = tpu.memref_slice %arg5[%rem3A_75, %dma_start3A_241, %dma_start3A_242] : memref<2x6x112xi32, #tpu.memory_space<vmem>> -> memref<1x6x112xi32, #tpu.memory_space<vmem>>
        %dma_start3A_244 = tpu.memref_squeeze %dma_start3A_243 : memref<1x6x112xi32, #tpu.memory_space<vmem>> -> memref<6x112xi32, #tpu.memory_space<vmem>>
        %dma_start3A_245 = arith.constant 0 : i32
        %dma_start3A_246 = arith.constant 0 : i32
        %dma_start3A_247 = tpu.memref_slice %arg2[%add3A_240, %dma_start3A_245, %dma_start3A_246] : memref<960x6x112xi32, #tpu.memory_space<hbm>> -> memref<1x6x112xi32, #tpu.memory_space<hbm>>
        %dma_start3A_248 = tpu.memref_squeeze %dma_start3A_247 : memref<1x6x112xi32, #tpu.memory_space<hbm>> -> memref<6x112xi32, #tpu.memory_space<hbm>>
        %dma_start3A_249 = arith.constant 0 : i32
        %dma_start3A_250 = arith.constant 0 : i32
        %dma_start3A_251 = tpu.memref_slice %arg5[%rem3A_75, %dma_start3A_249, %dma_start3A_250] : memref<2x6x112xi32, #tpu.memory_space<vmem>> -> memref<1x6x112xi32, #tpu.memory_space<vmem>>
        %dma_start3A_252 = tpu.memref_squeeze %dma_start3A_251 : memref<1x6x112xi32, #tpu.memory_space<vmem>> -> memref<6x112xi32, #tpu.memory_space<vmem>>
        %dma_start3A_253 = arith.constant 0 : i32
        %dma_start3A_254 = arith.constant 0 : i32
        %dma_start3A_255 = tpu.memref_slice %arg2[%add3A_240, %dma_start3A_253, %dma_start3A_254] : memref<960x6x112xi32, #tpu.memory_space<hbm>> -> memref<1x6x112xi32, #tpu.memory_space<hbm>>
        %dma_start3A_256 = tpu.memref_squeeze %dma_start3A_255 : memref<1x6x112xi32, #tpu.memory_space<hbm>> -> memref<6x112xi32, #tpu.memory_space<hbm>>
        tpu.enqueue_dma source(%dma_start3A_256 : memref<6x112xi32, #tpu.memory_space<hbm>>) target(%dma_start3A_252 : memref<6x112xi32, #tpu.memory_space<vmem>>) target_semaphore(%arg17 : memref<!tpu.dma_semaphore, #tpu.memory_space<semaphore_mem>>)
        %add3A_257 = arith.addi %add3A_35, %scan3A_70 : i32
        %add3A_258 = arith.constant 1 : i32
        %add3A_259 = arith.addi %add3A_257, %add3A_258 : i32
        %dma_start3A_260 = arith.constant 0 : i32
        %dma_start3A_261 = arith.constant 0 : i32
        %dma_start3A_262 = tpu.memref_slice %arg6[%rem3A_75, %dma_start3A_260, %dma_start3A_261] : memref<2x6x112xi32, #tpu.memory_space<vmem>> -> memref<1x6x112xi32, #tpu.memory_space<vmem>>
        %dma_start3A_263 = tpu.memref_squeeze %dma_start3A_262 : memref<1x6x112xi32, #tpu.memory_space<vmem>> -> memref<6x112xi32, #tpu.memory_space<vmem>>
        %dma_start3A_264 = arith.constant 0 : i32
        %dma_start3A_265 = arith.constant 0 : i32
        %dma_start3A_266 = tpu.memref_slice %arg2[%add3A_259, %dma_start3A_264, %dma_start3A_265] : memref<960x6x112xi32, #tpu.memory_space<hbm>> -> memref<1x6x112xi32, #tpu.memory_space<hbm>>
        %dma_start3A_267 = tpu.memref_squeeze %dma_start3A_266 : memref<1x6x112xi32, #tpu.memory_space<hbm>> -> memref<6x112xi32, #tpu.memory_space<hbm>>
        %dma_start3A_268 = arith.constant 0 : i32
        %dma_start3A_269 = arith.constant 0 : i32
        %dma_start3A_270 = tpu.memref_slice %arg6[%rem3A_75, %dma_start3A_268, %dma_start3A_269] : memref<2x6x112xi32, #tpu.memory_space<vmem>> -> memref<1x6x112xi32, #tpu.memory_space<vmem>>
        %dma_start3A_271 = tpu.memref_squeeze %dma_start3A_270 : memref<1x6x112xi32, #tpu.memory_space<vmem>> -> memref<6x112xi32, #tpu.memory_space<vmem>>
        %dma_start3A_272 = arith.constant 0 : i32
        %dma_start3A_273 = arith.constant 0 : i32
        %dma_start3A_274 = tpu.memref_slice %arg2[%add3A_259, %dma_start3A_272, %dma_start3A_273] : memref<960x6x112xi32, #tpu.memory_space<hbm>> -> memref<1x6x112xi32, #tpu.memory_space<hbm>>
        %dma_start3A_275 = tpu.memref_squeeze %dma_start3A_274 : memref<1x6x112xi32, #tpu.memory_space<hbm>> -> memref<6x112xi32, #tpu.memory_space<hbm>>
        tpu.enqueue_dma source(%dma_start3A_275 : memref<6x112xi32, #tpu.memory_space<hbm>>) target(%dma_start3A_271 : memref<6x112xi32, #tpu.memory_space<vmem>>) target_semaphore(%arg17 : memref<!tpu.dma_semaphore, #tpu.memory_space<semaphore_mem>>)
      } else {
      }
      %dma_wait3A_82 = arith.constant 0 : i32
      %dma_wait3A_83 = arith.constant 0 : i32
      %dma_wait3A_84 = tpu.memref_slice %arg5[%rem3A_71, %dma_wait3A_82, %dma_wait3A_83] : memref<2x6x112xi32, #tpu.memory_space<vmem>> -> memref<1x1x112xi32, #tpu.memory_space<vmem>>
      %dma_wait3A_85 = tpu.memref_squeeze %dma_wait3A_84 : memref<1x1x112xi32, #tpu.memory_space<vmem>> -> memref<112xi32, #tpu.memory_space<vmem>>
      %dma_wait3A_86 = arith.constant 0 : i32
      %dma_wait3A_87 = arith.constant 0 : i32
      %dma_wait3A_88 = tpu.memref_slice %arg3[%dma_wait3A_86, %dma_wait3A_87] : memref<10000x128xf32, #tpu.memory_space<hbm>> -> memref<10000x128xf32, #tpu.memory_space<hbm>>
      tpu.wait_indirect_dma semaphore(%arg11 : memref<!tpu.dma_semaphore, #tpu.memory_space<semaphore_mem>>) src(%dma_wait3A_88 : memref<10000x128xf32, #tpu.memory_space<hbm>>) dst(%arg7 : memref<112x128xf32, #tpu.memory_space<vmem>>)
      %dma_start3A_89 = arith.constant 0 : i32
      %dma_start3A_90 = arith.constant 0 : i32
      %dma_start3A_91 = tpu.memref_slice %arg6[%rem3A_71, %dma_start3A_89, %dma_start3A_90] : memref<2x6x112xi32, #tpu.memory_space<vmem>> -> memref<1x1x112xi32, #tpu.memory_space<vmem>>
      %dma_start3A_92 = tpu.memref_squeeze %dma_start3A_91 : memref<1x1x112xi32, #tpu.memory_space<vmem>> -> memref<112xi32, #tpu.memory_space<vmem>>
      %dma_start3A_93 = arith.constant 0 : i32
      %dma_start3A_94 = arith.constant 0 : i32
      %dma_start3A_95 = tpu.memref_slice %arg10[%dma_start3A_93, %dma_start3A_94] : memref<10240x128xf32, #tpu.memory_space<vmem_shared>> -> memref<10240x128xf32, #tpu.memory_space<vmem_shared>>
      tpu.enqueue_indirect_dma source(%arg7 : memref<112x128xf32, #tpu.memory_space<vmem>>) target(%dma_start3A_95 : memref<10240x128xf32, #tpu.memory_space<vmem_shared>>) offsets(%dma_start3A_92 : memref<112xi32, #tpu.memory_space<vmem>>) semaphore(%arg14 : memref<!tpu.dma_semaphore, #tpu.memory_space<semaphore_mem>>) {add = true}
      %dma_start3A_96 = arith.constant 2 : i32
      %dma_start3A_97 = arith.constant 0 : i32
      %dma_start3A_98 = tpu.memref_slice %arg5[%rem3A_71, %dma_start3A_96, %dma_start3A_97] : memref<2x6x112xi32, #tpu.memory_space<vmem>> -> memref<1x1x112xi32, #tpu.memory_space<vmem>>
      %dma_start3A_99 = tpu.memref_squeeze %dma_start3A_98 : memref<1x1x112xi32, #tpu.memory_space<vmem>> -> memref<112xi32, #tpu.memory_space<vmem>>
      %dma_start3A_100 = arith.constant 0 : i32
      %dma_start3A_101 = arith.constant 0 : i32
      %dma_start3A_102 = tpu.memref_slice %arg3[%dma_start3A_100, %dma_start3A_101] : memref<10000x128xf32, #tpu.memory_space<hbm>> -> memref<10000x128xf32, #tpu.memory_space<hbm>>
      tpu.enqueue_indirect_dma source(%dma_start3A_102 : memref<10000x128xf32, #tpu.memory_space<hbm>>) target(%arg9 : memref<112x128xf32, #tpu.memory_space<vmem>>) offsets(%dma_start3A_99 : memref<112xi32, #tpu.memory_space<vmem>>) semaphore(%arg13 : memref<!tpu.dma_semaphore, #tpu.memory_space<semaphore_mem>>)
      %dma_wait3A_103 = arith.constant 1 : i32
      %dma_wait3A_104 = arith.constant 0 : i32
      %dma_wait3A_105 = tpu.memref_slice %arg5[%rem3A_71, %dma_wait3A_103, %dma_wait3A_104] : memref<2x6x112xi32, #tpu.memory_space<vmem>> -> memref<1x1x112xi32, #tpu.memory_space<vmem>>
      %dma_wait3A_106 = tpu.memref_squeeze %dma_wait3A_105 : memref<1x1x112xi32, #tpu.memory_space<vmem>> -> memref<112xi32, #tpu.memory_space<vmem>>
      %dma_wait3A_107 = arith.constant 0 : i32
      %dma_wait3A_108 = arith.constant 0 : i32
      %dma_wait3A_109 = tpu.memref_slice %arg3[%dma_wait3A_107, %dma_wait3A_108] : memref<10000x128xf32, #tpu.memory_space<hbm>> -> memref<10000x128xf32, #tpu.memory_space<hbm>>
      tpu.wait_indirect_dma semaphore(%arg12 : memref<!tpu.dma_semaphore, #tpu.memory_space<semaphore_mem>>) src(%dma_wait3A_109 : memref<10000x128xf32, #tpu.memory_space<hbm>>) dst(%arg8 : memref<112x128xf32, #tpu.memory_space<vmem>>)
      %dma_start3A_110 = arith.constant 1 : i32
      %dma_start3A_111 = arith.constant 0 : i32
      %dma_start3A_112 = tpu.memref_slice %arg6[%rem3A_71, %dma_start3A_110, %dma_start3A_111] : memref<2x6x112xi32, #tpu.memory_space<vmem>> -> memref<1x1x112xi32, #tpu.memory_space<vmem>>
      %dma_start3A_113 = tpu.memref_squeeze %dma_start3A_112 : memref<1x1x112xi32, #tpu.memory_space<vmem>> -> memref<112xi32, #tpu.memory_space<vmem>>
      %dma_start3A_114 = arith.constant 0 : i32
      %dma_start3A_115 = arith.constant 0 : i32
      %dma_start3A_116 = tpu.memref_slice %arg10[%dma_start3A_114, %dma_start3A_115] : memref<10240x128xf32, #tpu.memory_space<vmem_shared>> -> memref<10240x128xf32, #tpu.memory_space<vmem_shared>>
      tpu.enqueue_indirect_dma source(%arg8 : memref<112x128xf32, #tpu.memory_space<vmem>>) target(%dma_start3A_116 : memref<10240x128xf32, #tpu.memory_space<vmem_shared>>) offsets(%dma_start3A_113 : memref<112xi32, #tpu.memory_space<vmem>>) semaphore(%arg15 : memref<!tpu.dma_semaphore, #tpu.memory_space<semaphore_mem>>) {add = true}
      %dma_wait3A_117 = arith.constant 0 : i32
      %dma_wait3A_118 = arith.constant 0 : i32
      %dma_wait3A_119 = tpu.memref_slice %arg6[%rem3A_71, %dma_wait3A_117, %dma_wait3A_118] : memref<2x6x112xi32, #tpu.memory_space<vmem>> -> memref<1x1x112xi32, #tpu.memory_space<vmem>>
      %dma_wait3A_120 = tpu.memref_squeeze %dma_wait3A_119 : memref<1x1x112xi32, #tpu.memory_space<vmem>> -> memref<112xi32, #tpu.memory_space<vmem>>
      %dma_wait3A_121 = arith.constant 0 : i32
      %dma_wait3A_122 = arith.constant 0 : i32
      %dma_wait3A_123 = tpu.memref_slice %arg10[%dma_wait3A_121, %dma_wait3A_122] : memref<10240x128xf32, #tpu.memory_space<vmem_shared>> -> memref<10240x128xf32, #tpu.memory_space<vmem_shared>>
      tpu.wait_indirect_dma semaphore(%arg14 : memref<!tpu.dma_semaphore, #tpu.memory_space<semaphore_mem>>) src(%arg7 : memref<112x128xf32, #tpu.memory_space<vmem>>) dst(%dma_wait3A_123 : memref<10240x128xf32, #tpu.memory_space<vmem_shared>>)
      %dma_start3A_124 = arith.constant 3 : i32
      %dma_start3A_125 = arith.constant 0 : i32
      %dma_start3A_126 = tpu.memref_slice %arg5[%rem3A_71, %dma_start3A_124, %dma_start3A_125] : memref<2x6x112xi32, #tpu.memory_space<vmem>> -> memref<1x1x112xi32, #tpu.memory_space<vmem>>
      %dma_start3A_127 = tpu.memref_squeeze %dma_start3A_126 : memref<1x1x112xi32, #tpu.memory_space<vmem>> -> memref<112xi32, #tpu.memory_space<vmem>>
      %dma_start3A_128 = arith.constant 0 : i32
      %dma_start3A_129 = arith.constant 0 : i32
      %dma_start3A_130 = tpu.memref_slice %arg3[%dma_start3A_128, %dma_start3A_129] : memref<10000x128xf32, #tpu.memory_space<hbm>> -> memref<10000x128xf32, #tpu.memory_space<hbm>>
      tpu.enqueue_indirect_dma source(%dma_start3A_130 : memref<10000x128xf32, #tpu.memory_space<hbm>>) target(%arg7 : memref<112x128xf32, #tpu.memory_space<vmem>>) offsets(%dma_start3A_127 : memref<112xi32, #tpu.memory_space<vmem>>) semaphore(%arg11 : memref<!tpu.dma_semaphore, #tpu.memory_space<semaphore_mem>>)
      %dma_wait3A_131 = arith.constant 2 : i32
      %dma_wait3A_132 = arith.constant 0 : i32
      %dma_wait3A_133 = tpu.memref_slice %arg5[%rem3A_71, %dma_wait3A_131, %dma_wait3A_132] : memref<2x6x112xi32, #tpu.memory_space<vmem>> -> memref<1x1x112xi32, #tpu.memory_space<vmem>>
      %dma_wait3A_134 = tpu.memref_squeeze %dma_wait3A_133 : memref<1x1x112xi32, #tpu.memory_space<vmem>> -> memref<112xi32, #tpu.memory_space<vmem>>
      %dma_wait3A_135 = arith.constant 0 : i32
      %dma_wait3A_136 = arith.constant 0 : i32
      %dma_wait3A_137 = tpu.memref_slice %arg3[%dma_wait3A_135, %dma_wait3A_136] : memref<10000x128xf32, #tpu.memory_space<hbm>> -> memref<10000x128xf32, #tpu.memory_space<hbm>>
      tpu.wait_indirect_dma semaphore(%arg13 : memref<!tpu.dma_semaphore, #tpu.memory_space<semaphore_mem>>) src(%dma_wait3A_137 : memref<10000x128xf32, #tpu.memory_space<hbm>>) dst(%arg9 : memref<112x128xf32, #tpu.memory_space<vmem>>)
      %dma_start3A_138 = arith.constant 2 : i32
      %dma_start3A_139 = arith.constant 0 : i32
      %dma_start3A_140 = tpu.memref_slice %arg6[%rem3A_71, %dma_start3A_138, %dma_start3A_139] : memref<2x6x112xi32, #tpu.memory_space<vmem>> -> memref<1x1x112xi32, #tpu.memory_space<vmem>>
      %dma_start3A_141 = tpu.memref_squeeze %dma_start3A_140 : memref<1x1x112xi32, #tpu.memory_space<vmem>> -> memref<112xi32, #tpu.memory_space<vmem>>
      %dma_start3A_142 = arith.constant 0 : i32
      %dma_start3A_143 = arith.constant 0 : i32
      %dma_start3A_144 = tpu.memref_slice %arg10[%dma_start3A_142, %dma_start3A_143] : memref<10240x128xf32, #tpu.memory_space<vmem_shared>> -> memref<10240x128xf32, #tpu.memory_space<vmem_shared>>
      tpu.enqueue_indirect_dma source(%arg9 : memref<112x128xf32, #tpu.memory_space<vmem>>) target(%dma_start3A_144 : memref<10240x128xf32, #tpu.memory_space<vmem_shared>>) offsets(%dma_start3A_141 : memref<112xi32, #tpu.memory_space<vmem>>) semaphore(%arg16 : memref<!tpu.dma_semaphore, #tpu.memory_space<semaphore_mem>>) {add = true}
      %dma_wait3A_145 = arith.constant 1 : i32
      %dma_wait3A_146 = arith.constant 0 : i32
      %dma_wait3A_147 = tpu.memref_slice %arg6[%rem3A_71, %dma_wait3A_145, %dma_wait3A_146] : memref<2x6x112xi32, #tpu.memory_space<vmem>> -> memref<1x1x112xi32, #tpu.memory_space<vmem>>
      %dma_wait3A_148 = tpu.memref_squeeze %dma_wait3A_147 : memref<1x1x112xi32, #tpu.memory_space<vmem>> -> memref<112xi32, #tpu.memory_space<vmem>>
      %dma_wait3A_149 = arith.constant 0 : i32
      %dma_wait3A_150 = arith.constant 0 : i32
      %dma_wait3A_151 = tpu.memref_slice %arg10[%dma_wait3A_149, %dma_wait3A_150] : memref<10240x128xf32, #tpu.memory_space<vmem_shared>> -> memref<10240x128xf32, #tpu.memory_space<vmem_shared>>
      tpu.wait_indirect_dma semaphore(%arg15 : memref<!tpu.dma_semaphore, #tpu.memory_space<semaphore_mem>>) src(%arg8 : memref<112x128xf32, #tpu.memory_space<vmem>>) dst(%dma_wait3A_151 : memref<10240x128xf32, #tpu.memory_space<vmem_shared>>)
      %dma_start3A_152 = arith.constant 4 : i32
      %dma_start3A_153 = arith.constant 0 : i32
      %dma_start3A_154 = tpu.memref_slice %arg5[%rem3A_71, %dma_start3A_152, %dma_start3A_153] : memref<2x6x112xi32, #tpu.memory_space<vmem>> -> memref<1x1x112xi32, #tpu.memory_space<vmem>>
      %dma_start3A_155 = tpu.memref_squeeze %dma_start3A_154 : memref<1x1x112xi32, #tpu.memory_space<vmem>> -> memref<112xi32, #tpu.memory_space<vmem>>
      %dma_start3A_156 = arith.constant 0 : i32
      %dma_start3A_157 = arith.constant 0 : i32
      %dma_start3A_158 = tpu.memref_slice %arg3[%dma_start3A_156, %dma_start3A_157] : memref<10000x128xf32, #tpu.memory_space<hbm>> -> memref<10000x128xf32, #tpu.memory_space<hbm>>
      tpu.enqueue_indirect_dma source(%dma_start3A_158 : memref<10000x128xf32, #tpu.memory_space<hbm>>) target(%arg8 : memref<112x128xf32, #tpu.memory_space<vmem>>) offsets(%dma_start3A_155 : memref<112xi32, #tpu.memory_space<vmem>>) semaphore(%arg12 : memref<!tpu.dma_semaphore, #tpu.memory_space<semaphore_mem>>)
      %dma_wait3A_159 = arith.constant 3 : i32
      %dma_wait3A_160 = arith.constant 0 : i32
      %dma_wait3A_161 = tpu.memref_slice %arg5[%rem3A_71, %dma_wait3A_159, %dma_wait3A_160] : memref<2x6x112xi32, #tpu.memory_space<vmem>> -> memref<1x1x112xi32, #tpu.memory_space<vmem>>
      %dma_wait3A_162 = tpu.memref_squeeze %dma_wait3A_161 : memref<1x1x112xi32, #tpu.memory_space<vmem>> -> memref<112xi32, #tpu.memory_space<vmem>>
      %dma_wait3A_163 = arith.constant 0 : i32
      %dma_wait3A_164 = arith.constant 0 : i32
      %dma_wait3A_165 = tpu.memref_slice %arg3[%dma_wait3A_163, %dma_wait3A_164] : memref<10000x128xf32, #tpu.memory_space<hbm>> -> memref<10000x128xf32, #tpu.memory_space<hbm>>
      tpu.wait_indirect_dma semaphore(%arg11 : memref<!tpu.dma_semaphore, #tpu.memory_space<semaphore_mem>>) src(%dma_wait3A_165 : memref<10000x128xf32, #tpu.memory_space<hbm>>) dst(%arg7 : memref<112x128xf32, #tpu.memory_space<vmem>>)
      %dma_start3A_166 = arith.constant 3 : i32
      %dma_start3A_167 = arith.constant 0 : i32
      %dma_start3A_168 = tpu.memref_slice %arg6[%rem3A_71, %dma_start3A_166, %dma_start3A_167] : memref<2x6x112xi32, #tpu.memory_space<vmem>> -> memref<1x1x112xi32, #tpu.memory_space<vmem>>
      %dma_start3A_169 = tpu.memref_squeeze %dma_start3A_168 : memref<1x1x112xi32, #tpu.memory_space<vmem>> -> memref<112xi32, #tpu.memory_space<vmem>>
      %dma_start3A_170 = arith.constant 0 : i32
      %dma_start3A_171 = arith.constant 0 : i32
      %dma_start3A_172 = tpu.memref_slice %arg10[%dma_start3A_170, %dma_start3A_171] : memref<10240x128xf32, #tpu.memory_space<vmem_shared>> -> memref<10240x128xf32, #tpu.memory_space<vmem_shared>>
      tpu.enqueue_indirect_dma source(%arg7 : memref<112x128xf32, #tpu.memory_space<vmem>>) target(%dma_start3A_172 : memref<10240x128xf32, #tpu.memory_space<vmem_shared>>) offsets(%dma_start3A_169 : memref<112xi32, #tpu.memory_space<vmem>>) semaphore(%arg14 : memref<!tpu.dma_semaphore, #tpu.memory_space<semaphore_mem>>) {add = true}
      %convert_element_type3A_173 = arith.extui %lt3A_76 : i1 to i32
      %cond3A_174 = arith.constant 0 : i32
      %cond3A_175 = arith.cmpi ne, %convert_element_type3A_173, %cond3A_174 : i32
      scf.if %cond3A_175 {
        %add3A_238 = arith.addi %mul3A_31, %scan3A_70 : i32
        %add3A_239 = arith.constant 1 : i32
        %add3A_240 = arith.addi %add3A_238, %add3A_239 : i32
        %dma_wait3A_241 = arith.constant 0 : i32
        %dma_wait3A_242 = arith.constant 0 : i32
        %dma_wait3A_243 = tpu.memref_slice %arg5[%rem3A_75, %dma_wait3A_241, %dma_wait3A_242] : memref<2x6x112xi32, #tpu.memory_space<vmem>> -> memref<1x6x112xi32, #tpu.memory_space<vmem>>
        %dma_wait3A_244 = tpu.memref_squeeze %dma_wait3A_243 : memref<1x6x112xi32, #tpu.memory_space<vmem>> -> memref<6x112xi32, #tpu.memory_space<vmem>>
        %dma_wait3A_245 = arith.constant 0 : i32
        %dma_wait3A_246 = arith.constant 0 : i32
        %dma_wait3A_247 = tpu.memref_slice %arg2[%add3A_240, %dma_wait3A_245, %dma_wait3A_246] : memref<960x6x112xi32, #tpu.memory_space<hbm>> -> memref<1x6x112xi32, #tpu.memory_space<hbm>>
        %dma_wait3A_248 = tpu.memref_squeeze %dma_wait3A_247 : memref<1x6x112xi32, #tpu.memory_space<hbm>> -> memref<6x112xi32, #tpu.memory_space<hbm>>
        %dma_wait3A_249 = arith.constant 0 : i32
        %dma_wait3A_250 = arith.constant 0 : i32
        %dma_wait3A_251 = tpu.memref_slice %arg5[%rem3A_75, %dma_wait3A_249, %dma_wait3A_250] : memref<2x6x112xi32, #tpu.memory_space<vmem>> -> memref<1x6x112xi32, #tpu.memory_space<vmem>>
        %dma_wait3A_252 = tpu.memref_squeeze %dma_wait3A_251 : memref<1x6x112xi32, #tpu.memory_space<vmem>> -> memref<6x112xi32, #tpu.memory_space<vmem>>
        %dma_wait3A_253 = arith.constant 0 : i32
        %dma_wait3A_254 = arith.constant 0 : i32
        %dma_wait3A_255 = tpu.memref_slice %arg2[%add3A_240, %dma_wait3A_253, %dma_wait3A_254] : memref<960x6x112xi32, #tpu.memory_space<hbm>> -> memref<1x6x112xi32, #tpu.memory_space<hbm>>
        %dma_wait3A_256 = tpu.memref_squeeze %dma_wait3A_255 : memref<1x6x112xi32, #tpu.memory_space<hbm>> -> memref<6x112xi32, #tpu.memory_space<hbm>>
        tpu.wait_dma2 semaphore(%arg17 : memref<!tpu.dma_semaphore, #tpu.memory_space<semaphore_mem>>) src(%dma_wait3A_256 : memref<6x112xi32, #tpu.memory_space<hbm>>) dst(%dma_wait3A_252 : memref<6x112xi32, #tpu.memory_space<vmem>>)
        %add3A_257 = arith.addi %add3A_35, %scan3A_70 : i32
        %add3A_258 = arith.constant 1 : i32
        %add3A_259 = arith.addi %add3A_257, %add3A_258 : i32
        %dma_wait3A_260 = arith.constant 0 : i32
        %dma_wait3A_261 = arith.constant 0 : i32
        %dma_wait3A_262 = tpu.memref_slice %arg6[%rem3A_75, %dma_wait3A_260, %dma_wait3A_261] : memref<2x6x112xi32, #tpu.memory_space<vmem>> -> memref<1x6x112xi32, #tpu.memory_space<vmem>>
        %dma_wait3A_263 = tpu.memref_squeeze %dma_wait3A_262 : memref<1x6x112xi32, #tpu.memory_space<vmem>> -> memref<6x112xi32, #tpu.memory_space<vmem>>
        %dma_wait3A_264 = arith.constant 0 : i32
        %dma_wait3A_265 = arith.constant 0 : i32
        %dma_wait3A_266 = tpu.memref_slice %arg2[%add3A_259, %dma_wait3A_264, %dma_wait3A_265] : memref<960x6x112xi32, #tpu.memory_space<hbm>> -> memref<1x6x112xi32, #tpu.memory_space<hbm>>
        %dma_wait3A_267 = tpu.memref_squeeze %dma_wait3A_266 : memref<1x6x112xi32, #tpu.memory_space<hbm>> -> memref<6x112xi32, #tpu.memory_space<hbm>>
        %dma_wait3A_268 = arith.constant 0 : i32
        %dma_wait3A_269 = arith.constant 0 : i32
        %dma_wait3A_270 = tpu.memref_slice %arg6[%rem3A_75, %dma_wait3A_268, %dma_wait3A_269] : memref<2x6x112xi32, #tpu.memory_space<vmem>> -> memref<1x6x112xi32, #tpu.memory_space<vmem>>
        %dma_wait3A_271 = tpu.memref_squeeze %dma_wait3A_270 : memref<1x6x112xi32, #tpu.memory_space<vmem>> -> memref<6x112xi32, #tpu.memory_space<vmem>>
        %dma_wait3A_272 = arith.constant 0 : i32
        %dma_wait3A_273 = arith.constant 0 : i32
        %dma_wait3A_274 = tpu.memref_slice %arg2[%add3A_259, %dma_wait3A_272, %dma_wait3A_273] : memref<960x6x112xi32, #tpu.memory_space<hbm>> -> memref<1x6x112xi32, #tpu.memory_space<hbm>>
        %dma_wait3A_275 = tpu.memref_squeeze %dma_wait3A_274 : memref<1x6x112xi32, #tpu.memory_space<hbm>> -> memref<6x112xi32, #tpu.memory_space<hbm>>
        tpu.wait_dma2 semaphore(%arg17 : memref<!tpu.dma_semaphore, #tpu.memory_space<semaphore_mem>>) src(%dma_wait3A_275 : memref<6x112xi32, #tpu.memory_space<hbm>>) dst(%dma_wait3A_271 : memref<6x112xi32, #tpu.memory_space<vmem>>)
      } else {
      }
      %dma_wait3A_176 = arith.constant 2 : i32
      %dma_wait3A_177 = arith.constant 0 : i32
      %dma_wait3A_178 = tpu.memref_slice %arg6[%rem3A_71, %dma_wait3A_176, %dma_wait3A_177] : memref<2x6x112xi32, #tpu.memory_space<vmem>> -> memref<1x1x112xi32, #tpu.memory_space<vmem>>
      %dma_wait3A_179 = tpu.memref_squeeze %dma_wait3A_178 : memref<1x1x112xi32, #tpu.memory_space<vmem>> -> memref<112xi32, #tpu.memory_space<vmem>>
      %dma_wait3A_180 = arith.constant 0 : i32
      %dma_wait3A_181 = arith.constant 0 : i32
      %dma_wait3A_182 = tpu.memref_slice %arg10[%dma_wait3A_180, %dma_wait3A_181] : memref<10240x128xf32, #tpu.memory_space<vmem_shared>> -> memref<10240x128xf32, #tpu.memory_space<vmem_shared>>
      tpu.wait_indirect_dma semaphore(%arg16 : memref<!tpu.dma_semaphore, #tpu.memory_space<semaphore_mem>>) src(%arg9 : memref<112x128xf32, #tpu.memory_space<vmem>>) dst(%dma_wait3A_182 : memref<10240x128xf32, #tpu.memory_space<vmem_shared>>)
      %dma_start3A_183 = arith.constant 5 : i32
      %dma_start3A_184 = arith.constant 0 : i32
      %dma_start3A_185 = tpu.memref_slice %arg5[%rem3A_71, %dma_start3A_183, %dma_start3A_184] : memref<2x6x112xi32, #tpu.memory_space<vmem>> -> memref<1x1x112xi32, #tpu.memory_space<vmem>>
      %dma_start3A_186 = tpu.memref_squeeze %dma_start3A_185 : memref<1x1x112xi32, #tpu.memory_space<vmem>> -> memref<112xi32, #tpu.memory_space<vmem>>
      %dma_start3A_187 = arith.constant 0 : i32
      %dma_start3A_188 = arith.constant 0 : i32
      %dma_start3A_189 = tpu.memref_slice %arg3[%dma_start3A_187, %dma_start3A_188] : memref<10000x128xf32, #tpu.memory_space<hbm>> -> memref<10000x128xf32, #tpu.memory_space<hbm>>
      tpu.enqueue_indirect_dma source(%dma_start3A_189 : memref<10000x128xf32, #tpu.memory_space<hbm>>) target(%arg9 : memref<112x128xf32, #tpu.memory_space<vmem>>) offsets(%dma_start3A_186 : memref<112xi32, #tpu.memory_space<vmem>>) semaphore(%arg13 : memref<!tpu.dma_semaphore, #tpu.memory_space<semaphore_mem>>)
      %dma_wait3A_190 = arith.constant 4 : i32
      %dma_wait3A_191 = arith.constant 0 : i32
      %dma_wait3A_192 = tpu.memref_slice %arg5[%rem3A_71, %dma_wait3A_190, %dma_wait3A_191] : memref<2x6x112xi32, #tpu.memory_space<vmem>> -> memref<1x1x112xi32, #tpu.memory_space<vmem>>
      %dma_wait3A_193 = tpu.memref_squeeze %dma_wait3A_192 : memref<1x1x112xi32, #tpu.memory_space<vmem>> -> memref<112xi32, #tpu.memory_space<vmem>>
      %dma_wait3A_194 = arith.constant 0 : i32
      %dma_wait3A_195 = arith.constant 0 : i32
      %dma_wait3A_196 = tpu.memref_slice %arg3[%dma_wait3A_194, %dma_wait3A_195] : memref<10000x128xf32, #tpu.memory_space<hbm>> -> memref<10000x128xf32, #tpu.memory_space<hbm>>
      tpu.wait_indirect_dma semaphore(%arg12 : memref<!tpu.dma_semaphore, #tpu.memory_space<semaphore_mem>>) src(%dma_wait3A_196 : memref<10000x128xf32, #tpu.memory_space<hbm>>) dst(%arg8 : memref<112x128xf32, #tpu.memory_space<vmem>>)
      %dma_start3A_197 = arith.constant 4 : i32
      %dma_start3A_198 = arith.constant 0 : i32
      %dma_start3A_199 = tpu.memref_slice %arg6[%rem3A_71, %dma_start3A_197, %dma_start3A_198] : memref<2x6x112xi32, #tpu.memory_space<vmem>> -> memref<1x1x112xi32, #tpu.memory_space<vmem>>
      %dma_start3A_200 = tpu.memref_squeeze %dma_start3A_199 : memref<1x1x112xi32, #tpu.memory_space<vmem>> -> memref<112xi32, #tpu.memory_space<vmem>>
      %dma_start3A_201 = arith.constant 0 : i32
      %dma_start3A_202 = arith.constant 0 : i32
      %dma_start3A_203 = tpu.memref_slice %arg10[%dma_start3A_201, %dma_start3A_202] : memref<10240x128xf32, #tpu.memory_space<vmem_shared>> -> memref<10240x128xf32, #tpu.memory_space<vmem_shared>>
      tpu.enqueue_indirect_dma source(%arg8 : memref<112x128xf32, #tpu.memory_space<vmem>>) target(%dma_start3A_203 : memref<10240x128xf32, #tpu.memory_space<vmem_shared>>) offsets(%dma_start3A_200 : memref<112xi32, #tpu.memory_space<vmem>>) semaphore(%arg15 : memref<!tpu.dma_semaphore, #tpu.memory_space<semaphore_mem>>) {add = true}
      %dma_wait3A_204 = arith.constant 3 : i32
      %dma_wait3A_205 = arith.constant 0 : i32
      %dma_wait3A_206 = tpu.memref_slice %arg6[%rem3A_71, %dma_wait3A_204, %dma_wait3A_205] : memref<2x6x112xi32, #tpu.memory_space<vmem>> -> memref<1x1x112xi32, #tpu.memory_space<vmem>>
      %dma_wait3A_207 = tpu.memref_squeeze %dma_wait3A_206 : memref<1x1x112xi32, #tpu.memory_space<vmem>> -> memref<112xi32, #tpu.memory_space<vmem>>
      %dma_wait3A_208 = arith.constant 0 : i32
      %dma_wait3A_209 = arith.constant 0 : i32
      %dma_wait3A_210 = tpu.memref_slice %arg10[%dma_wait3A_208, %dma_wait3A_209] : memref<10240x128xf32, #tpu.memory_space<vmem_shared>> -> memref<10240x128xf32, #tpu.memory_space<vmem_shared>>
      tpu.wait_indirect_dma semaphore(%arg14 : memref<!tpu.dma_semaphore, #tpu.memory_space<semaphore_mem>>) src(%arg7 : memref<112x128xf32, #tpu.memory_space<vmem>>) dst(%dma_wait3A_210 : memref<10240x128xf32, #tpu.memory_space<vmem_shared>>)
      %convert_element_type3A_211 = arith.extui %lt3A_76 : i1 to i32
      %cond3A_212 = arith.constant 0 : i32
      %cond3A_213 = arith.cmpi ne, %convert_element_type3A_211, %cond3A_212 : i32
      scf.if %cond3A_213 {
        %dma_start3A_238 = arith.constant 0 : i32
        %dma_start3A_239 = arith.constant 0 : i32
        %dma_start3A_240 = tpu.memref_slice %arg5[%rem3A_75, %dma_start3A_238, %dma_start3A_239] : memref<2x6x112xi32, #tpu.memory_space<vmem>> -> memref<1x1x112xi32, #tpu.memory_space<vmem>>
        %dma_start3A_241 = tpu.memref_squeeze %dma_start3A_240 : memref<1x1x112xi32, #tpu.memory_space<vmem>> -> memref<112xi32, #tpu.memory_space<vmem>>
        %dma_start3A_242 = arith.constant 0 : i32
        %dma_start3A_243 = arith.constant 0 : i32
        %dma_start3A_244 = tpu.memref_slice %arg3[%dma_start3A_242, %dma_start3A_243] : memref<10000x128xf32, #tpu.memory_space<hbm>> -> memref<10000x128xf32, #tpu.memory_space<hbm>>
        tpu.enqueue_indirect_dma source(%dma_start3A_244 : memref<10000x128xf32, #tpu.memory_space<hbm>>) target(%arg7 : memref<112x128xf32, #tpu.memory_space<vmem>>) offsets(%dma_start3A_241 : memref<112xi32, #tpu.memory_space<vmem>>) semaphore(%arg11 : memref<!tpu.dma_semaphore, #tpu.memory_space<semaphore_mem>>)
      } else {
      }
      %dma_wait3A_214 = arith.constant 5 : i32
      %dma_wait3A_215 = arith.constant 0 : i32
      %dma_wait3A_216 = tpu.memref_slice %arg5[%rem3A_71, %dma_wait3A_214, %dma_wait3A_215] : memref<2x6x112xi32, #tpu.memory_space<vmem>> -> memref<1x1x112xi32, #tpu.memory_space<vmem>>
      %dma_wait3A_217 = tpu.memref_squeeze %dma_wait3A_216 : memref<1x1x112xi32, #tpu.memory_space<vmem>> -> memref<112xi32, #tpu.memory_space<vmem>>
      %dma_wait3A_218 = arith.constant 0 : i32
      %dma_wait3A_219 = arith.constant 0 : i32
      %dma_wait3A_220 = tpu.memref_slice %arg3[%dma_wait3A_218, %dma_wait3A_219] : memref<10000x128xf32, #tpu.memory_space<hbm>> -> memref<10000x128xf32, #tpu.memory_space<hbm>>
      tpu.wait_indirect_dma semaphore(%arg13 : memref<!tpu.dma_semaphore, #tpu.memory_space<semaphore_mem>>) src(%dma_wait3A_220 : memref<10000x128xf32, #tpu.memory_space<hbm>>) dst(%arg9 : memref<112x128xf32, #tpu.memory_space<vmem>>)
      %dma_start3A_221 = arith.constant 5 : i32
      %dma_start3A_222 = arith.constant 0 : i32
      %dma_start3A_223 = tpu.memref_slice %arg6[%rem3A_71, %dma_start3A_221, %dma_start3A_222] : memref<2x6x112xi32, #tpu.memory_space<vmem>> -> memref<1x1x112xi32, #tpu.memory_space<vmem>>
      %dma_start3A_224 = tpu.memref_squeeze %dma_start3A_223 : memref<1x1x112xi32, #tpu.memory_space<vmem>> -> memref<112xi32, #tpu.memory_space<vmem>>
      %dma_start3A_225 = arith.constant 0 : i32
      %dma_start3A_226 = arith.constant 0 : i32
      %dma_start3A_227 = tpu.memref_slice %arg10[%dma_start3A_225, %dma_start3A_226] : memref<10240x128xf32, #tpu.memory_space<vmem_shared>> -> memref<10240x128xf32, #tpu.memory_space<vmem_shared>>
      tpu.enqueue_indirect_dma source(%arg9 : memref<112x128xf32, #tpu.memory_space<vmem>>) target(%dma_start3A_227 : memref<10240x128xf32, #tpu.memory_space<vmem_shared>>) offsets(%dma_start3A_224 : memref<112xi32, #tpu.memory_space<vmem>>) semaphore(%arg16 : memref<!tpu.dma_semaphore, #tpu.memory_space<semaphore_mem>>) {add = true}
      %dma_wait3A_228 = arith.constant 4 : i32
      %dma_wait3A_229 = arith.constant 0 : i32
      %dma_wait3A_230 = tpu.memref_slice %arg6[%rem3A_71, %dma_wait3A_228, %dma_wait3A_229] : memref<2x6x112xi32, #tpu.memory_space<vmem>> -> memref<1x1x112xi32, #tpu.memory_space<vmem>>
      %dma_wait3A_231 = tpu.memref_squeeze %dma_wait3A_230 : memref<1x1x112xi32, #tpu.memory_space<vmem>> -> memref<112xi32, #tpu.memory_space<vmem>>
      %dma_wait3A_232 = arith.constant 0 : i32
      %dma_wait3A_233 = arith.constant 0 : i32
      %dma_wait3A_234 = tpu.memref_slice %arg10[%dma_wait3A_232, %dma_wait3A_233] : memref<10240x128xf32, #tpu.memory_space<vmem_shared>> -> memref<10240x128xf32, #tpu.memory_space<vmem_shared>>
      tpu.wait_indirect_dma semaphore(%arg15 : memref<!tpu.dma_semaphore, #tpu.memory_space<semaphore_mem>>) src(%arg8 : memref<112x128xf32, #tpu.memory_space<vmem>>) dst(%dma_wait3A_234 : memref<10240x128xf32, #tpu.memory_space<vmem_shared>>)
      %convert_element_type3A_235 = arith.extui %lt3A_76 : i1 to i32
      %cond3A_236 = arith.constant 0 : i32
      %cond3A_237 = arith.cmpi ne, %convert_element_type3A_235, %cond3A_236 : i32
      scf.if %cond3A_237 {
        %dma_start3A_238 = arith.constant 1 : i32
        %dma_start3A_239 = arith.constant 0 : i32
        %dma_start3A_240 = tpu.memref_slice %arg5[%rem3A_75, %dma_start3A_238, %dma_start3A_239] : memref<2x6x112xi32, #tpu.memory_space<vmem>> -> memref<1x1x112xi32, #tpu.memory_space<vmem>>
        %dma_start3A_241 = tpu.memref_squeeze %dma_start3A_240 : memref<1x1x112xi32, #tpu.memory_space<vmem>> -> memref<112xi32, #tpu.memory_space<vmem>>
        %dma_start3A_242 = arith.constant 0 : i32
        %dma_start3A_243 = arith.constant 0 : i32
        %dma_start3A_244 = tpu.memref_slice %arg3[%dma_start3A_242, %dma_start3A_243] : memref<10000x128xf32, #tpu.memory_space<hbm>> -> memref<10000x128xf32, #tpu.memory_space<hbm>>
        tpu.enqueue_indirect_dma source(%dma_start3A_244 : memref<10000x128xf32, #tpu.memory_space<hbm>>) target(%arg8 : memref<112x128xf32, #tpu.memory_space<vmem>>) offsets(%dma_start3A_241 : memref<112xi32, #tpu.memory_space<vmem>>) semaphore(%arg12 : memref<!tpu.dma_semaphore, #tpu.memory_space<semaphore_mem>>)
      } else {
      }
    }
    %scan3A_57 = arith.constant 15 : i32
    %dma_wait3A = arith.constant 0 : i32
    %dma_wait3A_58 = arith.constant 0 : i32
    %dma_wait3A_59 = arith.constant 0 : i32
    %dma_wait3A_60 = tpu.memref_slice %arg6[%dma_wait3A, %dma_wait3A_58, %dma_wait3A_59] : memref<2x6x112xi32, #tpu.memory_space<vmem>> -> memref<1x1x112xi32, #tpu.memory_space<vmem>>
    %dma_wait3A_61 = tpu.memref_squeeze %dma_wait3A_60 : memref<1x1x112xi32, #tpu.memory_space<vmem>> -> memref<112xi32, #tpu.memory_space<vmem>>
    %dma_wait3A_62 = arith.constant 0 : i32
    %dma_wait3A_63 = arith.constant 0 : i32
    %dma_wait3A_64 = tpu.memref_slice %arg10[%dma_wait3A_62, %dma_wait3A_63] : memref<10240x128xf32, #tpu.memory_space<vmem_shared>> -> memref<10240x128xf32, #tpu.memory_space<vmem_shared>>
    tpu.wait_indirect_dma semaphore(%arg16 : memref<!tpu.dma_semaphore, #tpu.memory_space<semaphore_mem>>) src(%arg9 : memref<112x128xf32, #tpu.memory_space<vmem>>) dst(%dma_wait3A_64 : memref<10240x128xf32, #tpu.memory_space<vmem_shared>>)
    %barrier3A_65 = arith.constant 0 : index
    tpu.barrier barrier_id(%barrier3A_65)
    %mul3A_66 = arith.constant 640 : i32
    %mul3A_67 = arith.muli %arg1, %mul3A_66 : i32
    %mul3A_68 = arith.constant 640 : i32
    %mul3A_69 = arith.muli %arg1, %mul3A_68 : i32
    "tpu.region"() ({
      %run_scoped3A_70 = tpu.sem_alloc : memref<!tpu.dma_semaphore, #tpu.memory_space<semaphore_mem>>
      %dma_start3A_71 = arith.constant 0 : i32
      %dma_start3A_72 = tpu.memref_slice %arg4[%arg0, %mul3A_69, %dma_start3A_71] : memref<2x10240x128xf32, #tpu.memory_space<hbm>> -> memref<1x640x128xf32, #tpu.memory_space<hbm>>
      %dma_start3A_73 = tpu.memref_squeeze %dma_start3A_72 : memref<1x640x128xf32, #tpu.memory_space<hbm>> -> memref<640x128xf32, #tpu.memory_space<hbm>>
      %dma_start3A_74 = arith.constant 0 : i32
      %dma_start3A_75 = tpu.memref_slice %arg10[%mul3A_67, %dma_start3A_74] : memref<10240x128xf32, #tpu.memory_space<vmem_shared>> -> memref<640x128xf32, #tpu.memory_space<vmem_shared>>
      tpu.enqueue_dma source(%dma_start3A_75 : memref<640x128xf32, #tpu.memory_space<vmem_shared>>) target(%dma_start3A_73 : memref<640x128xf32, #tpu.memory_space<hbm>>) target_semaphore(%run_scoped3A_70 : memref<!tpu.dma_semaphore, #tpu.memory_space<semaphore_mem>>)
      %dma_wait3A_76 = arith.constant 0 : i32
      %dma_wait3A_77 = tpu.memref_slice %arg4[%arg0, %mul3A_69, %dma_wait3A_76] : memref<2x10240x128xf32, #tpu.memory_space<hbm>> -> memref<1x640x128xf32, #tpu.memory_space<hbm>>
      %dma_wait3A_78 = tpu.memref_squeeze %dma_wait3A_77 : memref<1x640x128xf32, #tpu.memory_space<hbm>> -> memref<640x128xf32, #tpu.memory_space<hbm>>
      %dma_wait3A_79 = arith.constant 0 : i32
      %dma_wait3A_80 = tpu.memref_slice %arg10[%mul3A_67, %dma_wait3A_79] : memref<10240x128xf32, #tpu.memory_space<vmem_shared>> -> memref<640x128xf32, #tpu.memory_space<vmem_shared>>
      tpu.wait_dma2 semaphore(%run_scoped3A_70 : memref<!tpu.dma_semaphore, #tpu.memory_space<semaphore_mem>>) src(%dma_wait3A_80 : memref<640x128xf32, #tpu.memory_space<vmem_shared>>) dst(%dma_wait3A_78 : memref<640x128xf32, #tpu.memory_space<hbm>>)
      tpu.yield
    }) : () -> ()
    return
  }
}

#map = affine_map<(d0, d1) -> (0, 0, 0)>
#map1 = affine_map<(d0, d1) -> (0, 0)>
module attributes {stable_mosaic.version = 14 : i64} {
  func.func @body(%arg0: i32, %arg1: i32, %arg2: memref<960x6x112xi32, #tpu.memory_space<hbm>>, %arg3: memref<10000x128xf32, #tpu.memory_space<hbm>>, %arg4: memref<2x10240x128xf32, #tpu.memory_space<hbm>>, %arg5: memref<2x10240xf32, #tpu.memory_space<hbm>>, %arg6: memref<2x6x112xi32, #tpu.memory_space<vmem>>, %arg7: memref<2x6x112xi32, #tpu.memory_space<vmem>>, %arg8: memref<112x128xf32, #tpu.memory_space<vmem>>, %arg9: memref<112x128xf32, #tpu.memory_space<vmem>>, %arg10: memref<112x128xf32, #tpu.memory_space<vmem>>, %arg11: memref<10240x128xf32, #tpu.memory_space<vmem_shared>>, %arg12: memref<!tpu.dma_semaphore, #tpu.memory_space<semaphore_mem>>, %arg13: memref<!tpu.dma_semaphore, #tpu.memory_space<semaphore_mem>>, %arg14: memref<!tpu.dma_semaphore, #tpu.memory_space<semaphore_mem>>, %arg15: memref<!tpu.dma_semaphore, #tpu.memory_space<semaphore_mem>>, %arg16: memref<!tpu.dma_semaphore, #tpu.memory_space<semaphore_mem>>, %arg17: memref<!tpu.dma_semaphore, #tpu.memory_space<semaphore_mem>>, %arg18: memref<!tpu.dma_semaphore, #tpu.memory_space<semaphore_mem>>, %arg19: memref<112xf32, #tpu.memory_space<vmem>>, %arg20: memref<128xf32, #tpu.memory_space<vmem>>, %arg21: memref<10240xf32, #tpu.memory_space<vmem_shared>>) attributes {dimension_semantics = [#tpu.dimension_semantics<core_parallel>, #tpu.dimension_semantics<subcore_parallel>], iteration_bounds = array<i64: 2, 16>, scalar_prefetch = 0 : i64, scratch_operands = 16 : i64, tpu.core_type = #tpu.core_type<sc_vector_subcore>, window_params = [{transform_indices = #map}, {transform_indices = #map1}, {transform_indices = #map}, {transform_indices = #map1}]} {
    %mul3A = arith.constant 2 : i32
    %mul3A_0 = arith.muli %arg1, %mul3A : i32
    %add3A = arith.addi %mul3A_0, %arg0 : i32
    %scan3A = arith.constant 0 : i32
    %scan3A_1 = arith.constant 0 : i32
    %scan3A_2 = arith.constant 112 : i32
    %scan3A_3 = arith.addi %scan3A_1, %scan3A_2 : i32
    %scan3A_4 = arith.constant 1 : i32
    scf.for %scan3A_182 = %scan3A_1 to %scan3A_3 step %scan3A_4  : i32 {
      %broadcast_in_dim3A_183 = arith.constant 0.000000e+00 : f32
      %broadcast_in_dim3A_184 = vector.broadcast %broadcast_in_dim3A_183 : f32 to vector<16xf32>
      %swap3A_185 = arith.index_cast %scan3A_182 : i32 to index
      %swap3A_186 = arith.constant 0 : index
      %swap3A_187 = tpu.vector_load %arg8[%swap3A_185, %swap3A_186] {strides = array<i32>} : memref<112x128xf32, #tpu.memory_space<vmem>>, vector<1x16xf32>,
      %swap3A_188 = vector.shape_cast %swap3A_187 : vector<1x16xf32> to vector<16xf32>
      %swap3A_189 = vector.shape_cast %broadcast_in_dim3A_184 : vector<16xf32> to vector<1x16xf32>
      tpu.vector_store %arg8[%swap3A_185, %swap3A_186], %swap3A_189 {strides = array<i32>} : memref<112x128xf32, #tpu.memory_space<vmem>>, vector<1x16xf32>,
      %broadcast_in_dim3A_190 = arith.constant 0.000000e+00 : f32
      %broadcast_in_dim3A_191 = vector.broadcast %broadcast_in_dim3A_190 : f32 to vector<16xf32>
      %swap3A_192 = arith.index_cast %scan3A_182 : i32 to index
      %swap3A_193 = arith.constant 16 : index
      %swap3A_194 = tpu.vector_load %arg8[%swap3A_192, %swap3A_193] {strides = array<i32>} : memref<112x128xf32, #tpu.memory_space<vmem>>, vector<1x16xf32>,
      %swap3A_195 = vector.shape_cast %swap3A_194 : vector<1x16xf32> to vector<16xf32>
      %swap3A_196 = vector.shape_cast %broadcast_in_dim3A_191 : vector<16xf32> to vector<1x16xf32>
      tpu.vector_store %arg8[%swap3A_192, %swap3A_193], %swap3A_196 {strides = array<i32>} : memref<112x128xf32, #tpu.memory_space<vmem>>, vector<1x16xf32>,
      %broadcast_in_dim3A_197 = arith.constant 0.000000e+00 : f32
      %broadcast_in_dim3A_198 = vector.broadcast %broadcast_in_dim3A_197 : f32 to vector<16xf32>
      %swap3A_199 = arith.index_cast %scan3A_182 : i32 to index
      %swap3A_200 = arith.constant 32 : index
      %swap3A_201 = tpu.vector_load %arg8[%swap3A_199, %swap3A_200] {strides = array<i32>} : memref<112x128xf32, #tpu.memory_space<vmem>>, vector<1x16xf32>,
      %swap3A_202 = vector.shape_cast %swap3A_201 : vector<1x16xf32> to vector<16xf32>
      %swap3A_203 = vector.shape_cast %broadcast_in_dim3A_198 : vector<16xf32> to vector<1x16xf32>
      tpu.vector_store %arg8[%swap3A_199, %swap3A_200], %swap3A_203 {strides = array<i32>} : memref<112x128xf32, #tpu.memory_space<vmem>>, vector<1x16xf32>,
      %broadcast_in_dim3A_204 = arith.constant 0.000000e+00 : f32
      %broadcast_in_dim3A_205 = vector.broadcast %broadcast_in_dim3A_204 : f32 to vector<16xf32>
      %swap3A_206 = arith.index_cast %scan3A_182 : i32 to index
      %swap3A_207 = arith.constant 48 : index
      %swap3A_208 = tpu.vector_load %arg8[%swap3A_206, %swap3A_207] {strides = array<i32>} : memref<112x128xf32, #tpu.memory_space<vmem>>, vector<1x16xf32>,
      %swap3A_209 = vector.shape_cast %swap3A_208 : vector<1x16xf32> to vector<16xf32>
      %swap3A_210 = vector.shape_cast %broadcast_in_dim3A_205 : vector<16xf32> to vector<1x16xf32>
      tpu.vector_store %arg8[%swap3A_206, %swap3A_207], %swap3A_210 {strides = array<i32>} : memref<112x128xf32, #tpu.memory_space<vmem>>, vector<1x16xf32>,
      %broadcast_in_dim3A_211 = arith.constant 0.000000e+00 : f32
      %broadcast_in_dim3A_212 = vector.broadcast %broadcast_in_dim3A_211 : f32 to vector<16xf32>
      %swap3A_213 = arith.index_cast %scan3A_182 : i32 to index
      %swap3A_214 = arith.constant 64 : index
      %swap3A_215 = tpu.vector_load %arg8[%swap3A_213, %swap3A_214] {strides = array<i32>} : memref<112x128xf32, #tpu.memory_space<vmem>>, vector<1x16xf32>,
      %swap3A_216 = vector.shape_cast %swap3A_215 : vector<1x16xf32> to vector<16xf32>
      %swap3A_217 = vector.shape_cast %broadcast_in_dim3A_212 : vector<16xf32> to vector<1x16xf32>
      tpu.vector_store %arg8[%swap3A_213, %swap3A_214], %swap3A_217 {strides = array<i32>} : memref<112x128xf32, #tpu.memory_space<vmem>>, vector<1x16xf32>,
      %broadcast_in_dim3A_218 = arith.constant 0.000000e+00 : f32
      %broadcast_in_dim3A_219 = vector.broadcast %broadcast_in_dim3A_218 : f32 to vector<16xf32>
      %swap3A_220 = arith.index_cast %scan3A_182 : i32 to index
      %swap3A_221 = arith.constant 80 : index
      %swap3A_222 = tpu.vector_load %arg8[%swap3A_220, %swap3A_221] {strides = array<i32>} : memref<112x128xf32, #tpu.memory_space<vmem>>, vector<1x16xf32>,
      %swap3A_223 = vector.shape_cast %swap3A_222 : vector<1x16xf32> to vector<16xf32>
      %swap3A_224 = vector.shape_cast %broadcast_in_dim3A_219 : vector<16xf32> to vector<1x16xf32>
      tpu.vector_store %arg8[%swap3A_220, %swap3A_221], %swap3A_224 {strides = array<i32>} : memref<112x128xf32, #tpu.memory_space<vmem>>, vector<1x16xf32>,
      %broadcast_in_dim3A_225 = arith.constant 0.000000e+00 : f32
      %broadcast_in_dim3A_226 = vector.broadcast %broadcast_in_dim3A_225 : f32 to vector<16xf32>
      %swap3A_227 = arith.index_cast %scan3A_182 : i32 to index
      %swap3A_228 = arith.constant 96 : index
      %swap3A_229 = tpu.vector_load %arg8[%swap3A_227, %swap3A_228] {strides = array<i32>} : memref<112x128xf32, #tpu.memory_space<vmem>>, vector<1x16xf32>,
      %swap3A_230 = vector.shape_cast %swap3A_229 : vector<1x16xf32> to vector<16xf32>
      %swap3A_231 = vector.shape_cast %broadcast_in_dim3A_226 : vector<16xf32> to vector<1x16xf32>
      tpu.vector_store %arg8[%swap3A_227, %swap3A_228], %swap3A_231 {strides = array<i32>} : memref<112x128xf32, #tpu.memory_space<vmem>>, vector<1x16xf32>,
      %broadcast_in_dim3A_232 = arith.constant 0.000000e+00 : f32
      %broadcast_in_dim3A_233 = vector.broadcast %broadcast_in_dim3A_232 : f32 to vector<16xf32>
      %swap3A_234 = arith.index_cast %scan3A_182 : i32 to index
      %swap3A_235 = arith.constant 112 : index
      %swap3A_236 = tpu.vector_load %arg8[%swap3A_234, %swap3A_235] {strides = array<i32>} : memref<112x128xf32, #tpu.memory_space<vmem>>, vector<1x16xf32>,
      %swap3A_237 = vector.shape_cast %swap3A_236 : vector<1x16xf32> to vector<16xf32>
      %swap3A_238 = vector.shape_cast %broadcast_in_dim3A_233 : vector<16xf32> to vector<1x16xf32>
      tpu.vector_store %arg8[%swap3A_234, %swap3A_235], %swap3A_238 {strides = array<i32>} : memref<112x128xf32, #tpu.memory_space<vmem>>, vector<1x16xf32>,
    }
    %scan3A_5 = arith.constant 112 : i32
    %mul3A_6 = arith.constant 640 : i32
    %mul3A_7 = arith.muli %arg1, %mul3A_6 : i32
    %add3A_8 = arith.constant 0 : i32
    %add3A_9 = arith.addi %mul3A_7, %add3A_8 : i32
    "tpu.region"() ({
      %run_scoped3A_182 = tpu.sem_alloc : memref<!tpu.dma_semaphore, #tpu.memory_space<semaphore_mem>>
      %dma_start3A_183 = arith.constant 0 : i32
      %dma_start3A_184 = tpu.memref_slice %arg11[%add3A_9, %dma_start3A_183] : memref<10240x128xf32, #tpu.memory_space<vmem_shared>> -> memref<112x128xf32, #tpu.memory_space<vmem_shared>>
      %dma_start3A_185 = arith.constant 0 : i32
      %dma_start3A_186 = tpu.memref_slice %arg11[%add3A_9, %dma_start3A_185] : memref<10240x128xf32, #tpu.memory_space<vmem_shared>> -> memref<112x128xf32, #tpu.memory_space<vmem_shared>>
      tpu.enqueue_dma source(%arg8 : memref<112x128xf32, #tpu.memory_space<vmem>>) target(%dma_start3A_186 : memref<112x128xf32, #tpu.memory_space<vmem_shared>>) target_semaphore(%run_scoped3A_182 : memref<!tpu.dma_semaphore, #tpu.memory_space<semaphore_mem>>)
      %dma_wait3A_187 = arith.constant 0 : i32
      %dma_wait3A_188 = tpu.memref_slice %arg11[%add3A_9, %dma_wait3A_187] : memref<10240x128xf32, #tpu.memory_space<vmem_shared>> -> memref<112x128xf32, #tpu.memory_space<vmem_shared>>
      %dma_wait3A_189 = arith.constant 0 : i32
      %dma_wait3A_190 = tpu.memref_slice %arg11[%add3A_9, %dma_wait3A_189] : memref<10240x128xf32, #tpu.memory_space<vmem_shared>> -> memref<112x128xf32, #tpu.memory_space<vmem_shared>>
      tpu.wait_dma2 semaphore(%run_scoped3A_182 : memref<!tpu.dma_semaphore, #tpu.memory_space<semaphore_mem>>) src(%arg8 : memref<112x128xf32, #tpu.memory_space<vmem>>) dst(%dma_wait3A_190 : memref<112x128xf32, #tpu.memory_space<vmem_shared>>)
      tpu.yield
    }) : () -> ()
    %mul3A_10 = arith.constant 640 : i32
    %mul3A_11 = arith.muli %arg1, %mul3A_10 : i32
    %add3A_12 = arith.constant 112 : i32
    %add3A_13 = arith.addi %mul3A_11, %add3A_12 : i32
    "tpu.region"() ({
      %run_scoped3A_182 = tpu.sem_alloc : memref<!tpu.dma_semaphore, #tpu.memory_space<semaphore_mem>>
      %dma_start3A_183 = arith.constant 0 : i32
      %dma_start3A_184 = tpu.memref_slice %arg11[%add3A_13, %dma_start3A_183] : memref<10240x128xf32, #tpu.memory_space<vmem_shared>> -> memref<112x128xf32, #tpu.memory_space<vmem_shared>>
      %dma_start3A_185 = arith.constant 0 : i32
      %dma_start3A_186 = tpu.memref_slice %arg11[%add3A_13, %dma_start3A_185] : memref<10240x128xf32, #tpu.memory_space<vmem_shared>> -> memref<112x128xf32, #tpu.memory_space<vmem_shared>>
      tpu.enqueue_dma source(%arg8 : memref<112x128xf32, #tpu.memory_space<vmem>>) target(%dma_start3A_186 : memref<112x128xf32, #tpu.memory_space<vmem_shared>>) target_semaphore(%run_scoped3A_182 : memref<!tpu.dma_semaphore, #tpu.memory_space<semaphore_mem>>)
      %dma_wait3A_187 = arith.constant 0 : i32
      %dma_wait3A_188 = tpu.memref_slice %arg11[%add3A_13, %dma_wait3A_187] : memref<10240x128xf32, #tpu.memory_space<vmem_shared>> -> memref<112x128xf32, #tpu.memory_space<vmem_shared>>
      %dma_wait3A_189 = arith.constant 0 : i32
      %dma_wait3A_190 = tpu.memref_slice %arg11[%add3A_13, %dma_wait3A_189] : memref<10240x128xf32, #tpu.memory_space<vmem_shared>> -> memref<112x128xf32, #tpu.memory_space<vmem_shared>>
      tpu.wait_dma2 semaphore(%run_scoped3A_182 : memref<!tpu.dma_semaphore, #tpu.memory_space<semaphore_mem>>) src(%arg8 : memref<112x128xf32, #tpu.memory_space<vmem>>) dst(%dma_wait3A_190 : memref<112x128xf32, #tpu.memory_space<vmem_shared>>)
      tpu.yield
    }) : () -> ()
    %mul3A_14 = arith.constant 640 : i32
    %mul3A_15 = arith.muli %arg1, %mul3A_14 : i32
    %add3A_16 = arith.constant 224 : i32
    %add3A_17 = arith.addi %mul3A_15, %add3A_16 : i32
    "tpu.region"() ({
      %run_scoped3A_182 = tpu.sem_alloc : memref<!tpu.dma_semaphore, #tpu.memory_space<semaphore_mem>>
      %dma_start3A_183 = arith.constant 0 : i32
      %dma_start3A_184 = tpu.memref_slice %arg11[%add3A_17, %dma_start3A_183] : memref<10240x128xf32, #tpu.memory_space<vmem_shared>> -> memref<112x128xf32, #tpu.memory_space<vmem_shared>>
      %dma_start3A_185 = arith.constant 0 : i32
      %dma_start3A_186 = tpu.memref_slice %arg11[%add3A_17, %dma_start3A_185] : memref<10240x128xf32, #tpu.memory_space<vmem_shared>> -> memref<112x128xf32, #tpu.memory_space<vmem_shared>>
      tpu.enqueue_dma source(%arg8 : memref<112x128xf32, #tpu.memory_space<vmem>>) target(%dma_start3A_186 : memref<112x128xf32, #tpu.memory_space<vmem_shared>>) target_semaphore(%run_scoped3A_182 : memref<!tpu.dma_semaphore, #tpu.memory_space<semaphore_mem>>)
      %dma_wait3A_187 = arith.constant 0 : i32
      %dma_wait3A_188 = tpu.memref_slice %arg11[%add3A_17, %dma_wait3A_187] : memref<10240x128xf32, #tpu.memory_space<vmem_shared>> -> memref<112x128xf32, #tpu.memory_space<vmem_shared>>
      %dma_wait3A_189 = arith.constant 0 : i32
      %dma_wait3A_190 = tpu.memref_slice %arg11[%add3A_17, %dma_wait3A_189] : memref<10240x128xf32, #tpu.memory_space<vmem_shared>> -> memref<112x128xf32, #tpu.memory_space<vmem_shared>>
      tpu.wait_dma2 semaphore(%run_scoped3A_182 : memref<!tpu.dma_semaphore, #tpu.memory_space<semaphore_mem>>) src(%arg8 : memref<112x128xf32, #tpu.memory_space<vmem>>) dst(%dma_wait3A_190 : memref<112x128xf32, #tpu.memory_space<vmem_shared>>)
      tpu.yield
    }) : () -> ()
    %mul3A_18 = arith.constant 640 : i32
    %mul3A_19 = arith.muli %arg1, %mul3A_18 : i32
    %add3A_20 = arith.constant 336 : i32
    %add3A_21 = arith.addi %mul3A_19, %add3A_20 : i32
    "tpu.region"() ({
      %run_scoped3A_182 = tpu.sem_alloc : memref<!tpu.dma_semaphore, #tpu.memory_space<semaphore_mem>>
      %dma_start3A_183 = arith.constant 0 : i32
      %dma_start3A_184 = tpu.memref_slice %arg11[%add3A_21, %dma_start3A_183] : memref<10240x128xf32, #tpu.memory_space<vmem_shared>> -> memref<112x128xf32, #tpu.memory_space<vmem_shared>>
      %dma_start3A_185 = arith.constant 0 : i32
      %dma_start3A_186 = tpu.memref_slice %arg11[%add3A_21, %dma_start3A_185] : memref<10240x128xf32, #tpu.memory_space<vmem_shared>> -> memref<112x128xf32, #tpu.memory_space<vmem_shared>>
      tpu.enqueue_dma source(%arg8 : memref<112x128xf32, #tpu.memory_space<vmem>>) target(%dma_start3A_186 : memref<112x128xf32, #tpu.memory_space<vmem_shared>>) target_semaphore(%run_scoped3A_182 : memref<!tpu.dma_semaphore, #tpu.memory_space<semaphore_mem>>)
      %dma_wait3A_187 = arith.constant 0 : i32
      %dma_wait3A_188 = tpu.memref_slice %arg11[%add3A_21, %dma_wait3A_187] : memref<10240x128xf32, #tpu.memory_space<vmem_shared>> -> memref<112x128xf32, #tpu.memory_space<vmem_shared>>
      %dma_wait3A_189 = arith.constant 0 : i32
      %dma_wait3A_190 = tpu.memref_slice %arg11[%add3A_21, %dma_wait3A_189] : memref<10240x128xf32, #tpu.memory_space<vmem_shared>> -> memref<112x128xf32, #tpu.memory_space<vmem_shared>>
      tpu.wait_dma2 semaphore(%run_scoped3A_182 : memref<!tpu.dma_semaphore, #tpu.memory_space<semaphore_mem>>) src(%arg8 : memref<112x128xf32, #tpu.memory_space<vmem>>) dst(%dma_wait3A_190 : memref<112x128xf32, #tpu.memory_space<vmem_shared>>)
      tpu.yield
    }) : () -> ()
    %mul3A_22 = arith.constant 640 : i32
    %mul3A_23 = arith.muli %arg1, %mul3A_22 : i32
    %add3A_24 = arith.constant 448 : i32
    %add3A_25 = arith.addi %mul3A_23, %add3A_24 : i32
    "tpu.region"() ({
      %run_scoped3A_182 = tpu.sem_alloc : memref<!tpu.dma_semaphore, #tpu.memory_space<semaphore_mem>>
      %dma_start3A_183 = arith.constant 0 : i32
      %dma_start3A_184 = tpu.memref_slice %arg11[%add3A_25, %dma_start3A_183] : memref<10240x128xf32, #tpu.memory_space<vmem_shared>> -> memref<112x128xf32, #tpu.memory_space<vmem_shared>>
      %dma_start3A_185 = arith.constant 0 : i32
      %dma_start3A_186 = tpu.memref_slice %arg11[%add3A_25, %dma_start3A_185] : memref<10240x128xf32, #tpu.memory_space<vmem_shared>> -> memref<112x128xf32, #tpu.memory_space<vmem_shared>>
      tpu.enqueue_dma source(%arg8 : memref<112x128xf32, #tpu.memory_space<vmem>>) target(%dma_start3A_186 : memref<112x128xf32, #tpu.memory_space<vmem_shared>>) target_semaphore(%run_scoped3A_182 : memref<!tpu.dma_semaphore, #tpu.memory_space<semaphore_mem>>)
      %dma_wait3A_187 = arith.constant 0 : i32
      %dma_wait3A_188 = tpu.memref_slice %arg11[%add3A_25, %dma_wait3A_187] : memref<10240x128xf32, #tpu.memory_space<vmem_shared>> -> memref<112x128xf32, #tpu.memory_space<vmem_shared>>
      %dma_wait3A_189 = arith.constant 0 : i32
      %dma_wait3A_190 = tpu.memref_slice %arg11[%add3A_25, %dma_wait3A_189] : memref<10240x128xf32, #tpu.memory_space<vmem_shared>> -> memref<112x128xf32, #tpu.memory_space<vmem_shared>>
      tpu.wait_dma2 semaphore(%run_scoped3A_182 : memref<!tpu.dma_semaphore, #tpu.memory_space<semaphore_mem>>) src(%arg8 : memref<112x128xf32, #tpu.memory_space<vmem>>) dst(%dma_wait3A_190 : memref<112x128xf32, #tpu.memory_space<vmem_shared>>)
      tpu.yield
    }) : () -> ()
    %mul3A_26 = arith.constant 640 : i32
    %mul3A_27 = arith.muli %arg1, %mul3A_26 : i32
    %add3A_28 = arith.constant 560 : i32
    %add3A_29 = arith.addi %mul3A_27, %add3A_28 : i32
    "tpu.region"() ({
      %run_scoped3A_182 = tpu.sem_alloc : memref<!tpu.dma_semaphore, #tpu.memory_space<semaphore_mem>>
      %dma_start3A_183 = arith.constant 0 : i32
      %dma_start3A_184 = arith.constant 0 : i32
      %dma_start3A_185 = tpu.memref_slice %arg8[%dma_start3A_183, %dma_start3A_184] : memref<112x128xf32, #tpu.memory_space<vmem>> -> memref<80x128xf32, #tpu.memory_space<vmem>>
      %dma_start3A_186 = arith.constant 0 : i32
      %dma_start3A_187 = tpu.memref_slice %arg11[%add3A_29, %dma_start3A_186] : memref<10240x128xf32, #tpu.memory_space<vmem_shared>> -> memref<80x128xf32, #tpu.memory_space<vmem_shared>>
      %dma_start3A_188 = arith.constant 0 : i32
      %dma_start3A_189 = tpu.memref_slice %arg11[%add3A_29, %dma_start3A_188] : memref<10240x128xf32, #tpu.memory_space<vmem_shared>> -> memref<80x128xf32, #tpu.memory_space<vmem_shared>>
      %dma_start3A_190 = arith.constant 0 : i32
      %dma_start3A_191 = arith.constant 0 : i32
      %dma_start3A_192 = tpu.memref_slice %arg8[%dma_start3A_190, %dma_start3A_191] : memref<112x128xf32, #tpu.memory_space<vmem>> -> memref<80x128xf32, #tpu.memory_space<vmem>>
      tpu.enqueue_dma source(%dma_start3A_192 : memref<80x128xf32, #tpu.memory_space<vmem>>) target(%dma_start3A_189 : memref<80x128xf32, #tpu.memory_space<vmem_shared>>) target_semaphore(%run_scoped3A_182 : memref<!tpu.dma_semaphore, #tpu.memory_space<semaphore_mem>>)
      %dma_wait3A_193 = arith.constant 0 : i32
      %dma_wait3A_194 = arith.constant 0 : i32
      %dma_wait3A_195 = tpu.memref_slice %arg8[%dma_wait3A_193, %dma_wait3A_194] : memref<112x128xf32, #tpu.memory_space<vmem>> -> memref<80x128xf32, #tpu.memory_space<vmem>>
      %dma_wait3A_196 = arith.constant 0 : i32
      %dma_wait3A_197 = tpu.memref_slice %arg11[%add3A_29, %dma_wait3A_196] : memref<10240x128xf32, #tpu.memory_space<vmem_shared>> -> memref<80x128xf32, #tpu.memory_space<vmem_shared>>
      %dma_wait3A_198 = arith.constant 0 : i32
      %dma_wait3A_199 = tpu.memref_slice %arg11[%add3A_29, %dma_wait3A_198] : memref<10240x128xf32, #tpu.memory_space<vmem_shared>> -> memref<80x128xf32, #tpu.memory_space<vmem_shared>>
      %dma_wait3A_200 = arith.constant 0 : i32
      %dma_wait3A_201 = arith.constant 0 : i32
      %dma_wait3A_202 = tpu.memref_slice %arg8[%dma_wait3A_200, %dma_wait3A_201] : memref<112x128xf32, #tpu.memory_space<vmem>> -> memref<80x128xf32, #tpu.memory_space<vmem>>
      tpu.wait_dma2 semaphore(%run_scoped3A_182 : memref<!tpu.dma_semaphore, #tpu.memory_space<semaphore_mem>>) src(%dma_wait3A_202 : memref<80x128xf32, #tpu.memory_space<vmem>>) dst(%dma_wait3A_199 : memref<80x128xf32, #tpu.memory_space<vmem_shared>>)
      tpu.yield
    }) : () -> ()
    %broadcast_in_dim3A = arith.constant 1.000000e+00 : f32
    %broadcast_in_dim3A_30 = vector.broadcast %broadcast_in_dim3A : f32 to vector<16xf32>
    %swap3A = arith.constant 0 : index
    %swap3A_31 = tpu.vector_load %arg19[%swap3A] {strides = array<i32>} : memref<112xf32, #tpu.memory_space<vmem>>, vector<16xf32>,
    %swap3A_32 = vector.shape_cast %swap3A_31 : vector<16xf32> to vector<16xf32>
    %swap3A_33 = vector.shape_cast %broadcast_in_dim3A_30 : vector<16xf32> to vector<16xf32>
    tpu.vector_store %arg19[%swap3A], %swap3A_33 {strides = array<i32>} : memref<112xf32, #tpu.memory_space<vmem>>, vector<16xf32>,
    %broadcast_in_dim3A_34 = arith.constant 1.000000e+00 : f32
    %broadcast_in_dim3A_35 = vector.broadcast %broadcast_in_dim3A_34 : f32 to vector<16xf32>
    %swap3A_36 = arith.constant 16 : index
    %swap3A_37 = tpu.vector_load %arg19[%swap3A_36] {strides = array<i32>} : memref<112xf32, #tpu.memory_space<vmem>>, vector<16xf32>,
    %swap3A_38 = vector.shape_cast %swap3A_37 : vector<16xf32> to vector<16xf32>
    %swap3A_39 = vector.shape_cast %broadcast_in_dim3A_35 : vector<16xf32> to vector<16xf32>
    tpu.vector_store %arg19[%swap3A_36], %swap3A_39 {strides = array<i32>} : memref<112xf32, #tpu.memory_space<vmem>>, vector<16xf32>,
    %broadcast_in_dim3A_40 = arith.constant 1.000000e+00 : f32
    %broadcast_in_dim3A_41 = vector.broadcast %broadcast_in_dim3A_40 : f32 to vector<16xf32>
    %swap3A_42 = arith.constant 32 : index
    %swap3A_43 = tpu.vector_load %arg19[%swap3A_42] {strides = array<i32>} : memref<112xf32, #tpu.memory_space<vmem>>, vector<16xf32>,
    %swap3A_44 = vector.shape_cast %swap3A_43 : vector<16xf32> to vector<16xf32>
    %swap3A_45 = vector.shape_cast %broadcast_in_dim3A_41 : vector<16xf32> to vector<16xf32>
    tpu.vector_store %arg19[%swap3A_42], %swap3A_45 {strides = array<i32>} : memref<112xf32, #tpu.memory_space<vmem>>, vector<16xf32>,
    %broadcast_in_dim3A_46 = arith.constant 1.000000e+00 : f32
    %broadcast_in_dim3A_47 = vector.broadcast %broadcast_in_dim3A_46 : f32 to vector<16xf32>
    %swap3A_48 = arith.constant 48 : index
    %swap3A_49 = tpu.vector_load %arg19[%swap3A_48] {strides = array<i32>} : memref<112xf32, #tpu.memory_space<vmem>>, vector<16xf32>,
    %swap3A_50 = vector.shape_cast %swap3A_49 : vector<16xf32> to vector<16xf32>
    %swap3A_51 = vector.shape_cast %broadcast_in_dim3A_47 : vector<16xf32> to vector<16xf32>
    tpu.vector_store %arg19[%swap3A_48], %swap3A_51 {strides = array<i32>} : memref<112xf32, #tpu.memory_space<vmem>>, vector<16xf32>,
    %broadcast_in_dim3A_52 = arith.constant 1.000000e+00 : f32
    %broadcast_in_dim3A_53 = vector.broadcast %broadcast_in_dim3A_52 : f32 to vector<16xf32>
    %swap3A_54 = arith.constant 64 : index
    %swap3A_55 = tpu.vector_load %arg19[%swap3A_54] {strides = array<i32>} : memref<112xf32, #tpu.memory_space<vmem>>, vector<16xf32>,
    %swap3A_56 = vector.shape_cast %swap3A_55 : vector<16xf32> to vector<16xf32>
    %swap3A_57 = vector.shape_cast %broadcast_in_dim3A_53 : vector<16xf32> to vector<16xf32>
    tpu.vector_store %arg19[%swap3A_54], %swap3A_57 {strides = array<i32>} : memref<112xf32, #tpu.memory_space<vmem>>, vector<16xf32>,
    %broadcast_in_dim3A_58 = arith.constant 1.000000e+00 : f32
    %broadcast_in_dim3A_59 = vector.broadcast %broadcast_in_dim3A_58 : f32 to vector<16xf32>
    %swap3A_60 = arith.constant 80 : index
    %swap3A_61 = tpu.vector_load %arg19[%swap3A_60] {strides = array<i32>} : memref<112xf32, #tpu.memory_space<vmem>>, vector<16xf32>,
    %swap3A_62 = vector.shape_cast %swap3A_61 : vector<16xf32> to vector<16xf32>
    %swap3A_63 = vector.shape_cast %broadcast_in_dim3A_59 : vector<16xf32> to vector<16xf32>
    tpu.vector_store %arg19[%swap3A_60], %swap3A_63 {strides = array<i32>} : memref<112xf32, #tpu.memory_space<vmem>>, vector<16xf32>,
    %broadcast_in_dim3A_64 = arith.constant 1.000000e+00 : f32
    %broadcast_in_dim3A_65 = vector.broadcast %broadcast_in_dim3A_64 : f32 to vector<16xf32>
    %swap3A_66 = arith.constant 96 : index
    %swap3A_67 = tpu.vector_load %arg19[%swap3A_66] {strides = array<i32>} : memref<112xf32, #tpu.memory_space<vmem>>, vector<16xf32>,
    %swap3A_68 = vector.shape_cast %swap3A_67 : vector<16xf32> to vector<16xf32>
    %swap3A_69 = vector.shape_cast %broadcast_in_dim3A_65 : vector<16xf32> to vector<16xf32>
    tpu.vector_store %arg19[%swap3A_66], %swap3A_69 {strides = array<i32>} : memref<112xf32, #tpu.memory_space<vmem>>, vector<16xf32>,
    %broadcast_in_dim3A_70 = arith.constant 0.000000e+00 : f32
    %broadcast_in_dim3A_71 = vector.broadcast %broadcast_in_dim3A_70 : f32 to vector<16xf32>
    %swap3A_72 = arith.constant 0 : index
    %swap3A_73 = tpu.vector_load %arg20[%swap3A_72] {strides = array<i32>} : memref<128xf32, #tpu.memory_space<vmem>>, vector<16xf32>,
    %swap3A_74 = vector.shape_cast %swap3A_73 : vector<16xf32> to vector<16xf32>
    %swap3A_75 = vector.shape_cast %broadcast_in_dim3A_71 : vector<16xf32> to vector<16xf32>
    tpu.vector_store %arg20[%swap3A_72], %swap3A_75 {strides = array<i32>} : memref<128xf32, #tpu.memory_space<vmem>>, vector<16xf32>,
    %broadcast_in_dim3A_76 = arith.constant 0.000000e+00 : f32
    %broadcast_in_dim3A_77 = vector.broadcast %broadcast_in_dim3A_76 : f32 to vector<16xf32>
    %swap3A_78 = arith.constant 16 : index
    %swap3A_79 = tpu.vector_load %arg20[%swap3A_78] {strides = array<i32>} : memref<128xf32, #tpu.memory_space<vmem>>, vector<16xf32>,
    %swap3A_80 = vector.shape_cast %swap3A_79 : vector<16xf32> to vector<16xf32>
    %swap3A_81 = vector.shape_cast %broadcast_in_dim3A_77 : vector<16xf32> to vector<16xf32>
    tpu.vector_store %arg20[%swap3A_78], %swap3A_81 {strides = array<i32>} : memref<128xf32, #tpu.memory_space<vmem>>, vector<16xf32>,
    %broadcast_in_dim3A_82 = arith.constant 0.000000e+00 : f32
    %broadcast_in_dim3A_83 = vector.broadcast %broadcast_in_dim3A_82 : f32 to vector<16xf32>
    %swap3A_84 = arith.constant 32 : index
    %swap3A_85 = tpu.vector_load %arg20[%swap3A_84] {strides = array<i32>} : memref<128xf32, #tpu.memory_space<vmem>>, vector<16xf32>,
    %swap3A_86 = vector.shape_cast %swap3A_85 : vector<16xf32> to vector<16xf32>
    %swap3A_87 = vector.shape_cast %broadcast_in_dim3A_83 : vector<16xf32> to vector<16xf32>
    tpu.vector_store %arg20[%swap3A_84], %swap3A_87 {strides = array<i32>} : memref<128xf32, #tpu.memory_space<vmem>>, vector<16xf32>,
    %broadcast_in_dim3A_88 = arith.constant 0.000000e+00 : f32
    %broadcast_in_dim3A_89 = vector.broadcast %broadcast_in_dim3A_88 : f32 to vector<16xf32>
    %swap3A_90 = arith.constant 48 : index
    %swap3A_91 = tpu.vector_load %arg20[%swap3A_90] {strides = array<i32>} : memref<128xf32, #tpu.memory_space<vmem>>, vector<16xf32>,
    %swap3A_92 = vector.shape_cast %swap3A_91 : vector<16xf32> to vector<16xf32>
    %swap3A_93 = vector.shape_cast %broadcast_in_dim3A_89 : vector<16xf32> to vector<16xf32>
    tpu.vector_store %arg20[%swap3A_90], %swap3A_93 {strides = array<i32>} : memref<128xf32, #tpu.memory_space<vmem>>, vector<16xf32>,
    %broadcast_in_dim3A_94 = arith.constant 0.000000e+00 : f32
    %broadcast_in_dim3A_95 = vector.broadcast %broadcast_in_dim3A_94 : f32 to vector<16xf32>
    %swap3A_96 = arith.constant 64 : index
    %swap3A_97 = tpu.vector_load %arg20[%swap3A_96] {strides = array<i32>} : memref<128xf32, #tpu.memory_space<vmem>>, vector<16xf32>,
    %swap3A_98 = vector.shape_cast %swap3A_97 : vector<16xf32> to vector<16xf32>
    %swap3A_99 = vector.shape_cast %broadcast_in_dim3A_95 : vector<16xf32> to vector<16xf32>
    tpu.vector_store %arg20[%swap3A_96], %swap3A_99 {strides = array<i32>} : memref<128xf32, #tpu.memory_space<vmem>>, vector<16xf32>,
    %broadcast_in_dim3A_100 = arith.constant 0.000000e+00 : f32
    %broadcast_in_dim3A_101 = vector.broadcast %broadcast_in_dim3A_100 : f32 to vector<16xf32>
    %swap3A_102 = arith.constant 80 : index
    %swap3A_103 = tpu.vector_load %arg20[%swap3A_102] {strides = array<i32>} : memref<128xf32, #tpu.memory_space<vmem>>, vector<16xf32>,
    %swap3A_104 = vector.shape_cast %swap3A_103 : vector<16xf32> to vector<16xf32>
    %swap3A_105 = vector.shape_cast %broadcast_in_dim3A_101 : vector<16xf32> to vector<16xf32>
    tpu.vector_store %arg20[%swap3A_102], %swap3A_105 {strides = array<i32>} : memref<128xf32, #tpu.memory_space<vmem>>, vector<16xf32>,
    %broadcast_in_dim3A_106 = arith.constant 0.000000e+00 : f32
    %broadcast_in_dim3A_107 = vector.broadcast %broadcast_in_dim3A_106 : f32 to vector<16xf32>
    %swap3A_108 = arith.constant 96 : index
    %swap3A_109 = tpu.vector_load %arg20[%swap3A_108] {strides = array<i32>} : memref<128xf32, #tpu.memory_space<vmem>>, vector<16xf32>,
    %swap3A_110 = vector.shape_cast %swap3A_109 : vector<16xf32> to vector<16xf32>
    %swap3A_111 = vector.shape_cast %broadcast_in_dim3A_107 : vector<16xf32> to vector<16xf32>
    tpu.vector_store %arg20[%swap3A_108], %swap3A_111 {strides = array<i32>} : memref<128xf32, #tpu.memory_space<vmem>>, vector<16xf32>,
    %broadcast_in_dim3A_112 = arith.constant 0.000000e+00 : f32
    %broadcast_in_dim3A_113 = vector.broadcast %broadcast_in_dim3A_112 : f32 to vector<16xf32>
    %swap3A_114 = arith.constant 112 : index
    %swap3A_115 = tpu.vector_load %arg20[%swap3A_114] {strides = array<i32>} : memref<128xf32, #tpu.memory_space<vmem>>, vector<16xf32>,
    %swap3A_116 = vector.shape_cast %swap3A_115 : vector<16xf32> to vector<16xf32>
    %swap3A_117 = vector.shape_cast %broadcast_in_dim3A_113 : vector<16xf32> to vector<16xf32>
    tpu.vector_store %arg20[%swap3A_114], %swap3A_117 {strides = array<i32>} : memref<128xf32, #tpu.memory_space<vmem>>, vector<16xf32>,
    %mul3A_118 = arith.constant 640 : i32
    %mul3A_119 = arith.muli %arg1, %mul3A_118 : i32
    %add3A_120 = arith.constant 0 : i32
    %add3A_121 = arith.addi %mul3A_119, %add3A_120 : i32
    "tpu.region"() ({
      %run_scoped3A_182 = tpu.sem_alloc : memref<!tpu.dma_semaphore, #tpu.memory_space<semaphore_mem>>
      %dma_start3A_183 = tpu.memref_slice %arg21[%add3A_121] : memref<10240xf32, #tpu.memory_space<vmem_shared>> -> memref<128xf32, #tpu.memory_space<vmem_shared>>
      %dma_start3A_184 = tpu.memref_slice %arg21[%add3A_121] : memref<10240xf32, #tpu.memory_space<vmem_shared>> -> memref<128xf32, #tpu.memory_space<vmem_shared>>
      tpu.enqueue_dma source(%arg20 : memref<128xf32, #tpu.memory_space<vmem>>) target(%dma_start3A_184 : memref<128xf32, #tpu.memory_space<vmem_shared>>) target_semaphore(%run_scoped3A_182 : memref<!tpu.dma_semaphore, #tpu.memory_space<semaphore_mem>>)
      %dma_wait3A_185 = tpu.memref_slice %arg21[%add3A_121] : memref<10240xf32, #tpu.memory_space<vmem_shared>> -> memref<128xf32, #tpu.memory_space<vmem_shared>>
      %dma_wait3A_186 = tpu.memref_slice %arg21[%add3A_121] : memref<10240xf32, #tpu.memory_space<vmem_shared>> -> memref<128xf32, #tpu.memory_space<vmem_shared>>
      tpu.wait_dma2 semaphore(%run_scoped3A_182 : memref<!tpu.dma_semaphore, #tpu.memory_space<semaphore_mem>>) src(%arg20 : memref<128xf32, #tpu.memory_space<vmem>>) dst(%dma_wait3A_186 : memref<128xf32, #tpu.memory_space<vmem_shared>>)
      tpu.yield
    }) : () -> ()
    %mul3A_122 = arith.constant 640 : i32
    %mul3A_123 = arith.muli %arg1, %mul3A_122 : i32
    %add3A_124 = arith.constant 128 : i32
    %add3A_125 = arith.addi %mul3A_123, %add3A_124 : i32
    "tpu.region"() ({
      %run_scoped3A_182 = tpu.sem_alloc : memref<!tpu.dma_semaphore, #tpu.memory_space<semaphore_mem>>
      %dma_start3A_183 = tpu.memref_slice %arg21[%add3A_125] : memref<10240xf32, #tpu.memory_space<vmem_shared>> -> memref<128xf32, #tpu.memory_space<vmem_shared>>
      %dma_start3A_184 = tpu.memref_slice %arg21[%add3A_125] : memref<10240xf32, #tpu.memory_space<vmem_shared>> -> memref<128xf32, #tpu.memory_space<vmem_shared>>
      tpu.enqueue_dma source(%arg20 : memref<128xf32, #tpu.memory_space<vmem>>) target(%dma_start3A_184 : memref<128xf32, #tpu.memory_space<vmem_shared>>) target_semaphore(%run_scoped3A_182 : memref<!tpu.dma_semaphore, #tpu.memory_space<semaphore_mem>>)
      %dma_wait3A_185 = tpu.memref_slice %arg21[%add3A_125] : memref<10240xf32, #tpu.memory_space<vmem_shared>> -> memref<128xf32, #tpu.memory_space<vmem_shared>>
      %dma_wait3A_186 = tpu.memref_slice %arg21[%add3A_125] : memref<10240xf32, #tpu.memory_space<vmem_shared>> -> memref<128xf32, #tpu.memory_space<vmem_shared>>
      tpu.wait_dma2 semaphore(%run_scoped3A_182 : memref<!tpu.dma_semaphore, #tpu.memory_space<semaphore_mem>>) src(%arg20 : memref<128xf32, #tpu.memory_space<vmem>>) dst(%dma_wait3A_186 : memref<128xf32, #tpu.memory_space<vmem_shared>>)
      tpu.yield
    }) : () -> ()
    %mul3A_126 = arith.constant 640 : i32
    %mul3A_127 = arith.muli %arg1, %mul3A_126 : i32
    %add3A_128 = arith.constant 256 : i32
    %add3A_129 = arith.addi %mul3A_127, %add3A_128 : i32
    "tpu.region"() ({
      %run_scoped3A_182 = tpu.sem_alloc : memref<!tpu.dma_semaphore, #tpu.memory_space<semaphore_mem>>
      %dma_start3A_183 = tpu.memref_slice %arg21[%add3A_129] : memref<10240xf32, #tpu.memory_space<vmem_shared>> -> memref<128xf32, #tpu.memory_space<vmem_shared>>
      %dma_start3A_184 = tpu.memref_slice %arg21[%add3A_129] : memref<10240xf32, #tpu.memory_space<vmem_shared>> -> memref<128xf32, #tpu.memory_space<vmem_shared>>
      tpu.enqueue_dma source(%arg20 : memref<128xf32, #tpu.memory_space<vmem>>) target(%dma_start3A_184 : memref<128xf32, #tpu.memory_space<vmem_shared>>) target_semaphore(%run_scoped3A_182 : memref<!tpu.dma_semaphore, #tpu.memory_space<semaphore_mem>>)
      %dma_wait3A_185 = tpu.memref_slice %arg21[%add3A_129] : memref<10240xf32, #tpu.memory_space<vmem_shared>> -> memref<128xf32, #tpu.memory_space<vmem_shared>>
      %dma_wait3A_186 = tpu.memref_slice %arg21[%add3A_129] : memref<10240xf32, #tpu.memory_space<vmem_shared>> -> memref<128xf32, #tpu.memory_space<vmem_shared>>
      tpu.wait_dma2 semaphore(%run_scoped3A_182 : memref<!tpu.dma_semaphore, #tpu.memory_space<semaphore_mem>>) src(%arg20 : memref<128xf32, #tpu.memory_space<vmem>>) dst(%dma_wait3A_186 : memref<128xf32, #tpu.memory_space<vmem_shared>>)
      tpu.yield
    }) : () -> ()
    %mul3A_130 = arith.constant 640 : i32
    %mul3A_131 = arith.muli %arg1, %mul3A_130 : i32
    %add3A_132 = arith.constant 384 : i32
    %add3A_133 = arith.addi %mul3A_131, %add3A_132 : i32
    "tpu.region"() ({
      %run_scoped3A_182 = tpu.sem_alloc : memref<!tpu.dma_semaphore, #tpu.memory_space<semaphore_mem>>
      %dma_start3A_183 = tpu.memref_slice %arg21[%add3A_133] : memref<10240xf32, #tpu.memory_space<vmem_shared>> -> memref<128xf32, #tpu.memory_space<vmem_shared>>
      %dma_start3A_184 = tpu.memref_slice %arg21[%add3A_133] : memref<10240xf32, #tpu.memory_space<vmem_shared>> -> memref<128xf32, #tpu.memory_space<vmem_shared>>
      tpu.enqueue_dma source(%arg20 : memref<128xf32, #tpu.memory_space<vmem>>) target(%dma_start3A_184 : memref<128xf32, #tpu.memory_space<vmem_shared>>) target_semaphore(%run_scoped3A_182 : memref<!tpu.dma_semaphore, #tpu.memory_space<semaphore_mem>>)
      %dma_wait3A_185 = tpu.memref_slice %arg21[%add3A_133] : memref<10240xf32, #tpu.memory_space<vmem_shared>> -> memref<128xf32, #tpu.memory_space<vmem_shared>>
      %dma_wait3A_186 = tpu.memref_slice %arg21[%add3A_133] : memref<10240xf32, #tpu.memory_space<vmem_shared>> -> memref<128xf32, #tpu.memory_space<vmem_shared>>
      tpu.wait_dma2 semaphore(%run_scoped3A_182 : memref<!tpu.dma_semaphore, #tpu.memory_space<semaphore_mem>>) src(%arg20 : memref<128xf32, #tpu.memory_space<vmem>>) dst(%dma_wait3A_186 : memref<128xf32, #tpu.memory_space<vmem_shared>>)
      tpu.yield
    }) : () -> ()
    %mul3A_134 = arith.constant 640 : i32
    %mul3A_135 = arith.muli %arg1, %mul3A_134 : i32
    %add3A_136 = arith.constant 512 : i32
    %add3A_137 = arith.addi %mul3A_135, %add3A_136 : i32
    "tpu.region"() ({
      %run_scoped3A_182 = tpu.sem_alloc : memref<!tpu.dma_semaphore, #tpu.memory_space<semaphore_mem>>
      %dma_start3A_183 = tpu.memref_slice %arg21[%add3A_137] : memref<10240xf32, #tpu.memory_space<vmem_shared>> -> memref<128xf32, #tpu.memory_space<vmem_shared>>
      %dma_start3A_184 = tpu.memref_slice %arg21[%add3A_137] : memref<10240xf32, #tpu.memory_space<vmem_shared>> -> memref<128xf32, #tpu.memory_space<vmem_shared>>
      tpu.enqueue_dma source(%arg20 : memref<128xf32, #tpu.memory_space<vmem>>) target(%dma_start3A_184 : memref<128xf32, #tpu.memory_space<vmem_shared>>) target_semaphore(%run_scoped3A_182 : memref<!tpu.dma_semaphore, #tpu.memory_space<semaphore_mem>>)
      %dma_wait3A_185 = tpu.memref_slice %arg21[%add3A_137] : memref<10240xf32, #tpu.memory_space<vmem_shared>> -> memref<128xf32, #tpu.memory_space<vmem_shared>>
      %dma_wait3A_186 = tpu.memref_slice %arg21[%add3A_137] : memref<10240xf32, #tpu.memory_space<vmem_shared>> -> memref<128xf32, #tpu.memory_space<vmem_shared>>
      tpu.wait_dma2 semaphore(%run_scoped3A_182 : memref<!tpu.dma_semaphore, #tpu.memory_space<semaphore_mem>>) src(%arg20 : memref<128xf32, #tpu.memory_space<vmem>>) dst(%dma_wait3A_186 : memref<128xf32, #tpu.memory_space<vmem_shared>>)
      tpu.yield
    }) : () -> ()
    %mul3A_138 = arith.constant 15 : i32
    %mul3A_139 = arith.muli %add3A, %mul3A_138 : i32
    %mul3A_140 = arith.constant 15 : i32
    %mul3A_141 = arith.muli %add3A, %mul3A_140 : i32
    %add3A_142 = arith.constant 480 : i32
    %add3A_143 = arith.addi %add3A_142, %mul3A_141 : i32
    %run_scoped3A = arith.constant 0 : i32
    "tpu.region"() ({
      %run_scoped3A_182 = tpu.sem_alloc : memref<!tpu.dma_semaphore, #tpu.memory_space<semaphore_mem>>
      %dma_start3A_183 = arith.constant 0 : i32
      %dma_start3A_184 = arith.constant 0 : i32
      %dma_start3A_185 = tpu.memref_slice %arg6[%run_scoped3A, %dma_start3A_183, %dma_start3A_184] : memref<2x6x112xi32, #tpu.memory_space<vmem>> -> memref<1x6x112xi32, #tpu.memory_space<vmem>>
      %dma_start3A_186 = tpu.memref_squeeze %dma_start3A_185 : memref<1x6x112xi32, #tpu.memory_space<vmem>> -> memref<6x112xi32, #tpu.memory_space<vmem>>
      %dma_start3A_187 = arith.constant 0 : i32
      %dma_start3A_188 = arith.constant 0 : i32
      %dma_start3A_189 = tpu.memref_slice %arg2[%mul3A_139, %dma_start3A_187, %dma_start3A_188] : memref<960x6x112xi32, #tpu.memory_space<hbm>> -> memref<1x6x112xi32, #tpu.memory_space<hbm>>
      %dma_start3A_190 = tpu.memref_squeeze %dma_start3A_189 : memref<1x6x112xi32, #tpu.memory_space<hbm>> -> memref<6x112xi32, #tpu.memory_space<hbm>>
      %dma_start3A_191 = arith.constant 0 : i32
      %dma_start3A_192 = arith.constant 0 : i32
      %dma_start3A_193 = tpu.memref_slice %arg6[%run_scoped3A, %dma_start3A_191, %dma_start3A_192] : memref<2x6x112xi32, #tpu.memory_space<vmem>> -> memref<1x6x112xi32, #tpu.memory_space<vmem>>
      %dma_start3A_194 = tpu.memref_squeeze %dma_start3A_193 : memref<1x6x112xi32, #tpu.memory_space<vmem>> -> memref<6x112xi32, #tpu.memory_space<vmem>>
      %dma_start3A_195 = arith.constant 0 : i32
      %dma_start3A_196 = arith.constant 0 : i32
      %dma_start3A_197 = tpu.memref_slice %arg2[%mul3A_139, %dma_start3A_195, %dma_start3A_196] : memref<960x6x112xi32, #tpu.memory_space<hbm>> -> memref<1x6x112xi32, #tpu.memory_space<hbm>>
      %dma_start3A_198 = tpu.memref_squeeze %dma_start3A_197 : memref<1x6x112xi32, #tpu.memory_space<hbm>> -> memref<6x112xi32, #tpu.memory_space<hbm>>
      tpu.enqueue_dma source(%dma_start3A_198 : memref<6x112xi32, #tpu.memory_space<hbm>>) target(%dma_start3A_194 : memref<6x112xi32, #tpu.memory_space<vmem>>) target_semaphore(%run_scoped3A_182 : memref<!tpu.dma_semaphore, #tpu.memory_space<semaphore_mem>>)
      %dma_wait3A_199 = arith.constant 0 : i32
      %dma_wait3A_200 = arith.constant 0 : i32
      %dma_wait3A_201 = tpu.memref_slice %arg6[%run_scoped3A, %dma_wait3A_199, %dma_wait3A_200] : memref<2x6x112xi32, #tpu.memory_space<vmem>> -> memref<1x6x112xi32, #tpu.memory_space<vmem>>
      %dma_wait3A_202 = tpu.memref_squeeze %dma_wait3A_201 : memref<1x6x112xi32, #tpu.memory_space<vmem>> -> memref<6x112xi32, #tpu.memory_space<vmem>>
      %dma_wait3A_203 = arith.constant 0 : i32
      %dma_wait3A_204 = arith.constant 0 : i32
      %dma_wait3A_205 = tpu.memref_slice %arg2[%mul3A_139, %dma_wait3A_203, %dma_wait3A_204] : memref<960x6x112xi32, #tpu.memory_space<hbm>> -> memref<1x6x112xi32, #tpu.memory_space<hbm>>
      %dma_wait3A_206 = tpu.memref_squeeze %dma_wait3A_205 : memref<1x6x112xi32, #tpu.memory_space<hbm>> -> memref<6x112xi32, #tpu.memory_space<hbm>>
      %dma_wait3A_207 = arith.constant 0 : i32
      %dma_wait3A_208 = arith.constant 0 : i32
      %dma_wait3A_209 = tpu.memref_slice %arg6[%run_scoped3A, %dma_wait3A_207, %dma_wait3A_208] : memref<2x6x112xi32, #tpu.memory_space<vmem>> -> memref<1x6x112xi32, #tpu.memory_space<vmem>>
      %dma_wait3A_210 = tpu.memref_squeeze %dma_wait3A_209 : memref<1x6x112xi32, #tpu.memory_space<vmem>> -> memref<6x112xi32, #tpu.memory_space<vmem>>
      %dma_wait3A_211 = arith.constant 0 : i32
      %dma_wait3A_212 = arith.constant 0 : i32
      %dma_wait3A_213 = tpu.memref_slice %arg2[%mul3A_139, %dma_wait3A_211, %dma_wait3A_212] : memref<960x6x112xi32, #tpu.memory_space<hbm>> -> memref<1x6x112xi32, #tpu.memory_space<hbm>>
      %dma_wait3A_214 = tpu.memref_squeeze %dma_wait3A_213 : memref<1x6x112xi32, #tpu.memory_space<hbm>> -> memref<6x112xi32, #tpu.memory_space<hbm>>
      tpu.wait_dma2 semaphore(%run_scoped3A_182 : memref<!tpu.dma_semaphore, #tpu.memory_space<semaphore_mem>>) src(%dma_wait3A_214 : memref<6x112xi32, #tpu.memory_space<hbm>>) dst(%dma_wait3A_210 : memref<6x112xi32, #tpu.memory_space<vmem>>)
      tpu.yield
    }) : () -> ()
    %run_scoped3A_144 = arith.constant 0 : i32
    "tpu.region"() ({
      %run_scoped3A_182 = tpu.sem_alloc : memref<!tpu.dma_semaphore, #tpu.memory_space<semaphore_mem>>
      %dma_start3A_183 = arith.constant 0 : i32
      %dma_start3A_184 = arith.constant 0 : i32
      %dma_start3A_185 = tpu.memref_slice %arg7[%run_scoped3A_144, %dma_start3A_183, %dma_start3A_184] : memref<2x6x112xi32, #tpu.memory_space<vmem>> -> memref<1x6x112xi32, #tpu.memory_space<vmem>>
      %dma_start3A_186 = tpu.memref_squeeze %dma_start3A_185 : memref<1x6x112xi32, #tpu.memory_space<vmem>> -> memref<6x112xi32, #tpu.memory_space<vmem>>
      %dma_start3A_187 = arith.constant 0 : i32
      %dma_start3A_188 = arith.constant 0 : i32
      %dma_start3A_189 = tpu.memref_slice %arg2[%add3A_143, %dma_start3A_187, %dma_start3A_188] : memref<960x6x112xi32, #tpu.memory_space<hbm>> -> memref<1x6x112xi32, #tpu.memory_space<hbm>>
      %dma_start3A_190 = tpu.memref_squeeze %dma_start3A_189 : memref<1x6x112xi32, #tpu.memory_space<hbm>> -> memref<6x112xi32, #tpu.memory_space<hbm>>
      %dma_start3A_191 = arith.constant 0 : i32
      %dma_start3A_192 = arith.constant 0 : i32
      %dma_start3A_193 = tpu.memref_slice %arg7[%run_scoped3A_144, %dma_start3A_191, %dma_start3A_192] : memref<2x6x112xi32, #tpu.memory_space<vmem>> -> memref<1x6x112xi32, #tpu.memory_space<vmem>>
      %dma_start3A_194 = tpu.memref_squeeze %dma_start3A_193 : memref<1x6x112xi32, #tpu.memory_space<vmem>> -> memref<6x112xi32, #tpu.memory_space<vmem>>
      %dma_start3A_195 = arith.constant 0 : i32
      %dma_start3A_196 = arith.constant 0 : i32
      %dma_start3A_197 = tpu.memref_slice %arg2[%add3A_143, %dma_start3A_195, %dma_start3A_196] : memref<960x6x112xi32, #tpu.memory_space<hbm>> -> memref<1x6x112xi32, #tpu.memory_space<hbm>>
      %dma_start3A_198 = tpu.memref_squeeze %dma_start3A_197 : memref<1x6x112xi32, #tpu.memory_space<hbm>> -> memref<6x112xi32, #tpu.memory_space<hbm>>
      tpu.enqueue_dma source(%dma_start3A_198 : memref<6x112xi32, #tpu.memory_space<hbm>>) target(%dma_start3A_194 : memref<6x112xi32, #tpu.memory_space<vmem>>) target_semaphore(%run_scoped3A_182 : memref<!tpu.dma_semaphore, #tpu.memory_space<semaphore_mem>>)
      %dma_wait3A_199 = arith.constant 0 : i32
      %dma_wait3A_200 = arith.constant 0 : i32
      %dma_wait3A_201 = tpu.memref_slice %arg7[%run_scoped3A_144, %dma_wait3A_199, %dma_wait3A_200] : memref<2x6x112xi32, #tpu.memory_space<vmem>> -> memref<1x6x112xi32, #tpu.memory_space<vmem>>
      %dma_wait3A_202 = tpu.memref_squeeze %dma_wait3A_201 : memref<1x6x112xi32, #tpu.memory_space<vmem>> -> memref<6x112xi32, #tpu.memory_space<vmem>>
      %dma_wait3A_203 = arith.constant 0 : i32
      %dma_wait3A_204 = arith.constant 0 : i32
      %dma_wait3A_205 = tpu.memref_slice %arg2[%add3A_143, %dma_wait3A_203, %dma_wait3A_204] : memref<960x6x112xi32, #tpu.memory_space<hbm>> -> memref<1x6x112xi32, #tpu.memory_space<hbm>>
      %dma_wait3A_206 = tpu.memref_squeeze %dma_wait3A_205 : memref<1x6x112xi32, #tpu.memory_space<hbm>> -> memref<6x112xi32, #tpu.memory_space<hbm>>
      %dma_wait3A_207 = arith.constant 0 : i32
      %dma_wait3A_208 = arith.constant 0 : i32
      %dma_wait3A_209 = tpu.memref_slice %arg7[%run_scoped3A_144, %dma_wait3A_207, %dma_wait3A_208] : memref<2x6x112xi32, #tpu.memory_space<vmem>> -> memref<1x6x112xi32, #tpu.memory_space<vmem>>
      %dma_wait3A_210 = tpu.memref_squeeze %dma_wait3A_209 : memref<1x6x112xi32, #tpu.memory_space<vmem>> -> memref<6x112xi32, #tpu.memory_space<vmem>>
      %dma_wait3A_211 = arith.constant 0 : i32
      %dma_wait3A_212 = arith.constant 0 : i32
      %dma_wait3A_213 = tpu.memref_slice %arg2[%add3A_143, %dma_wait3A_211, %dma_wait3A_212] : memref<960x6x112xi32, #tpu.memory_space<hbm>> -> memref<1x6x112xi32, #tpu.memory_space<hbm>>
      %dma_wait3A_214 = tpu.memref_squeeze %dma_wait3A_213 : memref<1x6x112xi32, #tpu.memory_space<hbm>> -> memref<6x112xi32, #tpu.memory_space<hbm>>
      tpu.wait_dma2 semaphore(%run_scoped3A_182 : memref<!tpu.dma_semaphore, #tpu.memory_space<semaphore_mem>>) src(%dma_wait3A_214 : memref<6x112xi32, #tpu.memory_space<hbm>>) dst(%dma_wait3A_210 : memref<6x112xi32, #tpu.memory_space<vmem>>)
      tpu.yield
    }) : () -> ()
    %barrier3A = arith.constant 0 : index
    tpu.barrier barrier_id(%barrier3A)
    %dma_start3A = arith.constant 0 : i32
    %dma_start3A_145 = arith.constant 0 : i32
    %dma_start3A_146 = arith.constant 0 : i32
    %dma_start3A_147 = tpu.memref_slice %arg6[%dma_start3A, %dma_start3A_145, %dma_start3A_146] : memref<2x6x112xi32, #tpu.memory_space<vmem>> -> memref<1x1x112xi32, #tpu.memory_space<vmem>>
    %dma_start3A_148 = tpu.memref_squeeze %dma_start3A_147 : memref<1x1x112xi32, #tpu.memory_space<vmem>> -> memref<112xi32, #tpu.memory_space<vmem>>
    %dma_start3A_149 = arith.constant 0 : i32
    %dma_start3A_150 = arith.constant 0 : i32
    %dma_start3A_151 = tpu.memref_slice %arg3[%dma_start3A_149, %dma_start3A_150] : memref<10000x128xf32, #tpu.memory_space<hbm>> -> memref<10000x128xf32, #tpu.memory_space<hbm>>
    tpu.enqueue_indirect_dma source(%dma_start3A_151 : memref<10000x128xf32, #tpu.memory_space<hbm>>) target(%arg8 : memref<112x128xf32, #tpu.memory_space<vmem>>) offsets(%dma_start3A_148 : memref<112xi32, #tpu.memory_space<vmem>>) semaphore(%arg12 : memref<!tpu.dma_semaphore, #tpu.memory_space<semaphore_mem>>)
    %dma_start3A_152 = arith.constant 0 : i32
    %dma_start3A_153 = arith.constant 1 : i32
    %dma_start3A_154 = arith.constant 0 : i32
    %dma_start3A_155 = tpu.memref_slice %arg6[%dma_start3A_152, %dma_start3A_153, %dma_start3A_154] : memref<2x6x112xi32, #tpu.memory_space<vmem>> -> memref<1x1x112xi32, #tpu.memory_space<vmem>>
    %dma_start3A_156 = tpu.memref_squeeze %dma_start3A_155 : memref<1x1x112xi32, #tpu.memory_space<vmem>> -> memref<112xi32, #tpu.memory_space<vmem>>
    %dma_start3A_157 = arith.constant 0 : i32
    %dma_start3A_158 = arith.constant 0 : i32
    %dma_start3A_159 = tpu.memref_slice %arg3[%dma_start3A_157, %dma_start3A_158] : memref<10000x128xf32, #tpu.memory_space<hbm>> -> memref<10000x128xf32, #tpu.memory_space<hbm>>
    tpu.enqueue_indirect_dma source(%dma_start3A_159 : memref<10000x128xf32, #tpu.memory_space<hbm>>) target(%arg9 : memref<112x128xf32, #tpu.memory_space<vmem>>) offsets(%dma_start3A_156 : memref<112xi32, #tpu.memory_space<vmem>>) semaphore(%arg13 : memref<!tpu.dma_semaphore, #tpu.memory_space<semaphore_mem>>)
    %scan3A_160 = arith.constant 0 : i32
    %scan3A_161 = arith.constant 0 : i32
    %scan3A_162 = arith.constant 15 : i32
    %scan3A_163 = arith.addi %scan3A_161, %scan3A_162 : i32
    %scan3A_164 = arith.constant 1 : i32
    scf.for %scan3A_182 = %scan3A_161 to %scan3A_163 step %scan3A_164  : i32 {
      %rem3A = arith.constant 2 : i32
      %rem3A_183 = arith.remsi %scan3A_182, %rem3A : i32
      %add3A_184 = arith.constant 1 : i32
      %add3A_185 = arith.addi %scan3A_182, %add3A_184 : i32
      %rem3A_186 = arith.constant 2 : i32
      %rem3A_187 = arith.remsi %add3A_185, %rem3A_186 : i32
      %lt3A = arith.constant 14 : i32
      %lt3A_188 = arith.cmpi slt, %scan3A_182, %lt3A : i32
      %gt3A = arith.constant 0 : i32
      %gt3A_189 = arith.cmpi sgt, %scan3A_182, %gt3A : i32
      %convert_element_type3A = arith.extui %gt3A_189 : i1 to i32
      %cond3A = arith.constant 0 : i32
      %cond3A_190 = arith.cmpi ne, %convert_element_type3A, %cond3A : i32
      scf.if %cond3A_190 {
        %dma_wait3A_356 = arith.constant 0 : i32
        %dma_wait3A_357 = arith.constant 0 : i32
        %dma_wait3A_358 = arith.constant 0 : i32
        %dma_wait3A_359 = tpu.memref_slice %arg7[%dma_wait3A_356, %dma_wait3A_357, %dma_wait3A_358] : memref<2x6x112xi32, #tpu.memory_space<vmem>> -> memref<1x1x112xi32, #tpu.memory_space<vmem>>
        %dma_wait3A_360 = tpu.memref_squeeze %dma_wait3A_359 : memref<1x1x112xi32, #tpu.memory_space<vmem>> -> memref<112xi32, #tpu.memory_space<vmem>>
        %dma_wait3A_361 = arith.constant 0 : i32
        %dma_wait3A_362 = arith.constant 0 : i32
        %dma_wait3A_363 = tpu.memref_slice %arg11[%dma_wait3A_361, %dma_wait3A_362] : memref<10240x128xf32, #tpu.memory_space<vmem_shared>> -> memref<10240x128xf32, #tpu.memory_space<vmem_shared>>
        tpu.wait_indirect_dma semaphore(%arg17 : memref<!tpu.dma_semaphore, #tpu.memory_space<semaphore_mem>>) src(%arg10 : memref<112x128xf32, #tpu.memory_space<vmem>>) dst(%dma_wait3A_363 : memref<10240x128xf32, #tpu.memory_space<vmem_shared>>)
      } else {
      }
      %convert_element_type3A_191 = arith.extui %lt3A_188 : i1 to i32
      %cond3A_192 = arith.constant 0 : i32
      %cond3A_193 = arith.cmpi ne, %convert_element_type3A_191, %cond3A_192 : i32
      scf.if %cond3A_193 {
        %add3A_356 = arith.addi %mul3A_139, %scan3A_182 : i32
        %add3A_357 = arith.constant 1 : i32
        %add3A_358 = arith.addi %add3A_356, %add3A_357 : i32
        %dma_start3A_359 = arith.constant 0 : i32
        %dma_start3A_360 = arith.constant 0 : i32
        %dma_start3A_361 = tpu.memref_slice %arg6[%rem3A_187, %dma_start3A_359, %dma_start3A_360] : memref<2x6x112xi32, #tpu.memory_space<vmem>> -> memref<1x6x112xi32, #tpu.memory_space<vmem>>
        %dma_start3A_362 = tpu.memref_squeeze %dma_start3A_361 : memref<1x6x112xi32, #tpu.memory_space<vmem>> -> memref<6x112xi32, #tpu.memory_space<vmem>>
        %dma_start3A_363 = arith.constant 0 : i32
        %dma_start3A_364 = arith.constant 0 : i32
        %dma_start3A_365 = tpu.memref_slice %arg2[%add3A_358, %dma_start3A_363, %dma_start3A_364] : memref<960x6x112xi32, #tpu.memory_space<hbm>> -> memref<1x6x112xi32, #tpu.memory_space<hbm>>
        %dma_start3A_366 = tpu.memref_squeeze %dma_start3A_365 : memref<1x6x112xi32, #tpu.memory_space<hbm>> -> memref<6x112xi32, #tpu.memory_space<hbm>>
        %dma_start3A_367 = arith.constant 0 : i32
        %dma_start3A_368 = arith.constant 0 : i32
        %dma_start3A_369 = tpu.memref_slice %arg6[%rem3A_187, %dma_start3A_367, %dma_start3A_368] : memref<2x6x112xi32, #tpu.memory_space<vmem>> -> memref<1x6x112xi32, #tpu.memory_space<vmem>>
        %dma_start3A_370 = tpu.memref_squeeze %dma_start3A_369 : memref<1x6x112xi32, #tpu.memory_space<vmem>> -> memref<6x112xi32, #tpu.memory_space<vmem>>
        %dma_start3A_371 = arith.constant 0 : i32
        %dma_start3A_372 = arith.constant 0 : i32
        %dma_start3A_373 = tpu.memref_slice %arg2[%add3A_358, %dma_start3A_371, %dma_start3A_372] : memref<960x6x112xi32, #tpu.memory_space<hbm>> -> memref<1x6x112xi32, #tpu.memory_space<hbm>>
        %dma_start3A_374 = tpu.memref_squeeze %dma_start3A_373 : memref<1x6x112xi32, #tpu.memory_space<hbm>> -> memref<6x112xi32, #tpu.memory_space<hbm>>
        tpu.enqueue_dma source(%dma_start3A_374 : memref<6x112xi32, #tpu.memory_space<hbm>>) target(%dma_start3A_370 : memref<6x112xi32, #tpu.memory_space<vmem>>) target_semaphore(%arg18 : memref<!tpu.dma_semaphore, #tpu.memory_space<semaphore_mem>>)
        %add3A_375 = arith.addi %add3A_143, %scan3A_182 : i32
        %add3A_376 = arith.constant 1 : i32
        %add3A_377 = arith.addi %add3A_375, %add3A_376 : i32
        %dma_start3A_378 = arith.constant 0 : i32
        %dma_start3A_379 = arith.constant 0 : i32
        %dma_start3A_380 = tpu.memref_slice %arg7[%rem3A_187, %dma_start3A_378, %dma_start3A_379] : memref<2x6x112xi32, #tpu.memory_space<vmem>> -> memref<1x6x112xi32, #tpu.memory_space<vmem>>
        %dma_start3A_381 = tpu.memref_squeeze %dma_start3A_380 : memref<1x6x112xi32, #tpu.memory_space<vmem>> -> memref<6x112xi32, #tpu.memory_space<vmem>>
        %dma_start3A_382 = arith.constant 0 : i32
        %dma_start3A_383 = arith.constant 0 : i32
        %dma_start3A_384 = tpu.memref_slice %arg2[%add3A_377, %dma_start3A_382, %dma_start3A_383] : memref<960x6x112xi32, #tpu.memory_space<hbm>> -> memref<1x6x112xi32, #tpu.memory_space<hbm>>
        %dma_start3A_385 = tpu.memref_squeeze %dma_start3A_384 : memref<1x6x112xi32, #tpu.memory_space<hbm>> -> memref<6x112xi32, #tpu.memory_space<hbm>>
        %dma_start3A_386 = arith.constant 0 : i32
        %dma_start3A_387 = arith.constant 0 : i32
        %dma_start3A_388 = tpu.memref_slice %arg7[%rem3A_187, %dma_start3A_386, %dma_start3A_387] : memref<2x6x112xi32, #tpu.memory_space<vmem>> -> memref<1x6x112xi32, #tpu.memory_space<vmem>>
        %dma_start3A_389 = tpu.memref_squeeze %dma_start3A_388 : memref<1x6x112xi32, #tpu.memory_space<vmem>> -> memref<6x112xi32, #tpu.memory_space<vmem>>
        %dma_start3A_390 = arith.constant 0 : i32
        %dma_start3A_391 = arith.constant 0 : i32
        %dma_start3A_392 = tpu.memref_slice %arg2[%add3A_377, %dma_start3A_390, %dma_start3A_391] : memref<960x6x112xi32, #tpu.memory_space<hbm>> -> memref<1x6x112xi32, #tpu.memory_space<hbm>>
        %dma_start3A_393 = tpu.memref_squeeze %dma_start3A_392 : memref<1x6x112xi32, #tpu.memory_space<hbm>> -> memref<6x112xi32, #tpu.memory_space<hbm>>
        tpu.enqueue_dma source(%dma_start3A_393 : memref<6x112xi32, #tpu.memory_space<hbm>>) target(%dma_start3A_389 : memref<6x112xi32, #tpu.memory_space<vmem>>) target_semaphore(%arg18 : memref<!tpu.dma_semaphore, #tpu.memory_space<semaphore_mem>>)
      } else {
      }
      %dma_wait3A_194 = arith.constant 0 : i32
      %dma_wait3A_195 = arith.constant 0 : i32
      %dma_wait3A_196 = tpu.memref_slice %arg6[%rem3A_183, %dma_wait3A_194, %dma_wait3A_195] : memref<2x6x112xi32, #tpu.memory_space<vmem>> -> memref<1x1x112xi32, #tpu.memory_space<vmem>>
      %dma_wait3A_197 = tpu.memref_squeeze %dma_wait3A_196 : memref<1x1x112xi32, #tpu.memory_space<vmem>> -> memref<112xi32, #tpu.memory_space<vmem>>
      %dma_wait3A_198 = arith.constant 0 : i32
      %dma_wait3A_199 = arith.constant 0 : i32
      %dma_wait3A_200 = tpu.memref_slice %arg3[%dma_wait3A_198, %dma_wait3A_199] : memref<10000x128xf32, #tpu.memory_space<hbm>> -> memref<10000x128xf32, #tpu.memory_space<hbm>>
      tpu.wait_indirect_dma semaphore(%arg12 : memref<!tpu.dma_semaphore, #tpu.memory_space<semaphore_mem>>) src(%dma_wait3A_200 : memref<10000x128xf32, #tpu.memory_space<hbm>>) dst(%arg8 : memref<112x128xf32, #tpu.memory_space<vmem>>)
      %dma_start3A_201 = arith.constant 0 : i32
      %dma_start3A_202 = arith.constant 0 : i32
      %dma_start3A_203 = tpu.memref_slice %arg7[%rem3A_183, %dma_start3A_201, %dma_start3A_202] : memref<2x6x112xi32, #tpu.memory_space<vmem>> -> memref<1x1x112xi32, #tpu.memory_space<vmem>>
      %dma_start3A_204 = tpu.memref_squeeze %dma_start3A_203 : memref<1x1x112xi32, #tpu.memory_space<vmem>> -> memref<112xi32, #tpu.memory_space<vmem>>
      %dma_start3A_205 = arith.constant 0 : i32
      %dma_start3A_206 = arith.constant 0 : i32
      %dma_start3A_207 = tpu.memref_slice %arg11[%dma_start3A_205, %dma_start3A_206] : memref<10240x128xf32, #tpu.memory_space<vmem_shared>> -> memref<10240x128xf32, #tpu.memory_space<vmem_shared>>
      tpu.enqueue_indirect_dma source(%arg8 : memref<112x128xf32, #tpu.memory_space<vmem>>) target(%dma_start3A_207 : memref<10240x128xf32, #tpu.memory_space<vmem_shared>>) offsets(%dma_start3A_204 : memref<112xi32, #tpu.memory_space<vmem>>) semaphore(%arg15 : memref<!tpu.dma_semaphore, #tpu.memory_space<semaphore_mem>>) {add = true}
      %run_scoped3A_208 = arith.constant 0 : i32
      "tpu.region"() ({
        %run_scoped3A_356 = tpu.sem_alloc : memref<!tpu.dma_semaphore, #tpu.memory_space<semaphore_mem>>
        %dma_start3A_357 = arith.constant 0 : i32
        %dma_start3A_358 = tpu.memref_slice %arg7[%rem3A_183, %run_scoped3A_208, %dma_start3A_357] : memref<2x6x112xi32, #tpu.memory_space<vmem>> -> memref<1x1x112xi32, #tpu.memory_space<vmem>>
        %dma_start3A_359 = tpu.memref_squeeze %dma_start3A_358 : memref<1x1x112xi32, #tpu.memory_space<vmem>> -> memref<112xi32, #tpu.memory_space<vmem>>
        %dma_start3A_360 = arith.constant 0 : i32
        %dma_start3A_361 = tpu.memref_slice %arg21[%dma_start3A_360] : memref<10240xf32, #tpu.memory_space<vmem_shared>> -> memref<10240xf32, #tpu.memory_space<vmem_shared>>
        tpu.enqueue_indirect_dma source(%arg19 : memref<112xf32, #tpu.memory_space<vmem>>) target(%dma_start3A_361 : memref<10240xf32, #tpu.memory_space<vmem_shared>>) offsets(%dma_start3A_359 : memref<112xi32, #tpu.memory_space<vmem>>) semaphore(%run_scoped3A_356 : memref<!tpu.dma_semaphore, #tpu.memory_space<semaphore_mem>>) {add = true}
        %dma_wait3A_362 = arith.constant 0 : i32
        %dma_wait3A_363 = tpu.memref_slice %arg7[%rem3A_183, %run_scoped3A_208, %dma_wait3A_362] : memref<2x6x112xi32, #tpu.memory_space<vmem>> -> memref<1x1x112xi32, #tpu.memory_space<vmem>>
        %dma_wait3A_364 = tpu.memref_squeeze %dma_wait3A_363 : memref<1x1x112xi32, #tpu.memory_space<vmem>> -> memref<112xi32, #tpu.memory_space<vmem>>
        %dma_wait3A_365 = arith.constant 0 : i32
        %dma_wait3A_366 = tpu.memref_slice %arg21[%dma_wait3A_365] : memref<10240xf32, #tpu.memory_space<vmem_shared>> -> memref<10240xf32, #tpu.memory_space<vmem_shared>>
        tpu.wait_indirect_dma semaphore(%run_scoped3A_356 : memref<!tpu.dma_semaphore, #tpu.memory_space<semaphore_mem>>) src(%arg19 : memref<112xf32, #tpu.memory_space<vmem>>) dst(%dma_wait3A_366 : memref<10240xf32, #tpu.memory_space<vmem_shared>>)
        tpu.yield
      }) : () -> ()
      %dma_start3A_209 = arith.constant 2 : i32
      %dma_start3A_210 = arith.constant 0 : i32
      %dma_start3A_211 = tpu.memref_slice %arg6[%rem3A_183, %dma_start3A_209, %dma_start3A_210] : memref<2x6x112xi32, #tpu.memory_space<vmem>> -> memref<1x1x112xi32, #tpu.memory_space<vmem>>
      %dma_start3A_212 = tpu.memref_squeeze %dma_start3A_211 : memref<1x1x112xi32, #tpu.memory_space<vmem>> -> memref<112xi32, #tpu.memory_space<vmem>>
      %dma_start3A_213 = arith.constant 0 : i32
      %dma_start3A_214 = arith.constant 0 : i32
      %dma_start3A_215 = tpu.memref_slice %arg3[%dma_start3A_213, %dma_start3A_214] : memref<10000x128xf32, #tpu.memory_space<hbm>> -> memref<10000x128xf32, #tpu.memory_space<hbm>>
      tpu.enqueue_indirect_dma source(%dma_start3A_215 : memref<10000x128xf32, #tpu.memory_space<hbm>>) target(%arg10 : memref<112x128xf32, #tpu.memory_space<vmem>>) offsets(%dma_start3A_212 : memref<112xi32, #tpu.memory_space<vmem>>) semaphore(%arg14 : memref<!tpu.dma_semaphore, #tpu.memory_space<semaphore_mem>>)
      %dma_wait3A_216 = arith.constant 1 : i32
      %dma_wait3A_217 = arith.constant 0 : i32
      %dma_wait3A_218 = tpu.memref_slice %arg6[%rem3A_183, %dma_wait3A_216, %dma_wait3A_217] : memref<2x6x112xi32, #tpu.memory_space<vmem>> -> memref<1x1x112xi32, #tpu.memory_space<vmem>>
      %dma_wait3A_219 = tpu.memref_squeeze %dma_wait3A_218 : memref<1x1x112xi32, #tpu.memory_space<vmem>> -> memref<112xi32, #tpu.memory_space<vmem>>
      %dma_wait3A_220 = arith.constant 0 : i32
      %dma_wait3A_221 = arith.constant 0 : i32
      %dma_wait3A_222 = tpu.memref_slice %arg3[%dma_wait3A_220, %dma_wait3A_221] : memref<10000x128xf32, #tpu.memory_space<hbm>> -> memref<10000x128xf32, #tpu.memory_space<hbm>>
      tpu.wait_indirect_dma semaphore(%arg13 : memref<!tpu.dma_semaphore, #tpu.memory_space<semaphore_mem>>) src(%dma_wait3A_222 : memref<10000x128xf32, #tpu.memory_space<hbm>>) dst(%arg9 : memref<112x128xf32, #tpu.memory_space<vmem>>)
      %dma_start3A_223 = arith.constant 1 : i32
      %dma_start3A_224 = arith.constant 0 : i32
      %dma_start3A_225 = tpu.memref_slice %arg7[%rem3A_183, %dma_start3A_223, %dma_start3A_224] : memref<2x6x112xi32, #tpu.memory_space<vmem>> -> memref<1x1x112xi32, #tpu.memory_space<vmem>>
      %dma_start3A_226 = tpu.memref_squeeze %dma_start3A_225 : memref<1x1x112xi32, #tpu.memory_space<vmem>> -> memref<112xi32, #tpu.memory_space<vmem>>
      %dma_start3A_227 = arith.constant 0 : i32
      %dma_start3A_228 = arith.constant 0 : i32
      %dma_start3A_229 = tpu.memref_slice %arg11[%dma_start3A_227, %dma_start3A_228] : memref<10240x128xf32, #tpu.memory_space<vmem_shared>> -> memref<10240x128xf32, #tpu.memory_space<vmem_shared>>
      tpu.enqueue_indirect_dma source(%arg9 : memref<112x128xf32, #tpu.memory_space<vmem>>) target(%dma_start3A_229 : memref<10240x128xf32, #tpu.memory_space<vmem_shared>>) offsets(%dma_start3A_226 : memref<112xi32, #tpu.memory_space<vmem>>) semaphore(%arg16 : memref<!tpu.dma_semaphore, #tpu.memory_space<semaphore_mem>>) {add = true}
      %run_scoped3A_230 = arith.constant 1 : i32
      "tpu.region"() ({
        %run_scoped3A_356 = tpu.sem_alloc : memref<!tpu.dma_semaphore, #tpu.memory_space<semaphore_mem>>
        %dma_start3A_357 = arith.constant 0 : i32
        %dma_start3A_358 = tpu.memref_slice %arg7[%rem3A_183, %run_scoped3A_230, %dma_start3A_357] : memref<2x6x112xi32, #tpu.memory_space<vmem>> -> memref<1x1x112xi32, #tpu.memory_space<vmem>>
        %dma_start3A_359 = tpu.memref_squeeze %dma_start3A_358 : memref<1x1x112xi32, #tpu.memory_space<vmem>> -> memref<112xi32, #tpu.memory_space<vmem>>
        %dma_start3A_360 = arith.constant 0 : i32
        %dma_start3A_361 = tpu.memref_slice %arg21[%dma_start3A_360] : memref<10240xf32, #tpu.memory_space<vmem_shared>> -> memref<10240xf32, #tpu.memory_space<vmem_shared>>
        tpu.enqueue_indirect_dma source(%arg19 : memref<112xf32, #tpu.memory_space<vmem>>) target(%dma_start3A_361 : memref<10240xf32, #tpu.memory_space<vmem_shared>>) offsets(%dma_start3A_359 : memref<112xi32, #tpu.memory_space<vmem>>) semaphore(%run_scoped3A_356 : memref<!tpu.dma_semaphore, #tpu.memory_space<semaphore_mem>>) {add = true}
        %dma_wait3A_362 = arith.constant 0 : i32
        %dma_wait3A_363 = tpu.memref_slice %arg7[%rem3A_183, %run_scoped3A_230, %dma_wait3A_362] : memref<2x6x112xi32, #tpu.memory_space<vmem>> -> memref<1x1x112xi32, #tpu.memory_space<vmem>>
        %dma_wait3A_364 = tpu.memref_squeeze %dma_wait3A_363 : memref<1x1x112xi32, #tpu.memory_space<vmem>> -> memref<112xi32, #tpu.memory_space<vmem>>
        %dma_wait3A_365 = arith.constant 0 : i32
        %dma_wait3A_366 = tpu.memref_slice %arg21[%dma_wait3A_365] : memref<10240xf32, #tpu.memory_space<vmem_shared>> -> memref<10240xf32, #tpu.memory_space<vmem_shared>>
        tpu.wait_indirect_dma semaphore(%run_scoped3A_356 : memref<!tpu.dma_semaphore, #tpu.memory_space<semaphore_mem>>) src(%arg19 : memref<112xf32, #tpu.memory_space<vmem>>) dst(%dma_wait3A_366 : memref<10240xf32, #tpu.memory_space<vmem_shared>>)
        tpu.yield
      }) : () -> ()
      %dma_wait3A_231 = arith.constant 0 : i32
      %dma_wait3A_232 = arith.constant 0 : i32
      %dma_wait3A_233 = tpu.memref_slice %arg7[%rem3A_183, %dma_wait3A_231, %dma_wait3A_232] : memref<2x6x112xi32, #tpu.memory_space<vmem>> -> memref<1x1x112xi32, #tpu.memory_space<vmem>>
      %dma_wait3A_234 = tpu.memref_squeeze %dma_wait3A_233 : memref<1x1x112xi32, #tpu.memory_space<vmem>> -> memref<112xi32, #tpu.memory_space<vmem>>
      %dma_wait3A_235 = arith.constant 0 : i32
      %dma_wait3A_236 = arith.constant 0 : i32
      %dma_wait3A_237 = tpu.memref_slice %arg11[%dma_wait3A_235, %dma_wait3A_236] : memref<10240x128xf32, #tpu.memory_space<vmem_shared>> -> memref<10240x128xf32, #tpu.memory_space<vmem_shared>>
      tpu.wait_indirect_dma semaphore(%arg15 : memref<!tpu.dma_semaphore, #tpu.memory_space<semaphore_mem>>) src(%arg8 : memref<112x128xf32, #tpu.memory_space<vmem>>) dst(%dma_wait3A_237 : memref<10240x128xf32, #tpu.memory_space<vmem_shared>>)
      %dma_start3A_238 = arith.constant 3 : i32
      %dma_start3A_239 = arith.constant 0 : i32
      %dma_start3A_240 = tpu.memref_slice %arg6[%rem3A_183, %dma_start3A_238, %dma_start3A_239] : memref<2x6x112xi32, #tpu.memory_space<vmem>> -> memref<1x1x112xi32, #tpu.memory_space<vmem>>
      %dma_start3A_241 = tpu.memref_squeeze %dma_start3A_240 : memref<1x1x112xi32, #tpu.memory_space<vmem>> -> memref<112xi32, #tpu.memory_space<vmem>>
      %dma_start3A_242 = arith.constant 0 : i32
      %dma_start3A_243 = arith.constant 0 : i32
      %dma_start3A_244 = tpu.memref_slice %arg3[%dma_start3A_242, %dma_start3A_243] : memref<10000x128xf32, #tpu.memory_space<hbm>> -> memref<10000x128xf32, #tpu.memory_space<hbm>>
      tpu.enqueue_indirect_dma source(%dma_start3A_244 : memref<10000x128xf32, #tpu.memory_space<hbm>>) target(%arg8 : memref<112x128xf32, #tpu.memory_space<vmem>>) offsets(%dma_start3A_241 : memref<112xi32, #tpu.memory_space<vmem>>) semaphore(%arg12 : memref<!tpu.dma_semaphore, #tpu.memory_space<semaphore_mem>>)
      %dma_wait3A_245 = arith.constant 2 : i32
      %dma_wait3A_246 = arith.constant 0 : i32
      %dma_wait3A_247 = tpu.memref_slice %arg6[%rem3A_183, %dma_wait3A_245, %dma_wait3A_246] : memref<2x6x112xi32, #tpu.memory_space<vmem>> -> memref<1x1x112xi32, #tpu.memory_space<vmem>>
      %dma_wait3A_248 = tpu.memref_squeeze %dma_wait3A_247 : memref<1x1x112xi32, #tpu.memory_space<vmem>> -> memref<112xi32, #tpu.memory_space<vmem>>
      %dma_wait3A_249 = arith.constant 0 : i32
      %dma_wait3A_250 = arith.constant 0 : i32
      %dma_wait3A_251 = tpu.memref_slice %arg3[%dma_wait3A_249, %dma_wait3A_250] : memref<10000x128xf32, #tpu.memory_space<hbm>> -> memref<10000x128xf32, #tpu.memory_space<hbm>>
      tpu.wait_indirect_dma semaphore(%arg14 : memref<!tpu.dma_semaphore, #tpu.memory_space<semaphore_mem>>) src(%dma_wait3A_251 : memref<10000x128xf32, #tpu.memory_space<hbm>>) dst(%arg10 : memref<112x128xf32, #tpu.memory_space<vmem>>)
      %dma_start3A_252 = arith.constant 2 : i32
      %dma_start3A_253 = arith.constant 0 : i32
      %dma_start3A_254 = tpu.memref_slice %arg7[%rem3A_183, %dma_start3A_252, %dma_start3A_253] : memref<2x6x112xi32, #tpu.memory_space<vmem>> -> memref<1x1x112xi32, #tpu.memory_space<vmem>>
      %dma_start3A_255 = tpu.memref_squeeze %dma_start3A_254 : memref<1x1x112xi32, #tpu.memory_space<vmem>> -> memref<112xi32, #tpu.memory_space<vmem>>
      %dma_start3A_256 = arith.constant 0 : i32
      %dma_start3A_257 = arith.constant 0 : i32
      %dma_start3A_258 = tpu.memref_slice %arg11[%dma_start3A_256, %dma_start3A_257] : memref<10240x128xf32, #tpu.memory_space<vmem_shared>> -> memref<10240x128xf32, #tpu.memory_space<vmem_shared>>
      tpu.enqueue_indirect_dma source(%arg10 : memref<112x128xf32, #tpu.memory_space<vmem>>) target(%dma_start3A_258 : memref<10240x128xf32, #tpu.memory_space<vmem_shared>>) offsets(%dma_start3A_255 : memref<112xi32, #tpu.memory_space<vmem>>) semaphore(%arg17 : memref<!tpu.dma_semaphore, #tpu.memory_space<semaphore_mem>>) {add = true}
      %run_scoped3A_259 = arith.constant 2 : i32
      "tpu.region"() ({
        %run_scoped3A_356 = tpu.sem_alloc : memref<!tpu.dma_semaphore, #tpu.memory_space<semaphore_mem>>
        %dma_start3A_357 = arith.constant 0 : i32
        %dma_start3A_358 = tpu.memref_slice %arg7[%rem3A_183, %run_scoped3A_259, %dma_start3A_357] : memref<2x6x112xi32, #tpu.memory_space<vmem>> -> memref<1x1x112xi32, #tpu.memory_space<vmem>>
        %dma_start3A_359 = tpu.memref_squeeze %dma_start3A_358 : memref<1x1x112xi32, #tpu.memory_space<vmem>> -> memref<112xi32, #tpu.memory_space<vmem>>
        %dma_start3A_360 = arith.constant 0 : i32
        %dma_start3A_361 = tpu.memref_slice %arg21[%dma_start3A_360] : memref<10240xf32, #tpu.memory_space<vmem_shared>> -> memref<10240xf32, #tpu.memory_space<vmem_shared>>
        tpu.enqueue_indirect_dma source(%arg19 : memref<112xf32, #tpu.memory_space<vmem>>) target(%dma_start3A_361 : memref<10240xf32, #tpu.memory_space<vmem_shared>>) offsets(%dma_start3A_359 : memref<112xi32, #tpu.memory_space<vmem>>) semaphore(%run_scoped3A_356 : memref<!tpu.dma_semaphore, #tpu.memory_space<semaphore_mem>>) {add = true}
        %dma_wait3A_362 = arith.constant 0 : i32
        %dma_wait3A_363 = tpu.memref_slice %arg7[%rem3A_183, %run_scoped3A_259, %dma_wait3A_362] : memref<2x6x112xi32, #tpu.memory_space<vmem>> -> memref<1x1x112xi32, #tpu.memory_space<vmem>>
        %dma_wait3A_364 = tpu.memref_squeeze %dma_wait3A_363 : memref<1x1x112xi32, #tpu.memory_space<vmem>> -> memref<112xi32, #tpu.memory_space<vmem>>
        %dma_wait3A_365 = arith.constant 0 : i32
        %dma_wait3A_366 = tpu.memref_slice %arg21[%dma_wait3A_365] : memref<10240xf32, #tpu.memory_space<vmem_shared>> -> memref<10240xf32, #tpu.memory_space<vmem_shared>>
        tpu.wait_indirect_dma semaphore(%run_scoped3A_356 : memref<!tpu.dma_semaphore, #tpu.memory_space<semaphore_mem>>) src(%arg19 : memref<112xf32, #tpu.memory_space<vmem>>) dst(%dma_wait3A_366 : memref<10240xf32, #tpu.memory_space<vmem_shared>>)
        tpu.yield
      }) : () -> ()
      %dma_wait3A_260 = arith.constant 1 : i32
      %dma_wait3A_261 = arith.constant 0 : i32
      %dma_wait3A_262 = tpu.memref_slice %arg7[%rem3A_183, %dma_wait3A_260, %dma_wait3A_261] : memref<2x6x112xi32, #tpu.memory_space<vmem>> -> memref<1x1x112xi32, #tpu.memory_space<vmem>>
      %dma_wait3A_263 = tpu.memref_squeeze %dma_wait3A_262 : memref<1x1x112xi32, #tpu.memory_space<vmem>> -> memref<112xi32, #tpu.memory_space<vmem>>
      %dma_wait3A_264 = arith.constant 0 : i32
      %dma_wait3A_265 = arith.constant 0 : i32
      %dma_wait3A_266 = tpu.memref_slice %arg11[%dma_wait3A_264, %dma_wait3A_265] : memref<10240x128xf32, #tpu.memory_space<vmem_shared>> -> memref<10240x128xf32, #tpu.memory_space<vmem_shared>>
      tpu.wait_indirect_dma semaphore(%arg16 : memref<!tpu.dma_semaphore, #tpu.memory_space<semaphore_mem>>) src(%arg9 : memref<112x128xf32, #tpu.memory_space<vmem>>) dst(%dma_wait3A_266 : memref<10240x128xf32, #tpu.memory_space<vmem_shared>>)
      %dma_start3A_267 = arith.constant 4 : i32
      %dma_start3A_268 = arith.constant 0 : i32
      %dma_start3A_269 = tpu.memref_slice %arg6[%rem3A_183, %dma_start3A_267, %dma_start3A_268] : memref<2x6x112xi32, #tpu.memory_space<vmem>> -> memref<1x1x112xi32, #tpu.memory_space<vmem>>
      %dma_start3A_270 = tpu.memref_squeeze %dma_start3A_269 : memref<1x1x112xi32, #tpu.memory_space<vmem>> -> memref<112xi32, #tpu.memory_space<vmem>>
      %dma_start3A_271 = arith.constant 0 : i32
      %dma_start3A_272 = arith.constant 0 : i32
      %dma_start3A_273 = tpu.memref_slice %arg3[%dma_start3A_271, %dma_start3A_272] : memref<10000x128xf32, #tpu.memory_space<hbm>> -> memref<10000x128xf32, #tpu.memory_space<hbm>>
      tpu.enqueue_indirect_dma source(%dma_start3A_273 : memref<10000x128xf32, #tpu.memory_space<hbm>>) target(%arg9 : memref<112x128xf32, #tpu.memory_space<vmem>>) offsets(%dma_start3A_270 : memref<112xi32, #tpu.memory_space<vmem>>) semaphore(%arg13 : memref<!tpu.dma_semaphore, #tpu.memory_space<semaphore_mem>>)
      %dma_wait3A_274 = arith.constant 3 : i32
      %dma_wait3A_275 = arith.constant 0 : i32
      %dma_wait3A_276 = tpu.memref_slice %arg6[%rem3A_183, %dma_wait3A_274, %dma_wait3A_275] : memref<2x6x112xi32, #tpu.memory_space<vmem>> -> memref<1x1x112xi32, #tpu.memory_space<vmem>>
      %dma_wait3A_277 = tpu.memref_squeeze %dma_wait3A_276 : memref<1x1x112xi32, #tpu.memory_space<vmem>> -> memref<112xi32, #tpu.memory_space<vmem>>
      %dma_wait3A_278 = arith.constant 0 : i32
      %dma_wait3A_279 = arith.constant 0 : i32
      %dma_wait3A_280 = tpu.memref_slice %arg3[%dma_wait3A_278, %dma_wait3A_279] : memref<10000x128xf32, #tpu.memory_space<hbm>> -> memref<10000x128xf32, #tpu.memory_space<hbm>>
      tpu.wait_indirect_dma semaphore(%arg12 : memref<!tpu.dma_semaphore, #tpu.memory_space<semaphore_mem>>) src(%dma_wait3A_280 : memref<10000x128xf32, #tpu.memory_space<hbm>>) dst(%arg8 : memref<112x128xf32, #tpu.memory_space<vmem>>)
      %dma_start3A_281 = arith.constant 3 : i32
      %dma_start3A_282 = arith.constant 0 : i32
      %dma_start3A_283 = tpu.memref_slice %arg7[%rem3A_183, %dma_start3A_281, %dma_start3A_282] : memref<2x6x112xi32, #tpu.memory_space<vmem>> -> memref<1x1x112xi32, #tpu.memory_space<vmem>>
      %dma_start3A_284 = tpu.memref_squeeze %dma_start3A_283 : memref<1x1x112xi32, #tpu.memory_space<vmem>> -> memref<112xi32, #tpu.memory_space<vmem>>
      %dma_start3A_285 = arith.constant 0 : i32
      %dma_start3A_286 = arith.constant 0 : i32
      %dma_start3A_287 = tpu.memref_slice %arg11[%dma_start3A_285, %dma_start3A_286] : memref<10240x128xf32, #tpu.memory_space<vmem_shared>> -> memref<10240x128xf32, #tpu.memory_space<vmem_shared>>
      tpu.enqueue_indirect_dma source(%arg8 : memref<112x128xf32, #tpu.memory_space<vmem>>) target(%dma_start3A_287 : memref<10240x128xf32, #tpu.memory_space<vmem_shared>>) offsets(%dma_start3A_284 : memref<112xi32, #tpu.memory_space<vmem>>) semaphore(%arg15 : memref<!tpu.dma_semaphore, #tpu.memory_space<semaphore_mem>>) {add = true}
      %run_scoped3A_288 = arith.constant 3 : i32
      "tpu.region"() ({
        %run_scoped3A_356 = tpu.sem_alloc : memref<!tpu.dma_semaphore, #tpu.memory_space<semaphore_mem>>
        %dma_start3A_357 = arith.constant 0 : i32
        %dma_start3A_358 = tpu.memref_slice %arg7[%rem3A_183, %run_scoped3A_288, %dma_start3A_357] : memref<2x6x112xi32, #tpu.memory_space<vmem>> -> memref<1x1x112xi32, #tpu.memory_space<vmem>>
        %dma_start3A_359 = tpu.memref_squeeze %dma_start3A_358 : memref<1x1x112xi32, #tpu.memory_space<vmem>> -> memref<112xi32, #tpu.memory_space<vmem>>
        %dma_start3A_360 = arith.constant 0 : i32
        %dma_start3A_361 = tpu.memref_slice %arg21[%dma_start3A_360] : memref<10240xf32, #tpu.memory_space<vmem_shared>> -> memref<10240xf32, #tpu.memory_space<vmem_shared>>
        tpu.enqueue_indirect_dma source(%arg19 : memref<112xf32, #tpu.memory_space<vmem>>) target(%dma_start3A_361 : memref<10240xf32, #tpu.memory_space<vmem_shared>>) offsets(%dma_start3A_359 : memref<112xi32, #tpu.memory_space<vmem>>) semaphore(%run_scoped3A_356 : memref<!tpu.dma_semaphore, #tpu.memory_space<semaphore_mem>>) {add = true}
        %dma_wait3A_362 = arith.constant 0 : i32
        %dma_wait3A_363 = tpu.memref_slice %arg7[%rem3A_183, %run_scoped3A_288, %dma_wait3A_362] : memref<2x6x112xi32, #tpu.memory_space<vmem>> -> memref<1x1x112xi32, #tpu.memory_space<vmem>>
        %dma_wait3A_364 = tpu.memref_squeeze %dma_wait3A_363 : memref<1x1x112xi32, #tpu.memory_space<vmem>> -> memref<112xi32, #tpu.memory_space<vmem>>
        %dma_wait3A_365 = arith.constant 0 : i32
        %dma_wait3A_366 = tpu.memref_slice %arg21[%dma_wait3A_365] : memref<10240xf32, #tpu.memory_space<vmem_shared>> -> memref<10240xf32, #tpu.memory_space<vmem_shared>>
        tpu.wait_indirect_dma semaphore(%run_scoped3A_356 : memref<!tpu.dma_semaphore, #tpu.memory_space<semaphore_mem>>) src(%arg19 : memref<112xf32, #tpu.memory_space<vmem>>) dst(%dma_wait3A_366 : memref<10240xf32, #tpu.memory_space<vmem_shared>>)
        tpu.yield
      }) : () -> ()
      %convert_element_type3A_289 = arith.extui %lt3A_188 : i1 to i32
      %cond3A_290 = arith.constant 0 : i32
      %cond3A_291 = arith.cmpi ne, %convert_element_type3A_289, %cond3A_290 : i32
      scf.if %cond3A_291 {
        %add3A_356 = arith.addi %mul3A_139, %scan3A_182 : i32
        %add3A_357 = arith.constant 1 : i32
        %add3A_358 = arith.addi %add3A_356, %add3A_357 : i32
        %dma_wait3A_359 = arith.constant 0 : i32
        %dma_wait3A_360 = arith.constant 0 : i32
        %dma_wait3A_361 = tpu.memref_slice %arg6[%rem3A_187, %dma_wait3A_359, %dma_wait3A_360] : memref<2x6x112xi32, #tpu.memory_space<vmem>> -> memref<1x6x112xi32, #tpu.memory_space<vmem>>
        %dma_wait3A_362 = tpu.memref_squeeze %dma_wait3A_361 : memref<1x6x112xi32, #tpu.memory_space<vmem>> -> memref<6x112xi32, #tpu.memory_space<vmem>>
        %dma_wait3A_363 = arith.constant 0 : i32
        %dma_wait3A_364 = arith.constant 0 : i32
        %dma_wait3A_365 = tpu.memref_slice %arg2[%add3A_358, %dma_wait3A_363, %dma_wait3A_364] : memref<960x6x112xi32, #tpu.memory_space<hbm>> -> memref<1x6x112xi32, #tpu.memory_space<hbm>>
        %dma_wait3A_366 = tpu.memref_squeeze %dma_wait3A_365 : memref<1x6x112xi32, #tpu.memory_space<hbm>> -> memref<6x112xi32, #tpu.memory_space<hbm>>
        %dma_wait3A_367 = arith.constant 0 : i32
        %dma_wait3A_368 = arith.constant 0 : i32
        %dma_wait3A_369 = tpu.memref_slice %arg6[%rem3A_187, %dma_wait3A_367, %dma_wait3A_368] : memref<2x6x112xi32, #tpu.memory_space<vmem>> -> memref<1x6x112xi32, #tpu.memory_space<vmem>>
        %dma_wait3A_370 = tpu.memref_squeeze %dma_wait3A_369 : memref<1x6x112xi32, #tpu.memory_space<vmem>> -> memref<6x112xi32, #tpu.memory_space<vmem>>
        %dma_wait3A_371 = arith.constant 0 : i32
        %dma_wait3A_372 = arith.constant 0 : i32
        %dma_wait3A_373 = tpu.memref_slice %arg2[%add3A_358, %dma_wait3A_371, %dma_wait3A_372] : memref<960x6x112xi32, #tpu.memory_space<hbm>> -> memref<1x6x112xi32, #tpu.memory_space<hbm>>
        %dma_wait3A_374 = tpu.memref_squeeze %dma_wait3A_373 : memref<1x6x112xi32, #tpu.memory_space<hbm>> -> memref<6x112xi32, #tpu.memory_space<hbm>>
        tpu.wait_dma2 semaphore(%arg18 : memref<!tpu.dma_semaphore, #tpu.memory_space<semaphore_mem>>) src(%dma_wait3A_374 : memref<6x112xi32, #tpu.memory_space<hbm>>) dst(%dma_wait3A_370 : memref<6x112xi32, #tpu.memory_space<vmem>>)
        %add3A_375 = arith.addi %add3A_143, %scan3A_182 : i32
        %add3A_376 = arith.constant 1 : i32
        %add3A_377 = arith.addi %add3A_375, %add3A_376 : i32
        %dma_wait3A_378 = arith.constant 0 : i32
        %dma_wait3A_379 = arith.constant 0 : i32
        %dma_wait3A_380 = tpu.memref_slice %arg7[%rem3A_187, %dma_wait3A_378, %dma_wait3A_379] : memref<2x6x112xi32, #tpu.memory_space<vmem>> -> memref<1x6x112xi32, #tpu.memory_space<vmem>>
        %dma_wait3A_381 = tpu.memref_squeeze %dma_wait3A_380 : memref<1x6x112xi32, #tpu.memory_space<vmem>> -> memref<6x112xi32, #tpu.memory_space<vmem>>
        %dma_wait3A_382 = arith.constant 0 : i32
        %dma_wait3A_383 = arith.constant 0 : i32
        %dma_wait3A_384 = tpu.memref_slice %arg2[%add3A_377, %dma_wait3A_382, %dma_wait3A_383] : memref<960x6x112xi32, #tpu.memory_space<hbm>> -> memref<1x6x112xi32, #tpu.memory_space<hbm>>
        %dma_wait3A_385 = tpu.memref_squeeze %dma_wait3A_384 : memref<1x6x112xi32, #tpu.memory_space<hbm>> -> memref<6x112xi32, #tpu.memory_space<hbm>>
        %dma_wait3A_386 = arith.constant 0 : i32
        %dma_wait3A_387 = arith.constant 0 : i32
        %dma_wait3A_388 = tpu.memref_slice %arg7[%rem3A_187, %dma_wait3A_386, %dma_wait3A_387] : memref<2x6x112xi32, #tpu.memory_space<vmem>> -> memref<1x6x112xi32, #tpu.memory_space<vmem>>
        %dma_wait3A_389 = tpu.memref_squeeze %dma_wait3A_388 : memref<1x6x112xi32, #tpu.memory_space<vmem>> -> memref<6x112xi32, #tpu.memory_space<vmem>>
        %dma_wait3A_390 = arith.constant 0 : i32
        %dma_wait3A_391 = arith.constant 0 : i32
        %dma_wait3A_392 = tpu.memref_slice %arg2[%add3A_377, %dma_wait3A_390, %dma_wait3A_391] : memref<960x6x112xi32, #tpu.memory_space<hbm>> -> memref<1x6x112xi32, #tpu.memory_space<hbm>>
        %dma_wait3A_393 = tpu.memref_squeeze %dma_wait3A_392 : memref<1x6x112xi32, #tpu.memory_space<hbm>> -> memref<6x112xi32, #tpu.memory_space<hbm>>
        tpu.wait_dma2 semaphore(%arg18 : memref<!tpu.dma_semaphore, #tpu.memory_space<semaphore_mem>>) src(%dma_wait3A_393 : memref<6x112xi32, #tpu.memory_space<hbm>>) dst(%dma_wait3A_389 : memref<6x112xi32, #tpu.memory_space<vmem>>)
      } else {
      }
      %dma_wait3A_292 = arith.constant 2 : i32
      %dma_wait3A_293 = arith.constant 0 : i32
      %dma_wait3A_294 = tpu.memref_slice %arg7[%rem3A_183, %dma_wait3A_292, %dma_wait3A_293] : memref<2x6x112xi32, #tpu.memory_space<vmem>> -> memref<1x1x112xi32, #tpu.memory_space<vmem>>
      %dma_wait3A_295 = tpu.memref_squeeze %dma_wait3A_294 : memref<1x1x112xi32, #tpu.memory_space<vmem>> -> memref<112xi32, #tpu.memory_space<vmem>>
      %dma_wait3A_296 = arith.constant 0 : i32
      %dma_wait3A_297 = arith.constant 0 : i32
      %dma_wait3A_298 = tpu.memref_slice %arg11[%dma_wait3A_296, %dma_wait3A_297] : memref<10240x128xf32, #tpu.memory_space<vmem_shared>> -> memref<10240x128xf32, #tpu.memory_space<vmem_shared>>
      tpu.wait_indirect_dma semaphore(%arg17 : memref<!tpu.dma_semaphore, #tpu.memory_space<semaphore_mem>>) src(%arg10 : memref<112x128xf32, #tpu.memory_space<vmem>>) dst(%dma_wait3A_298 : memref<10240x128xf32, #tpu.memory_space<vmem_shared>>)
      %dma_start3A_299 = arith.constant 5 : i32
      %dma_start3A_300 = arith.constant 0 : i32
      %dma_start3A_301 = tpu.memref_slice %arg6[%rem3A_183, %dma_start3A_299, %dma_start3A_300] : memref<2x6x112xi32, #tpu.memory_space<vmem>> -> memref<1x1x112xi32, #tpu.memory_space<vmem>>
      %dma_start3A_302 = tpu.memref_squeeze %dma_start3A_301 : memref<1x1x112xi32, #tpu.memory_space<vmem>> -> memref<112xi32, #tpu.memory_space<vmem>>
      %dma_start3A_303 = arith.constant 0 : i32
      %dma_start3A_304 = arith.constant 0 : i32
      %dma_start3A_305 = tpu.memref_slice %arg3[%dma_start3A_303, %dma_start3A_304] : memref<10000x128xf32, #tpu.memory_space<hbm>> -> memref<10000x128xf32, #tpu.memory_space<hbm>>
      tpu.enqueue_indirect_dma source(%dma_start3A_305 : memref<10000x128xf32, #tpu.memory_space<hbm>>) target(%arg10 : memref<112x128xf32, #tpu.memory_space<vmem>>) offsets(%dma_start3A_302 : memref<112xi32, #tpu.memory_space<vmem>>) semaphore(%arg14 : memref<!tpu.dma_semaphore, #tpu.memory_space<semaphore_mem>>)
      %dma_wait3A_306 = arith.constant 4 : i32
      %dma_wait3A_307 = arith.constant 0 : i32
      %dma_wait3A_308 = tpu.memref_slice %arg6[%rem3A_183, %dma_wait3A_306, %dma_wait3A_307] : memref<2x6x112xi32, #tpu.memory_space<vmem>> -> memref<1x1x112xi32, #tpu.memory_space<vmem>>
      %dma_wait3A_309 = tpu.memref_squeeze %dma_wait3A_308 : memref<1x1x112xi32, #tpu.memory_space<vmem>> -> memref<112xi32, #tpu.memory_space<vmem>>
      %dma_wait3A_310 = arith.constant 0 : i32
      %dma_wait3A_311 = arith.constant 0 : i32
      %dma_wait3A_312 = tpu.memref_slice %arg3[%dma_wait3A_310, %dma_wait3A_311] : memref<10000x128xf32, #tpu.memory_space<hbm>> -> memref<10000x128xf32, #tpu.memory_space<hbm>>
      tpu.wait_indirect_dma semaphore(%arg13 : memref<!tpu.dma_semaphore, #tpu.memory_space<semaphore_mem>>) src(%dma_wait3A_312 : memref<10000x128xf32, #tpu.memory_space<hbm>>) dst(%arg9 : memref<112x128xf32, #tpu.memory_space<vmem>>)
      %dma_start3A_313 = arith.constant 4 : i32
      %dma_start3A_314 = arith.constant 0 : i32
      %dma_start3A_315 = tpu.memref_slice %arg7[%rem3A_183, %dma_start3A_313, %dma_start3A_314] : memref<2x6x112xi32, #tpu.memory_space<vmem>> -> memref<1x1x112xi32, #tpu.memory_space<vmem>>
      %dma_start3A_316 = tpu.memref_squeeze %dma_start3A_315 : memref<1x1x112xi32, #tpu.memory_space<vmem>> -> memref<112xi32, #tpu.memory_space<vmem>>
      %dma_start3A_317 = arith.constant 0 : i32
      %dma_start3A_318 = arith.constant 0 : i32
      %dma_start3A_319 = tpu.memref_slice %arg11[%dma_start3A_317, %dma_start3A_318] : memref<10240x128xf32, #tpu.memory_space<vmem_shared>> -> memref<10240x128xf32, #tpu.memory_space<vmem_shared>>
      tpu.enqueue_indirect_dma source(%arg9 : memref<112x128xf32, #tpu.memory_space<vmem>>) target(%dma_start3A_319 : memref<10240x128xf32, #tpu.memory_space<vmem_shared>>) offsets(%dma_start3A_316 : memref<112xi32, #tpu.memory_space<vmem>>) semaphore(%arg16 : memref<!tpu.dma_semaphore, #tpu.memory_space<semaphore_mem>>) {add = true}
      %run_scoped3A_320 = arith.constant 4 : i32
      "tpu.region"() ({
        %run_scoped3A_356 = tpu.sem_alloc : memref<!tpu.dma_semaphore, #tpu.memory_space<semaphore_mem>>
        %dma_start3A_357 = arith.constant 0 : i32
        %dma_start3A_358 = tpu.memref_slice %arg7[%rem3A_183, %run_scoped3A_320, %dma_start3A_357] : memref<2x6x112xi32, #tpu.memory_space<vmem>> -> memref<1x1x112xi32, #tpu.memory_space<vmem>>
        %dma_start3A_359 = tpu.memref_squeeze %dma_start3A_358 : memref<1x1x112xi32, #tpu.memory_space<vmem>> -> memref<112xi32, #tpu.memory_space<vmem>>
        %dma_start3A_360 = arith.constant 0 : i32
        %dma_start3A_361 = tpu.memref_slice %arg21[%dma_start3A_360] : memref<10240xf32, #tpu.memory_space<vmem_shared>> -> memref<10240xf32, #tpu.memory_space<vmem_shared>>
        tpu.enqueue_indirect_dma source(%arg19 : memref<112xf32, #tpu.memory_space<vmem>>) target(%dma_start3A_361 : memref<10240xf32, #tpu.memory_space<vmem_shared>>) offsets(%dma_start3A_359 : memref<112xi32, #tpu.memory_space<vmem>>) semaphore(%run_scoped3A_356 : memref<!tpu.dma_semaphore, #tpu.memory_space<semaphore_mem>>) {add = true}
        %dma_wait3A_362 = arith.constant 0 : i32
        %dma_wait3A_363 = tpu.memref_slice %arg7[%rem3A_183, %run_scoped3A_320, %dma_wait3A_362] : memref<2x6x112xi32, #tpu.memory_space<vmem>> -> memref<1x1x112xi32, #tpu.memory_space<vmem>>
        %dma_wait3A_364 = tpu.memref_squeeze %dma_wait3A_363 : memref<1x1x112xi32, #tpu.memory_space<vmem>> -> memref<112xi32, #tpu.memory_space<vmem>>
        %dma_wait3A_365 = arith.constant 0 : i32
        %dma_wait3A_366 = tpu.memref_slice %arg21[%dma_wait3A_365] : memref<10240xf32, #tpu.memory_space<vmem_shared>> -> memref<10240xf32, #tpu.memory_space<vmem_shared>>
        tpu.wait_indirect_dma semaphore(%run_scoped3A_356 : memref<!tpu.dma_semaphore, #tpu.memory_space<semaphore_mem>>) src(%arg19 : memref<112xf32, #tpu.memory_space<vmem>>) dst(%dma_wait3A_366 : memref<10240xf32, #tpu.memory_space<vmem_shared>>)
        tpu.yield
      }) : () -> ()
      %dma_wait3A_321 = arith.constant 3 : i32
      %dma_wait3A_322 = arith.constant 0 : i32
      %dma_wait3A_323 = tpu.memref_slice %arg7[%rem3A_183, %dma_wait3A_321, %dma_wait3A_322] : memref<2x6x112xi32, #tpu.memory_space<vmem>> -> memref<1x1x112xi32, #tpu.memory_space<vmem>>
      %dma_wait3A_324 = tpu.memref_squeeze %dma_wait3A_323 : memref<1x1x112xi32, #tpu.memory_space<vmem>> -> memref<112xi32, #tpu.memory_space<vmem>>
      %dma_wait3A_325 = arith.constant 0 : i32
      %dma_wait3A_326 = arith.constant 0 : i32
      %dma_wait3A_327 = tpu.memref_slice %arg11[%dma_wait3A_325, %dma_wait3A_326] : memref<10240x128xf32, #tpu.memory_space<vmem_shared>> -> memref<10240x128xf32, #tpu.memory_space<vmem_shared>>
      tpu.wait_indirect_dma semaphore(%arg15 : memref<!tpu.dma_semaphore, #tpu.memory_space<semaphore_mem>>) src(%arg8 : memref<112x128xf32, #tpu.memory_space<vmem>>) dst(%dma_wait3A_327 : memref<10240x128xf32, #tpu.memory_space<vmem_shared>>)
      %convert_element_type3A_328 = arith.extui %lt3A_188 : i1 to i32
      %cond3A_329 = arith.constant 0 : i32
      %cond3A_330 = arith.cmpi ne, %convert_element_type3A_328, %cond3A_329 : i32
      scf.if %cond3A_330 {
        %dma_start3A_356 = arith.constant 0 : i32
        %dma_start3A_357 = arith.constant 0 : i32
        %dma_start3A_358 = tpu.memref_slice %arg6[%rem3A_187, %dma_start3A_356, %dma_start3A_357] : memref<2x6x112xi32, #tpu.memory_space<vmem>> -> memref<1x1x112xi32, #tpu.memory_space<vmem>>
        %dma_start3A_359 = tpu.memref_squeeze %dma_start3A_358 : memref<1x1x112xi32, #tpu.memory_space<vmem>> -> memref<112xi32, #tpu.memory_space<vmem>>
        %dma_start3A_360 = arith.constant 0 : i32
        %dma_start3A_361 = arith.constant 0 : i32
        %dma_start3A_362 = tpu.memref_slice %arg3[%dma_start3A_360, %dma_start3A_361] : memref<10000x128xf32, #tpu.memory_space<hbm>> -> memref<10000x128xf32, #tpu.memory_space<hbm>>
        tpu.enqueue_indirect_dma source(%dma_start3A_362 : memref<10000x128xf32, #tpu.memory_space<hbm>>) target(%arg8 : memref<112x128xf32, #tpu.memory_space<vmem>>) offsets(%dma_start3A_359 : memref<112xi32, #tpu.memory_space<vmem>>) semaphore(%arg12 : memref<!tpu.dma_semaphore, #tpu.memory_space<semaphore_mem>>)
      } else {
      }
      %dma_wait3A_331 = arith.constant 5 : i32
      %dma_wait3A_332 = arith.constant 0 : i32
      %dma_wait3A_333 = tpu.memref_slice %arg6[%rem3A_183, %dma_wait3A_331, %dma_wait3A_332] : memref<2x6x112xi32, #tpu.memory_space<vmem>> -> memref<1x1x112xi32, #tpu.memory_space<vmem>>
      %dma_wait3A_334 = tpu.memref_squeeze %dma_wait3A_333 : memref<1x1x112xi32, #tpu.memory_space<vmem>> -> memref<112xi32, #tpu.memory_space<vmem>>
      %dma_wait3A_335 = arith.constant 0 : i32
      %dma_wait3A_336 = arith.constant 0 : i32
      %dma_wait3A_337 = tpu.memref_slice %arg3[%dma_wait3A_335, %dma_wait3A_336] : memref<10000x128xf32, #tpu.memory_space<hbm>> -> memref<10000x128xf32, #tpu.memory_space<hbm>>
      tpu.wait_indirect_dma semaphore(%arg14 : memref<!tpu.dma_semaphore, #tpu.memory_space<semaphore_mem>>) src(%dma_wait3A_337 : memref<10000x128xf32, #tpu.memory_space<hbm>>) dst(%arg10 : memref<112x128xf32, #tpu.memory_space<vmem>>)
      %dma_start3A_338 = arith.constant 5 : i32
      %dma_start3A_339 = arith.constant 0 : i32
      %dma_start3A_340 = tpu.memref_slice %arg7[%rem3A_183, %dma_start3A_338, %dma_start3A_339] : memref<2x6x112xi32, #tpu.memory_space<vmem>> -> memref<1x1x112xi32, #tpu.memory_space<vmem>>
      %dma_start3A_341 = tpu.memref_squeeze %dma_start3A_340 : memref<1x1x112xi32, #tpu.memory_space<vmem>> -> memref<112xi32, #tpu.memory_space<vmem>>
      %dma_start3A_342 = arith.constant 0 : i32
      %dma_start3A_343 = arith.constant 0 : i32
      %dma_start3A_344 = tpu.memref_slice %arg11[%dma_start3A_342, %dma_start3A_343] : memref<10240x128xf32, #tpu.memory_space<vmem_shared>> -> memref<10240x128xf32, #tpu.memory_space<vmem_shared>>
      tpu.enqueue_indirect_dma source(%arg10 : memref<112x128xf32, #tpu.memory_space<vmem>>) target(%dma_start3A_344 : memref<10240x128xf32, #tpu.memory_space<vmem_shared>>) offsets(%dma_start3A_341 : memref<112xi32, #tpu.memory_space<vmem>>) semaphore(%arg17 : memref<!tpu.dma_semaphore, #tpu.memory_space<semaphore_mem>>) {add = true}
      %run_scoped3A_345 = arith.constant 5 : i32
      "tpu.region"() ({
        %run_scoped3A_356 = tpu.sem_alloc : memref<!tpu.dma_semaphore, #tpu.memory_space<semaphore_mem>>
        %dma_start3A_357 = arith.constant 0 : i32
        %dma_start3A_358 = tpu.memref_slice %arg7[%rem3A_183, %run_scoped3A_345, %dma_start3A_357] : memref<2x6x112xi32, #tpu.memory_space<vmem>> -> memref<1x1x112xi32, #tpu.memory_space<vmem>>
        %dma_start3A_359 = tpu.memref_squeeze %dma_start3A_358 : memref<1x1x112xi32, #tpu.memory_space<vmem>> -> memref<112xi32, #tpu.memory_space<vmem>>
        %dma_start3A_360 = arith.constant 0 : i32
        %dma_start3A_361 = tpu.memref_slice %arg21[%dma_start3A_360] : memref<10240xf32, #tpu.memory_space<vmem_shared>> -> memref<10240xf32, #tpu.memory_space<vmem_shared>>
        tpu.enqueue_indirect_dma source(%arg19 : memref<112xf32, #tpu.memory_space<vmem>>) target(%dma_start3A_361 : memref<10240xf32, #tpu.memory_space<vmem_shared>>) offsets(%dma_start3A_359 : memref<112xi32, #tpu.memory_space<vmem>>) semaphore(%run_scoped3A_356 : memref<!tpu.dma_semaphore, #tpu.memory_space<semaphore_mem>>) {add = true}
        %dma_wait3A_362 = arith.constant 0 : i32
        %dma_wait3A_363 = tpu.memref_slice %arg7[%rem3A_183, %run_scoped3A_345, %dma_wait3A_362] : memref<2x6x112xi32, #tpu.memory_space<vmem>> -> memref<1x1x112xi32, #tpu.memory_space<vmem>>
        %dma_wait3A_364 = tpu.memref_squeeze %dma_wait3A_363 : memref<1x1x112xi32, #tpu.memory_space<vmem>> -> memref<112xi32, #tpu.memory_space<vmem>>
        %dma_wait3A_365 = arith.constant 0 : i32
        %dma_wait3A_366 = tpu.memref_slice %arg21[%dma_wait3A_365] : memref<10240xf32, #tpu.memory_space<vmem_shared>> -> memref<10240xf32, #tpu.memory_space<vmem_shared>>
        tpu.wait_indirect_dma semaphore(%run_scoped3A_356 : memref<!tpu.dma_semaphore, #tpu.memory_space<semaphore_mem>>) src(%arg19 : memref<112xf32, #tpu.memory_space<vmem>>) dst(%dma_wait3A_366 : memref<10240xf32, #tpu.memory_space<vmem_shared>>)
        tpu.yield
      }) : () -> ()
      %dma_wait3A_346 = arith.constant 4 : i32
      %dma_wait3A_347 = arith.constant 0 : i32
      %dma_wait3A_348 = tpu.memref_slice %arg7[%rem3A_183, %dma_wait3A_346, %dma_wait3A_347] : memref<2x6x112xi32, #tpu.memory_space<vmem>> -> memref<1x1x112xi32, #tpu.memory_space<vmem>>
      %dma_wait3A_349 = tpu.memref_squeeze %dma_wait3A_348 : memref<1x1x112xi32, #tpu.memory_space<vmem>> -> memref<112xi32, #tpu.memory_space<vmem>>
      %dma_wait3A_350 = arith.constant 0 : i32
      %dma_wait3A_351 = arith.constant 0 : i32
      %dma_wait3A_352 = tpu.memref_slice %arg11[%dma_wait3A_350, %dma_wait3A_351] : memref<10240x128xf32, #tpu.memory_space<vmem_shared>> -> memref<10240x128xf32, #tpu.memory_space<vmem_shared>>
      tpu.wait_indirect_dma semaphore(%arg16 : memref<!tpu.dma_semaphore, #tpu.memory_space<semaphore_mem>>) src(%arg9 : memref<112x128xf32, #tpu.memory_space<vmem>>) dst(%dma_wait3A_352 : memref<10240x128xf32, #tpu.memory_space<vmem_shared>>)
      %convert_element_type3A_353 = arith.extui %lt3A_188 : i1 to i32
      %cond3A_354 = arith.constant 0 : i32
      %cond3A_355 = arith.cmpi ne, %convert_element_type3A_353, %cond3A_354 : i32
      scf.if %cond3A_355 {
        %dma_start3A_356 = arith.constant 1 : i32
        %dma_start3A_357 = arith.constant 0 : i32
        %dma_start3A_358 = tpu.memref_slice %arg6[%rem3A_187, %dma_start3A_356, %dma_start3A_357] : memref<2x6x112xi32, #tpu.memory_space<vmem>> -> memref<1x1x112xi32, #tpu.memory_space<vmem>>
        %dma_start3A_359 = tpu.memref_squeeze %dma_start3A_358 : memref<1x1x112xi32, #tpu.memory_space<vmem>> -> memref<112xi32, #tpu.memory_space<vmem>>
        %dma_start3A_360 = arith.constant 0 : i32
        %dma_start3A_361 = arith.constant 0 : i32
        %dma_start3A_362 = tpu.memref_slice %arg3[%dma_start3A_360, %dma_start3A_361] : memref<10000x128xf32, #tpu.memory_space<hbm>> -> memref<10000x128xf32, #tpu.memory_space<hbm>>
        tpu.enqueue_indirect_dma source(%dma_start3A_362 : memref<10000x128xf32, #tpu.memory_space<hbm>>) target(%arg9 : memref<112x128xf32, #tpu.memory_space<vmem>>) offsets(%dma_start3A_359 : memref<112xi32, #tpu.memory_space<vmem>>) semaphore(%arg13 : memref<!tpu.dma_semaphore, #tpu.memory_space<semaphore_mem>>)
      } else {
      }
    }
    %scan3A_165 = arith.constant 15 : i32
    %dma_wait3A = arith.constant 0 : i32
    %dma_wait3A_166 = arith.constant 0 : i32
    %dma_wait3A_167 = arith.constant 0 : i32
    %dma_wait3A_168 = tpu.memref_slice %arg7[%dma_wait3A, %dma_wait3A_166, %dma_wait3A_167] : memref<2x6x112xi32, #tpu.memory_space<vmem>> -> memref<1x1x112xi32, #tpu.memory_space<vmem>>
    %dma_wait3A_169 = tpu.memref_squeeze %dma_wait3A_168 : memref<1x1x112xi32, #tpu.memory_space<vmem>> -> memref<112xi32, #tpu.memory_space<vmem>>
    %dma_wait3A_170 = arith.constant 0 : i32
    %dma_wait3A_171 = arith.constant 0 : i32
    %dma_wait3A_172 = tpu.memref_slice %arg11[%dma_wait3A_170, %dma_wait3A_171] : memref<10240x128xf32, #tpu.memory_space<vmem_shared>> -> memref<10240x128xf32, #tpu.memory_space<vmem_shared>>
    tpu.wait_indirect_dma semaphore(%arg17 : memref<!tpu.dma_semaphore, #tpu.memory_space<semaphore_mem>>) src(%arg10 : memref<112x128xf32, #tpu.memory_space<vmem>>) dst(%dma_wait3A_172 : memref<10240x128xf32, #tpu.memory_space<vmem_shared>>)
    %barrier3A_173 = arith.constant 0 : index
    tpu.barrier barrier_id(%barrier3A_173)
    %mul3A_174 = arith.constant 640 : i32
    %mul3A_175 = arith.muli %arg1, %mul3A_174 : i32
    %mul3A_176 = arith.constant 640 : i32
    %mul3A_177 = arith.muli %arg1, %mul3A_176 : i32
    "tpu.region"() ({
      %run_scoped3A_182 = tpu.sem_alloc : memref<!tpu.dma_semaphore, #tpu.memory_space<semaphore_mem>>
      %dma_start3A_183 = arith.constant 0 : i32
      %dma_start3A_184 = tpu.memref_slice %arg4[%arg0, %mul3A_177, %dma_start3A_183] : memref<2x10240x128xf32, #tpu.memory_space<hbm>> -> memref<1x640x128xf32, #tpu.memory_space<hbm>>
      %dma_start3A_185 = tpu.memref_squeeze %dma_start3A_184 : memref<1x640x128xf32, #tpu.memory_space<hbm>> -> memref<640x128xf32, #tpu.memory_space<hbm>>
      %dma_start3A_186 = arith.constant 0 : i32
      %dma_start3A_187 = tpu.memref_slice %arg11[%mul3A_175, %dma_start3A_186] : memref<10240x128xf32, #tpu.memory_space<vmem_shared>> -> memref<640x128xf32, #tpu.memory_space<vmem_shared>>
      tpu.enqueue_dma source(%dma_start3A_187 : memref<640x128xf32, #tpu.memory_space<vmem_shared>>) target(%dma_start3A_185 : memref<640x128xf32, #tpu.memory_space<hbm>>) target_semaphore(%run_scoped3A_182 : memref<!tpu.dma_semaphore, #tpu.memory_space<semaphore_mem>>)
      %dma_wait3A_188 = arith.constant 0 : i32
      %dma_wait3A_189 = tpu.memref_slice %arg4[%arg0, %mul3A_177, %dma_wait3A_188] : memref<2x10240x128xf32, #tpu.memory_space<hbm>> -> memref<1x640x128xf32, #tpu.memory_space<hbm>>
      %dma_wait3A_190 = tpu.memref_squeeze %dma_wait3A_189 : memref<1x640x128xf32, #tpu.memory_space<hbm>> -> memref<640x128xf32, #tpu.memory_space<hbm>>
      %dma_wait3A_191 = arith.constant 0 : i32
      %dma_wait3A_192 = tpu.memref_slice %arg11[%mul3A_175, %dma_wait3A_191] : memref<10240x128xf32, #tpu.memory_space<vmem_shared>> -> memref<640x128xf32, #tpu.memory_space<vmem_shared>>
      tpu.wait_dma2 semaphore(%run_scoped3A_182 : memref<!tpu.dma_semaphore, #tpu.memory_space<semaphore_mem>>) src(%dma_wait3A_192 : memref<640x128xf32, #tpu.memory_space<vmem_shared>>) dst(%dma_wait3A_190 : memref<640x128xf32, #tpu.memory_space<hbm>>)
      tpu.yield
    }) : () -> ()
    %mul3A_178 = arith.constant 640 : i32
    %mul3A_179 = arith.muli %arg1, %mul3A_178 : i32
    %mul3A_180 = arith.constant 640 : i32
    %mul3A_181 = arith.muli %arg1, %mul3A_180 : i32
    "tpu.region"() ({
      %run_scoped3A_182 = tpu.sem_alloc : memref<!tpu.dma_semaphore, #tpu.memory_space<semaphore_mem>>
      %dma_start3A_183 = tpu.memref_slice %arg5[%arg0, %mul3A_181] : memref<2x10240xf32, #tpu.memory_space<hbm>> -> memref<1x640xf32, #tpu.memory_space<hbm>>
      %dma_start3A_184 = tpu.memref_squeeze %dma_start3A_183 : memref<1x640xf32, #tpu.memory_space<hbm>> -> memref<640xf32, #tpu.memory_space<hbm>>
      %dma_start3A_185 = tpu.memref_slice %arg21[%mul3A_179] : memref<10240xf32, #tpu.memory_space<vmem_shared>> -> memref<640xf32, #tpu.memory_space<vmem_shared>>
      tpu.enqueue_dma source(%dma_start3A_185 : memref<640xf32, #tpu.memory_space<vmem_shared>>) target(%dma_start3A_184 : memref<640xf32, #tpu.memory_space<hbm>>) target_semaphore(%run_scoped3A_182 : memref<!tpu.dma_semaphore, #tpu.memory_space<semaphore_mem>>)
      %dma_wait3A_186 = tpu.memref_slice %arg5[%arg0, %mul3A_181] : memref<2x10240xf32, #tpu.memory_space<hbm>> -> memref<1x640xf32, #tpu.memory_space<hbm>>
      %dma_wait3A_187 = tpu.memref_squeeze %dma_wait3A_186 : memref<1x640xf32, #tpu.memory_space<hbm>> -> memref<640xf32, #tpu.memory_space<hbm>>
      %dma_wait3A_188 = tpu.memref_slice %arg21[%mul3A_179] : memref<10240xf32, #tpu.memory_space<vmem_shared>> -> memref<640xf32, #tpu.memory_space<vmem_shared>>
      tpu.wait_dma2 semaphore(%run_scoped3A_182 : memref<!tpu.dma_semaphore, #tpu.memory_space<semaphore_mem>>) src(%dma_wait3A_188 : memref<640xf32, #tpu.memory_space<vmem_shared>>) dst(%dma_wait3A_187 : memref<640xf32, #tpu.memory_space<hbm>>)
      tpu.yield
    }) : () -> ()
    return
  }
}

module attributes {stable_mosaic.version = 14 : i64} {
  func.func @_tc_xr_body(%arg0: i32, %arg1: memref<2000x128xf32, #tpu.memory_space<vmem>>, %arg2: memref<128x128xf32, #tpu.memory_space<vmem>>, %arg3: memref<128xf32, #tpu.memory_space<vmem>>, %arg4: memref<2000x128xf32, #tpu.memory_space<vmem>>) attributes {dimension_semantics = [#tpu.dimension_semantics<arbitrary>], iteration_bounds = array<i64: 5>, scalar_prefetch = 0 : i64, scratch_operands = 0 : i64, tpu.core_type = #tpu.core_type<tc>, window_params = [{transform_indices = @transform_0, window_bounds = array<i64: 2000, 128>}, {pipeline_mode = #tpu.pipeline_mode<synchronous>, transform_indices = @transform_1, window_bounds = array<i64: 128, 128>}, {pipeline_mode = #tpu.pipeline_mode<synchronous>, transform_indices = @transform_2, window_bounds = array<i64: 128>}, {transform_indices = @transform_3, window_bounds = array<i64: 2000, 128>}]} {
    %get3A = arith.constant 0 : index
    %get3A_0 = arith.constant 0 : index
    %get3A_1 = vector.load %arg1[%get3A, %get3A_0] : memref<2000x128xf32, #tpu.memory_space<vmem>>, vector<2000x128xf32>
    %get3A_2 = arith.constant 0 : index
    %get3A_3 = arith.constant 0 : index
    %get3A_4 = vector.load %arg2[%get3A_2, %get3A_3] : memref<128x128xf32, #tpu.memory_space<vmem>>, vector<128x128xf32>
    %dot_general3A = arith.constant dense<0.000000e+00> : vector<2000x128xf32>
    %dot_general3A_5 = tpu.matmul %get3A_1, %get3A_4, %dot_general3A {dimension_numbers = #tpu.dot_dimension_numbers<[1], [0], [0], [1], [0, 0, 1, 1], [], []>, transpose_lhs_hint = false} : vector<2000x128xf32>, vector<128x128xf32>, vector<2000x128xf32> -> vector<2000x128xf32>
    %get3A_6 = arith.constant 0 : index
    %get3A_7 = vector.load %arg3[%get3A_6] : memref<128xf32, #tpu.memory_space<vmem>>, vector<128xf32>
    %broadcast_in_dim3A = vector.shape_cast %get3A_7 : vector<128xf32> to vector<1x128xf32>
    %add3A = vector.broadcast %broadcast_in_dim3A : vector<1x128xf32> to vector<2000x128xf32>
    %add3A_8 = arith.addf %dot_general3A_5, %add3A : vector<2000x128xf32>
    %swap3A = arith.constant 0 : index
    %swap3A_9 = arith.constant 0 : index
    %swap3A_10 = vector.load %arg4[%swap3A, %swap3A_9] : memref<2000x128xf32, #tpu.memory_space<vmem>>, vector<2000x128xf32>
    tpu.vector_store %arg4[%swap3A, %swap3A_9], %add3A_8 {strides = array<i32>} : memref<2000x128xf32, #tpu.memory_space<vmem>>, vector<2000x128xf32>,
    return
  }
  func.func @transform_0(%arg0: i32) -> (i32, i32) {
    %c0_i32 = arith.constant 0 : i32
    %c0_i32_0 = arith.constant 0 : i32
    return %arg0, %c0_i32 : i32, i32
  }
  func.func @transform_1(%arg0: i32) -> (i32, i32) {
    %c0_i32 = arith.constant 0 : i32
    %c0_i32_0 = arith.constant 0 : i32
    %c0_i32_1 = arith.constant 0 : i32
    return %c0_i32, %c0_i32_0 : i32, i32
  }
  func.func @transform_2(%arg0: i32) -> i32 {
    %c0_i32 = arith.constant 0 : i32
    %c0_i32_0 = arith.constant 0 : i32
    return %c0_i32 : i32
  }
  func.func @transform_3(%arg0: i32) -> (i32, i32) {
    %c0_i32 = arith.constant 0 : i32
    %c0_i32_0 = arith.constant 0 : i32
    return %arg0, %c0_i32 : i32, i32
  }
}

module attributes {stable_mosaic.version = 14 : i64} {
  func.func @_tc_combine_body(%arg0: i32, %arg1: memref<2x2000x128xf32, #tpu.memory_space<vmem>>, %arg2: memref<2x2000x1xf32, #tpu.memory_space<vmem>>, %arg3: memref<2000x128xf32, #tpu.memory_space<vmem>>, %arg4: memref<128x128xf32, #tpu.memory_space<vmem>>, %arg5: memref<2000x128xf32, #tpu.memory_space<vmem>>) attributes {dimension_semantics = [#tpu.dimension_semantics<arbitrary>], iteration_bounds = array<i64: 5>, scalar_prefetch = 0 : i64, scratch_operands = 0 : i64, tpu.core_type = #tpu.core_type<tc>, window_params = [{transform_indices = @transform_0, window_bounds = array<i64: 2, 2000, 128>}, {transform_indices = @transform_1, window_bounds = array<i64: 2, 2000, 1>}, {transform_indices = @transform_2, window_bounds = array<i64: 2000, 128>}, {pipeline_mode = #tpu.pipeline_mode<synchronous>, transform_indices = @transform_3, window_bounds = array<i64: 128, 128>}, {transform_indices = @transform_4, window_bounds = array<i64: 2000, 128>}]} {
    %get3A = arith.constant 0 : index
    %get3A_0 = arith.constant 0 : index
    %get3A_1 = arith.constant 0 : index
    %get3A_2 = vector.load %arg2[%get3A, %get3A_0, %get3A_1] : memref<2x2000x1xf32, #tpu.memory_space<vmem>>, vector<1x2000x1xf32>
    %get3A_3 = vector.shape_cast %get3A_2 : vector<1x2000x1xf32> to vector<2000x1xf32>
    %get3A_4 = arith.constant 1 : index
    %get3A_5 = arith.constant 0 : index
    %get3A_6 = arith.constant 0 : index
    %get3A_7 = vector.load %arg2[%get3A_4, %get3A_5, %get3A_6] : memref<2x2000x1xf32, #tpu.memory_space<vmem>>, vector<1x2000x1xf32>
    %get3A_8 = vector.shape_cast %get3A_7 : vector<1x2000x1xf32> to vector<2000x1xf32>
    %add3A = arith.addf %get3A_3, %get3A_8 : vector<2000x1xf32>
    %max3A = arith.constant 1.000000e+00 : f32
    %max3A_9 = vector.broadcast %max3A : f32 to vector<2000x1xf32>
    %max3A_10 = arith.maximumf %add3A, %max3A_9 : vector<2000x1xf32>
    %div3A = arith.constant 1.000000e+00 : f32
    %div3A_11 = vector.broadcast %div3A : f32 to vector<2000x1xf32>
    %div3A_12 = arith.divf %div3A_11, %max3A_10 : vector<2000x1xf32>
    %get3A_13 = arith.constant 0 : index
    %get3A_14 = arith.constant 0 : index
    %get3A_15 = arith.constant 0 : index
    %get3A_16 = vector.load %arg1[%get3A_13, %get3A_14, %get3A_15] : memref<2x2000x128xf32, #tpu.memory_space<vmem>>, vector<1x2000x128xf32>
    %get3A_17 = vector.shape_cast %get3A_16 : vector<1x2000x128xf32> to vector<2000x128xf32>
    %get3A_18 = arith.constant 1 : index
    %get3A_19 = arith.constant 0 : index
    %get3A_20 = arith.constant 0 : index
    %get3A_21 = vector.load %arg1[%get3A_18, %get3A_19, %get3A_20] : memref<2x2000x128xf32, #tpu.memory_space<vmem>>, vector<1x2000x128xf32>
    %get3A_22 = vector.shape_cast %get3A_21 : vector<1x2000x128xf32> to vector<2000x128xf32>
    %add3A_23 = arith.addf %get3A_17, %get3A_22 : vector<2000x128xf32>
    %mul3A = vector.broadcast %div3A_12 : vector<2000x1xf32> to vector<2000x128xf32>
    %mul3A_24 = arith.mulf %add3A_23, %mul3A : vector<2000x128xf32>
    %get3A_25 = arith.constant 0 : index
    %get3A_26 = arith.constant 0 : index
    %get3A_27 = vector.load %arg4[%get3A_25, %get3A_26] : memref<128x128xf32, #tpu.memory_space<vmem>>, vector<128x128xf32>
    %dot_general3A = arith.constant dense<0.000000e+00> : vector<2000x128xf32>
    %dot_general3A_28 = tpu.matmul %mul3A_24, %get3A_27, %dot_general3A {dimension_numbers = #tpu.dot_dimension_numbers<[1], [0], [0], [1], [0, 0, 1, 1], [], []>, transpose_lhs_hint = false} : vector<2000x128xf32>, vector<128x128xf32>, vector<2000x128xf32> -> vector<2000x128xf32>
    %get3A_29 = arith.constant 0 : index
    %get3A_30 = arith.constant 0 : index
    %get3A_31 = vector.load %arg3[%get3A_29, %get3A_30] : memref<2000x128xf32, #tpu.memory_space<vmem>>, vector<2000x128xf32>
    %add3A_32 = arith.addf %dot_general3A_28, %get3A_31 : vector<2000x128xf32>
    %max3A_33 = arith.constant 0.000000e+00 : f32
    %max3A_34 = vector.broadcast %max3A_33 : f32 to vector<2000x128xf32>
    %max3A_35 = arith.maximumf %add3A_32, %max3A_34 : vector<2000x128xf32>
    %swap3A = arith.constant 0 : index
    %swap3A_36 = arith.constant 0 : index
    %swap3A_37 = vector.load %arg5[%swap3A, %swap3A_36] : memref<2000x128xf32, #tpu.memory_space<vmem>>, vector<2000x128xf32>
    tpu.vector_store %arg5[%swap3A, %swap3A_36], %max3A_35 {strides = array<i32>} : memref<2000x128xf32, #tpu.memory_space<vmem>>, vector<2000x128xf32>,
    return
  }
  func.func @transform_0(%arg0: i32) -> (i32, i32, i32) {
    %c0_i32 = arith.constant 0 : i32
    %c0_i32_0 = arith.constant 0 : i32
    %c0_i32_1 = arith.constant 0 : i32
    return %c0_i32, %arg0, %c0_i32_0 : i32, i32, i32
  }
  func.func @transform_1(%arg0: i32) -> (i32, i32, i32) {
    %c0_i32 = arith.constant 0 : i32
    %c0_i32_0 = arith.constant 0 : i32
    %c0_i32_1 = arith.constant 0 : i32
    return %c0_i32, %arg0, %c0_i32_0 : i32, i32, i32
  }
  func.func @transform_2(%arg0: i32) -> (i32, i32) {
    %c0_i32 = arith.constant 0 : i32
    %c0_i32_0 = arith.constant 0 : i32
    return %arg0, %c0_i32 : i32, i32
  }
  func.func @transform_3(%arg0: i32) -> (i32, i32) {
    %c0_i32 = arith.constant 0 : i32
    %c0_i32_0 = arith.constant 0 : i32
    %c0_i32_1 = arith.constant 0 : i32
    return %c0_i32, %c0_i32_0 : i32, i32
  }
  func.func @transform_4(%arg0: i32) -> (i32, i32) {
    %c0_i32 = arith.constant 0 : i32
    %c0_i32_0 = arith.constant 0 : i32
    return %arg0, %c0_i32 : i32, i32
  }
}

module attributes {stable_mosaic.version = 14 : i64} {
  func.func @_tc_combine_body(%arg0: i32, %arg1: memref<2x2000x128xf32, #tpu.memory_space<vmem>>, %arg2: memref<2x2000x1xf32, #tpu.memory_space<vmem>>, %arg3: memref<2000x128xf32, #tpu.memory_space<vmem>>, %arg4: memref<128x128xf32, #tpu.memory_space<vmem>>, %arg5: memref<2000x128xf32, #tpu.memory_space<vmem>>) attributes {dimension_semantics = [#tpu.dimension_semantics<arbitrary>], iteration_bounds = array<i64: 5>, scalar_prefetch = 0 : i64, scratch_operands = 0 : i64, tpu.core_type = #tpu.core_type<tc>, window_params = [{transform_indices = @transform_0, window_bounds = array<i64: 2, 2000, 128>}, {transform_indices = @transform_1, window_bounds = array<i64: 2, 2000, 1>}, {transform_indices = @transform_2, window_bounds = array<i64: 2000, 128>}, {pipeline_mode = #tpu.pipeline_mode<synchronous>, transform_indices = @transform_3, window_bounds = array<i64: 128, 128>}, {transform_indices = @transform_4, window_bounds = array<i64: 2000, 128>}]} {
    %get3A = arith.constant 0 : index
    %get3A_0 = arith.constant 0 : index
    %get3A_1 = arith.constant 0 : index
    %get3A_2 = vector.load %arg2[%get3A, %get3A_0, %get3A_1] : memref<2x2000x1xf32, #tpu.memory_space<vmem>>, vector<1x2000x1xf32>
    %get3A_3 = vector.shape_cast %get3A_2 : vector<1x2000x1xf32> to vector<2000x1xf32>
    %get3A_4 = arith.constant 1 : index
    %get3A_5 = arith.constant 0 : index
    %get3A_6 = arith.constant 0 : index
    %get3A_7 = vector.load %arg2[%get3A_4, %get3A_5, %get3A_6] : memref<2x2000x1xf32, #tpu.memory_space<vmem>>, vector<1x2000x1xf32>
    %get3A_8 = vector.shape_cast %get3A_7 : vector<1x2000x1xf32> to vector<2000x1xf32>
    %add3A = arith.addf %get3A_3, %get3A_8 : vector<2000x1xf32>
    %max3A = arith.constant 1.000000e+00 : f32
    %max3A_9 = vector.broadcast %max3A : f32 to vector<2000x1xf32>
    %max3A_10 = arith.maximumf %add3A, %max3A_9 : vector<2000x1xf32>
    %div3A = arith.constant 1.000000e+00 : f32
    %div3A_11 = vector.broadcast %div3A : f32 to vector<2000x1xf32>
    %div3A_12 = arith.divf %div3A_11, %max3A_10 : vector<2000x1xf32>
    %get3A_13 = arith.constant 0 : index
    %get3A_14 = arith.constant 0 : index
    %get3A_15 = arith.constant 0 : index
    %get3A_16 = vector.load %arg1[%get3A_13, %get3A_14, %get3A_15] : memref<2x2000x128xf32, #tpu.memory_space<vmem>>, vector<1x2000x128xf32>
    %get3A_17 = vector.shape_cast %get3A_16 : vector<1x2000x128xf32> to vector<2000x128xf32>
    %get3A_18 = arith.constant 1 : index
    %get3A_19 = arith.constant 0 : index
    %get3A_20 = arith.constant 0 : index
    %get3A_21 = vector.load %arg1[%get3A_18, %get3A_19, %get3A_20] : memref<2x2000x128xf32, #tpu.memory_space<vmem>>, vector<1x2000x128xf32>
    %get3A_22 = vector.shape_cast %get3A_21 : vector<1x2000x128xf32> to vector<2000x128xf32>
    %add3A_23 = arith.addf %get3A_17, %get3A_22 : vector<2000x128xf32>
    %mul3A = vector.broadcast %div3A_12 : vector<2000x1xf32> to vector<2000x128xf32>
    %mul3A_24 = arith.mulf %add3A_23, %mul3A : vector<2000x128xf32>
    %get3A_25 = arith.constant 0 : index
    %get3A_26 = arith.constant 0 : index
    %get3A_27 = vector.load %arg4[%get3A_25, %get3A_26] : memref<128x128xf32, #tpu.memory_space<vmem>>, vector<128x128xf32>
    %dot_general3A = arith.constant dense<0.000000e+00> : vector<2000x128xf32>
    %dot_general3A_28 = tpu.matmul %mul3A_24, %get3A_27, %dot_general3A {dimension_numbers = #tpu.dot_dimension_numbers<[1], [0], [0], [1], [0, 0, 1, 1], [], []>, transpose_lhs_hint = false} : vector<2000x128xf32>, vector<128x128xf32>, vector<2000x128xf32> -> vector<2000x128xf32>
    %get3A_29 = arith.constant 0 : index
    %get3A_30 = arith.constant 0 : index
    %get3A_31 = vector.load %arg3[%get3A_29, %get3A_30] : memref<2000x128xf32, #tpu.memory_space<vmem>>, vector<2000x128xf32>
    %add3A_32 = arith.addf %dot_general3A_28, %get3A_31 : vector<2000x128xf32>
    %swap3A = arith.constant 0 : index
    %swap3A_33 = arith.constant 0 : index
    %swap3A_34 = vector.load %arg5[%swap3A, %swap3A_33] : memref<2000x128xf32, #tpu.memory_space<vmem>>, vector<2000x128xf32>
    tpu.vector_store %arg5[%swap3A, %swap3A_33], %add3A_32 {strides = array<i32>} : memref<2000x128xf32, #tpu.memory_space<vmem>>, vector<2000x128xf32>,
    return
  }
  func.func @transform_0(%arg0: i32) -> (i32, i32, i32) {
    %c0_i32 = arith.constant 0 : i32
    %c0_i32_0 = arith.constant 0 : i32
    %c0_i32_1 = arith.constant 0 : i32
    return %c0_i32, %arg0, %c0_i32_0 : i32, i32, i32
  }
  func.func @transform_1(%arg0: i32) -> (i32, i32, i32) {
    %c0_i32 = arith.constant 0 : i32
    %c0_i32_0 = arith.constant 0 : i32
    %c0_i32_1 = arith.constant 0 : i32
    return %c0_i32, %arg0, %c0_i32_0 : i32, i32, i32
  }
  func.func @transform_2(%arg0: i32) -> (i32, i32) {
    %c0_i32 = arith.constant 0 : i32
    %c0_i32_0 = arith.constant 0 : i32
    return %arg0, %c0_i32 : i32, i32
  }
  func.func @transform_3(%arg0: i32) -> (i32, i32) {
    %c0_i32 = arith.constant 0 : i32
    %c0_i32_0 = arith.constant 0 : i32
    %c0_i32_1 = arith.constant 0 : i32
    return %c0_i32, %c0_i32_0 : i32, i32
  }
  func.func @transform_4(%arg0: i32) -> (i32, i32) {
    %c0_i32 = arith.constant 0 : i32
    %c0_i32_0 = arith.constant 0 : i32
    return %arg0, %c0_i32 : i32, i32
  }
}

</mosaic_0001>

<sc_bundles>
// kernel: kernel.11.cloned.1.call-start
scs
__scs_entry_jumppad:
0x0: {  	(pc) =	sbr.rel $0x88, $3  }
0x1: {  	(tag) =	ssettag $0x0;
	lr =	simm.s32 $0x1  }
0x2: {  	[smem:$0x3F99] =	sst lr;
	_ =	strace $0xD0000000  }
0x3: {  	_ = 	snop  }
0x4: {  	_ = 	snop  }
0x5: {  	_ = 	snop  }
0x6: {  	_ = 	snop  }
0x7: {  	_ = 	snop  }
__scs_overlays_trampoline_lowered:
0x8: {  	[smem:$0x3FA8] =	sst s0  }
0x9: {  	[smem:$0x3FA9] =	sst s1  }
0xa: {  	[smem:$0x3FAA] =	sst s2  }
0xb: {  	[smem:$0x3FAB] =	sst s3  }
0xc: {  	[smem:$0x3FAC] =	sst s4  }
0xd: {  	[smem:$0x3FAD] =	sst s5  }
0xe: {  	[smem:$0x3FAE] =	sst s6  }
0xf: {  	[smem:$0x3FAF] =	sst s7  }
0x10: {  	[smem:$0x3FB0] =	sst s8  }
0x11: {  	[smem:$0x3FB1] =	sst s9;
	s0 =	simm.s32 @!p0 $0x0  }
0x12: {  	s1 =	sld [smem:$0x3F97];
	s0 =	simm.s32 @p0 $0x1  }
0x13: {  	[smem:$0x3FB2] =	sst s0;
	s0 =	simm.s32 @!p1 $0x0  }
0x14: {  	s2 =	sld [smem:$0x3F96];
	s0 =	simm.s32 @p1 $0x1  }
0x15: {  	[smem:$0x3FB3] =	sst s0;
	s0 =	simm.s32 @!p2 $0x0  }
0x16: {  	s3 =	sld [smem:$0x3FDB];
	s0 =	simm.s32 @p2 $0x1  }
0x17: {  	s4 =	simm.s32 $0x1BF5;
	[smem:$0x3FB5] =	sst s0  }
0x18: {  	s0 =	sld [smem:$0x3F98];
	_ =	swait.ge [sflag:s4], $0x0  }
0x19: {  	s7 =	sld [smem:$0x3F99]  }
0x1a: {  	s8 =	sadd.s32 $0xFFFFE003, lr  }
0x1b: {  	s9 =	sadd.s32 $0xFFFFFEF7, lr;
	s5 =	simm.s32 $0xFFFFFFFF;
	p2 =	slt.u32 s8, $0xFFFFF086  }
0x1c: {  	p1 =	slt.u32 s9, $0xF7A;
	s5 =	simm.s32 @!p2 $0x0  }
0x1d: {  	s5 =	simm.s32 @p1 $0x1;
	p0 =	seq.s32 s7, s2  }
0x1e: {  	s7 =	smul.u32 @!p0 $0xF7A, s2;
	p2 =	seq.s32 @!p0 s5, $0x0  }
0x1f: {  	s9 =	smul.u32 $0xF7A, s1;
	s8 =	simm.s32 @!p0 $0x1BF5;
	p2 =	por !p2, p0  }
0x20: {  	[sflag:s8] =	ssyncset.s32 @!p0 $0xFFFFF086;
	s6 =	sadd.s32 @!p0 s3, s7;
	s7 =	simm.s32 @!p0 $0x108  }
0x21: {  	s3 =	sadd.s32 s3, s9;
	s6 =	sadd.s32 @!p0 $0x88, s6;
	s7 =	simm.s32 @p2 $0x1082  }
0x22: {  	[simem:s7], [sflag:s8] =	dma.local @!p0 [hbm:s6], $0xF7A  }
0x23: {  	s9 =	sor.u32 $0xD0000000, s2;
	s6 =	simm.s32 $0x108;
	_ =	swait.ge @!p0 [sflag:s8], $0x0  }
0x24: {  	s3 =	sadd.s32 $0x88, s3;
	s6 =	simm.s32 @!p1 $0x1082;
	[sflag:s4] =	ssyncset.s32 $0xFFFFF086  }
0x25: {  	[simem:s6], [sflag:s4] =	dma.local [hbm:s3], $0xF7A  }
0x26: {  	[smem:$0x3F99] =	sst s1;
	(tag) =	ssettag s2;
	_ =	strace s9  }
0x27: {  	s1 =	sld [smem:$0x3FA9]  }
0x28: {  	s2 =	sld [smem:$0x3FAA]  }
0x29: {  	s4 =	sld [smem:$0x3FAC]  }
0x2a: {  	p0 =	seq.s32 s5, $0x0;
	s5 =	sld [smem:$0x3FAD]  }
0x2b: {  	s6 =	sld [smem:$0x3FAE]  }
0x2c: {  	s7 =	sld [smem:$0x3FAF]  }
0x2d: {  	s3 =	simm.s32 $0x108;
	s8 =	sld [smem:$0x3FB0]  }
0x2e: {  	s3 =	simm.s32 @!p0 $0x1082;
	s9 =	sld [smem:$0x3FB1]  }
0x2f: {  	lr =	sadd.s32 s0, s3;
	s0 =	sld [smem:$0x3FA8]  }
0x30: {  	s3 =	sld [smem:$0x3FAB]  }
0x31: {  	[smem:$0x3FB4] =	sst s10  }
0x32: {  	s10 =	sld [smem:$0x3FB2];
	_ =	sdelay $0x3  }
0x33: {  	p0 =	seq.s32 s10, $0x1;
	s10 =	sld [smem:$0x3FB4];
	_ =	sdelay $0x3  }
0x34: {  	[smem:$0x3FB4] =	sst s10  }
0x35: {  	s10 =	sld [smem:$0x3FB3];
	_ =	sdelay $0x3  }
0x36: {  	p1 =	seq.s32 s10, $0x1;
	s10 =	sld [smem:$0x3FB4];
	_ =	sdelay $0x3  }
0x37: {  	[smem:$0x3FB4] =	sst s10  }
0x38: {  	s10 =	sld [smem:$0x3FB5]  }
0x39: {  	_ = 	snop;
	(pc) =	sbr.ind lr, $3  }
0x3a: {  	_ = 	snop  }
0x3b: {  	_ = 	snop  }
0x3c: {  	p2 =	seq.s32 s10, $0x1;
	s10 =	sld [smem:$0x3FB4]  }
0x3d: {  	_ =	shalt  }
0x3e: {  	_ =	shalt  }
0x3f: {  	_ =	shalt  }
0x40: {  	_ =	shalt  }
0x41: {  	_ =	shalt  }
0x42: {  	_ =	shalt  }
0x43: {  	_ =	shalt  }
0x44: {  	_ =	shalt  }
0x45: {  	_ =	shalt  }
0x46: {  	_ =	shalt  }
0x47: {  	_ =	shalt  }
0x48: {  	_ =	shalt  }
0x49: {  	_ =	shalt  }
0x4a: {  	_ =	shalt  }
0x4b: {  	_ =	shalt  }
0x4c: {  	_ =	shalt  }
0x4d: {  	_ =	shalt  }
0x4e: {  	_ =	shalt  }
0x4f: {  	_ =	shalt  }
0x50: {  	_ =	shalt  }
0x51: {  	_ =	shalt  }
0x52: {  	_ =	shalt  }
0x53: {  	_ =	shalt  }
0x54: {  	_ =	shalt  }
0x55: {  	_ =	shalt  }
0x56: {  	_ =	shalt  }
0x57: {  	_ =	shalt  }
0x58: {  	_ =	shalt  }
0x59: {  	_ =	shalt  }
0x5a: {  	_ =	shalt  }
0x5b: {  	_ =	shalt  }
0x5c: {  	_ =	shalt  }
0x5d: {  	_ =	shalt  }
0x5e: {  	_ =	shalt  }
0x5f: {  	_ =	shalt  }
0x60: {  	_ =	shalt  }
0x61: {  	_ =	shalt  }
0x62: {  	_ =	shalt  }
0x63: {  	_ =	shalt  }
0x64: {  	_ =	shalt  }
0x65: {  	_ =	shalt  }
0x66: {  	_ =	shalt  }
0x67: {  	_ =	shalt  }
0x68: {  	_ =	shalt  }
0x69: {  	_ =	shalt  }
0x6a: {  	_ =	shalt  }
0x6b: {  	_ =	shalt  }
0x6c: {  	_ =	shalt  }
0x6d: {  	_ =	shalt  }
0x6e: {  	_ =	shalt  }
0x6f: {  	_ =	shalt  }
0x70: {  	_ =	shalt  }
0x71: {  	_ =	shalt  }
0x72: {  	_ =	shalt  }
0x73: {  	_ =	shalt  }
0x74: {  	_ =	shalt  }
0x75: {  	_ =	shalt  }
0x76: {  	_ =	shalt  }
0x77: {  	_ =	shalt  }
0x78: {  	_ =	shalt  }
0x79: {  	_ =	shalt  }
0x7a: {  	_ =	shalt  }
0x7b: {  	_ =	shalt  }
0x7c: {  	_ =	shalt  }
0x7d: {  	_ =	shalt  }
0x7e: {  	_ =	shalt  }
0x7f: {  	_ =	shalt  }
0x80: {  	_ =	shalt  }
0x81: {  	_ =	shalt  }
0x82: {  	_ =	shalt  }
0x83: {  	_ =	shalt  }
0x84: {  	_ =	shalt  }
0x85: {  	_ =	shalt  }
0x86: {  	_ =	shalt  }
0x87: {  	_ =	shalt  }
.Lfunc_end0:
.L_simem_size_0:
called_computation.1_lowered:
.L_overlay_start_0:
0x88: {  	s2 =	sld [smem:$0x3FD9]  }
0x89: {  	s3 =	sld [smem:$0x3FFE];
	_ =	sdelay $0x1  }
0x8a: {  	s1 =	srdreg.scid  }
0x8b: {  	s0 =	sand.u32 $0x1, s1  }
0x8c: {  	s17 =	sshll.u32 s0, $0xA;
	s2 =	sadd.s32 s3, s2  }
0x8d: {  	s2 =	sadd.s32 s2, s17  }
0x8e: {  	[smem:$0x3FC0] =	sst s2  }
0x8f: {  	_ = 	snop  }
0x90: {  	s2 =	sld [smem:$0x3FD0];
	(tm) =	ssettm $0x1  }
0x91: {  	s18 =	sld [smem:$0x3FFB];
	_ =	sdelay $0x3  }
0x92: {  	_ =	strace s18  }
0x93: {  	s3 =	sld [smem:$0x3FFC];
	_ =	sdelay $0x3  }
0x94: {  	_ =	strace s3  }
0x95: {  	s3 =	sld [smem:$0x3FFD];
	_ =	sdelay $0x3  }
0x96: {  	_ =	strace s3  }
0x97: {  	_ =	strace $0x8FFFFFFF  }
0x98: {  	s19 =	sld [smem:$0x3FDB];
	_ =	sdelay $0x1  }
0x99: {  	s4 =	simm.s32 $_scs_section_size  }
0x9a: {  	s5 =	simm.s32 $_size__tile_overlayer_lowered;
	s6 =	simm.s32 $_tile_overlayer_lowered  }
0x9b: {  	s22 =	simm.s32 $0x1BFF;
	s21 =	sshll.u32 s6, $0x1;
	s3 =	sadd.s32 s4, s19  }
0x9c: {  	s7 =	simm.s32 $0x0;
	s20 =	sshll.u32 s5, $0x1;
	s5 =	sadd.s32 s21, s3  }
0x9d: {  	[timem:s7], [sflag:s22] =	dma.local [hbm:s5], s20  }
0x9e: {  	_ =	swait.ge [sflag:s22], s20  }
0x9f: {  	s4 =	ssub.s32 $0x0, s20;
	[sflag:s22] =	ssyncset.done $0x0  }
0xa0: {  	[sflag:s22] =	ssyncadd.s32 s4;
	_ =	sdelay $0x1  }
0xa1: {  	s23 =	simm.s32 $0x1B8B  }
0xa2: {  	_ =	swait.ge [sflag:s23], $0x1  }
0xa3: {  	[sflag:s23] =	ssyncset.done $0x0  }
0xa4: {  	s25 =	simm.s32 $0x1B8E;
	s24 =	sld [smem:$0x3FFE];
	[sflag:s23] =	ssyncadd.s32 $0xFFFFFFFF  }
0xa5: {  	s26 =	simm.s32 $execute0_lowered;
	[smem:$0x3FD2] =	sst s25  }
0xa6: {  	s5 =	sshll.u32 s26, $0x1;
	_ =	strace $0x80000049;
	[dreg:$0x1] =	wrdreg $0xFFFFFFFF  }
0xa7: {  	s28 =	simm.s32 $_size_execute0_lowered;
	s3 =	sadd.s32 s3, s5;
	[dreg:$0x0] =	wrdreg $0x0  }
0xa8: {  	s5 =	sshll.u32 s28, $0x1;
	[dreg:$0x2] =	wrdreg s3  }
0xa9: {  	[dreg:$0x3] =	wrdreg s5  }
0xaa: {  	[dreg:$0x4] =	wrdreg $0xC0  }
0xab: {  	_ =	task [dreg:s7], $0x5FFFF  }
0xac: {  	[dreg:$0x1] =	wrdreg $0xFFFFFFFF  }
0xad: {  	[dreg:$0x0] =	wrdreg $0x60  }
0xae: {  	[dreg:$0x2] =	wrdreg s24  }
0xaf: {  	[dreg:$0x3] =	wrdreg s2  }
0xb0: {  	[dreg:$0x4] =	wrdreg $0xB8000  }
0xb1: {  	[dreg:$0x5] =	wrdreg $0x9  }
0xb2: {  	_ =	task.clear_ibuf [dreg:s7], $0x6FFFF;
	_ =	strace $0x90000049  }
0xb3: {  	s29 =	simm.s32 $0x9;
	_ =	strace $0x8000004B  }
0xb4: {  	_ =	swait.ge [sflag:s29], $0x1  }
0xb5: {  	[sflag:s29] =	ssyncadd.s32 $0xFFFFFFFF  }
0xb6: {  	_ =	strace $0x9000004B  }
0xb7: {  	_ =	sfence  }
0xb8: {  	s30 =	sld [smem:$0x0];
	_ =	sdelay $0x2  }
0xb9: {  	s31 =	sshll.u32 s1, $0xD;
	s1 =	sshrl.u32 s1, $0x2  }
0xba: {  	s3 =	sand.u32 $0x4000, s31;
	s1 =	sadd.s32 s1, s30  }
0xbb: {  	s0 =	sor.u32 s3, s0;
	s1 =	sshll.u32 s1, $0x11  }
0xbc: {  	s0 =	sor.u32 s1, s0  }
0xbd: {  	s0 =	sadd.s32 $0x8F2B, s0  }
0xbe: {  	[sflag:s0] =	ssyncadd.remote.s32 $0x1  }
0xbf: {  	_ =	sfence.sel $0xFFFF  }
0xc0: {  	[dreg:$0x0] =	wrdreg $0xFFFFFFFF;
	(pc) =	sbr.abs _section_cstart, $3  }
0xc1: {  	[dreg:$0x1] =	wrdreg $0xFFFFFFFF  }
0xc2: {  	_ =	task.clear_ibuf [dreg:s7], $0x2FFFF;
	_ =	strace $0x9FFFFFFF  }
0xc3: {  	(tm) =	ssettm $0x7FFFFFFF  }
tec
execute0_lowered:
.L_overlay_start_1:
0x0: {  	(tag) =	ssettag $0x1  }
0x1: {  	s0 =	rddreg [dreg:$0x0]  }
0x2: {  	s2 =	rddreg [dreg:$0x1]  }
0x3: {  	s1 =	srdreg.scid;
	s3 =	rddreg [dreg:$0x2]  }
0x4: {  	s11 =	stileid.u32;
	s4 =	simm.s32 $0x0;
	s17 =	simm.s32 $0x8  }
0x5: {  	s19 =	simm.s32 $0x70;
	s21 =	simm.s32 $0x4800;
	s22 =	simm.s32 $0x1  }
0x6: {  	s23 =	simm.s32 $0x8000;
	s28 =	simm.s32 $0x5;
	s6 =	smul.u32 $0x14000, s11  }
0x7: {  	s29 =	simm.s32 $0x6;
	s30 =	simm.s32 $0x0;
	s24 =	smul.u32 $0x50000, s11  }
0x8: {  	s1 =	sand.u32 $0x1, s1;
	[smem:$0x7FF] =	sst s4;
	s16 =	smul.u32 $0xF00, s11  }
0x9: {  	s15 =	sadd.s32 $0x2A00, s0;
	s7 =	sshll.u32 s11, $0x1;
	s5 =	smul.u32 $0x140000, s1  }
0xa: {  	s25 =	ssub.s32 $0x2, s1;
	s7 =	sor.u32 s1, s7;
	s1 =	smul.u32 $0x780, s1  }
0xb: {  	_ =	strace $0x8000004A;
	s8 =	sshrl.u32 s25, $0x1;
	s10 =	smul.u32 $0x780, s7  }
0xc: {  	s31 =	sadd.s32 s16, s15;
	s16 =	simm.s32 $0x1000;
	s5 =	sadd.s32 s6, s5  }
0xd: {  	s6 =	sshrl.u32 s24, $0x2;
	s14 =	ssub.s32 s25, s8;
	s24 =	simm.s32 $0x2  }
0xe: {  	s25 =	simm.s32 $0x4;
	s5 =	sshrl.u32 s5, $0x3;
	s10 =	sadd.s32 s15, s10  }
.Ltmp0:
0xf: {  	s14 =	smax.u32 s14, $0x1;
	s15 =	sadd.s32 s1, s31;
	(pc) =	sbr.rel .LBB2_1-.Ltmp0, $4  }
0x10: {  	s0 =	sadd.s32 s5, s0;
	s5 =	sadd.s32 s6, s3;
	s12 =	sadd.s32 $0xF000, s10  }
0x11: {  	s6 =	sadd.s32 $0x3800, s5;
	s26 =	sadd.s32 $0x7000, s5;
	s8 =	sadd.s32 $0xA800, s5  }
0x12: {  	s9 =	sadd.s32 $0xE000, s5;
	s11 =	sadd.s32 $0x11800, s5;
	[dreg:$0x4] =	wrdreg s6  }
0x13: {  	v0 =	vimm.f32 $0.0e+00;
	s13 =	sadd.s32 $0x20A00, s0;
	[dreg:$0x5] =	wrdreg s26;
	s26 =	simm.s32 $0x3  }
.LBB2_5:
0x14: {  	_ =	swait.ge [sflag:s26], $0x3800  }
0x15: {  	[sflag:s26] =	ssyncset.done $0x0  }
0x16: {  	s0 =	sor.u32 $0x800, s20;
	[sflag:s26] =	ssyncadd.s32 $0xFFFFC800  }
0x17: {  	[spmem:s3] =	stream.indirect.scatter.add.f32 [tilespmem:s23], [sflag:$0x6], $0x80, s0, s19, $0xb8;
	[tilespmem:$0x1F800] =	vst v63  }
0x18: {  	_ =	swait.ge [sflag:s28], $0x3800  }
0x19: {  	[sflag:s28] =	ssyncset.done $0x0  }
0x1a: {  	[sflag:s28] =	ssyncadd.s32 $0xFFFFC800  }
.LBB2_7:
0x1b: {  	_ =	swait.ge [sflag:s29], $0x3800;
	s0 =	stileid.u32  }
0x1c: {  	s1 =	sshrl.u32 s5, $0x3;
	s30 =	sadd.s32 $0x1, s30;
	[sflag:s29] =	ssyncset.done $0x0  }
0x1d: {  	s0 =	sshll.u32 s0, $0x6;
	p0 =	sne.s32 s30, s14;
	[sflag:s29] =	ssyncadd.s32 $0xFFFFC800  }
.Ltmp1:
0x1e: {  	s0 =	sor.u32 $0x1C08, s0;
	[bflag:$0x0] =	sbarrier.arrive $0xFFFF;
	(pc) =	sbr.rel @!p0 .LBB2_8-.Ltmp1, $4  }
0x1f: {  	[hbm:s13], [sflag:s0] =	dma.local [spmem:s1], $0x2800  }
0x20: {  	_ =	swait.ge [sflag:s17], $0x2800  }
0x21: {  	[sflag:s17] =	ssyncset.done $0x0  }
0x22: {  	[sflag:s17] =	ssyncadd.s32 $0xFFFFD800  }
.LBB2_1:
0x23: {  	s0 =	simm.s32 $0x0;
	s1 =	simm.s32 $0x200  }
.LBB2_2:
0x24: {  	p0 =	sne.s32 s1, $0xDE00;
	[tilespmem:s0+$0x1070] =	vst v0  }
0x25: {  	[tilespmem:s0+$0x1000] =	vst v0  }
0x26: {  	[tilespmem:s0+$0x1010] =	vst v0  }
.Ltmp2:
0x27: {  	[tilespmem:s0+$0x1020] =	vst v0;
	(pc) =	sbr.rel @p0 .LBB2_2-.Ltmp2, $4  }
0x28: {  	[tilespmem:s0+$0x1030] =	vst v0  }
0x29: {  	[tilespmem:s0+$0x1040] =	vst v0  }
0x2a: {  	[tilespmem:s0+$0x1050] =	vst v0  }
0x2b: {  	[tilespmem:s0+$0x1060] =	vst v0;
	s0 =	sshra.s32 s1, $0x2;
	s1 =	sadd.s32 $0x200, s1  }
0x2c: {  	[tilespmem:s0+$0x1070] =	vst v0  }
0x2d: {  	[tilespmem:s0+$0x1000] =	vst v0  }
0x2e: {  	[tilespmem:s0+$0x1010] =	vst v0  }
0x2f: {  	[tilespmem:s0+$0x1020] =	vst v0  }
0x30: {  	[tilespmem:s0+$0x1030] =	vst v0  }
0x31: {  	[tilespmem:s0+$0x1040] =	vst v0  }
0x32: {  	[tilespmem:s0+$0x1050] =	vst v0  }
0x33: {  	[tilespmem:s0+$0x1060] =	vst v0  }
0x34: {  	[spmem:s5] =	stream.linear.scatter [tilespmem:s16], [sflag:$0x8], $0x3800, $0x38;
	[tilespmem:$0x1F800] =	vst v63  }
0x35: {  	_ =	swait.ge [sflag:s17], $0x3800  }
0x36: {  	[sflag:s17] =	ssyncset.done $0x0  }
0x37: {  	s6 =	rddreg [dreg:$0x4];
	[sflag:s17] =	ssyncadd.s32 $0xFFFFC800  }
0x38: {  	[spmem:s6] =	stream.linear.scatter [tilespmem:s16], [sflag:$0x8], $0x3800, $0x38;
	[tilespmem:$0x1F800] =	vst v63  }
0x39: {  	_ =	swait.ge [sflag:s17], $0x3800  }
0x3a: {  	[sflag:s17] =	ssyncset.done $0x0  }
0x3b: {  	s7 =	rddreg [dreg:$0x5];
	[sflag:s17] =	ssyncadd.s32 $0xFFFFC800  }
0x3c: {  	[spmem:s7] =	stream.linear.scatter [tilespmem:s16], [sflag:$0x8], $0x3800, $0x38;
	[tilespmem:$0x1F800] =	vst v63  }
0x3d: {  	_ =	swait.ge [sflag:s17], $0x3800  }
0x3e: {  	[sflag:s17] =	ssyncset.done $0x0  }
0x3f: {  	[sflag:s17] =	ssyncadd.s32 $0xFFFFC800  }
0x40: {  	[spmem:s8] =	stream.linear.scatter [tilespmem:s16], [sflag:$0x8], $0x3800, $0x38;
	[tilespmem:$0x1F800] =	vst v63  }
0x41: {  	_ =	swait.ge [sflag:s17], $0x3800  }
0x42: {  	[sflag:s17] =	ssyncset.done $0x0  }
0x43: {  	[sflag:s17] =	ssyncadd.s32 $0xFFFFC800  }
0x44: {  	[spmem:s9] =	stream.linear.scatter [tilespmem:s16], [sflag:$0x8], $0x3800, $0x38;
	[tilespmem:$0x1F800] =	vst v63  }
0x45: {  	_ =	swait.ge [sflag:s17], $0x3800  }
0x46: {  	[sflag:s17] =	ssyncset.done $0x0  }
0x47: {  	[sflag:s17] =	ssyncadd.s32 $0xFFFFC800  }
0x48: {  	[spmem:s11] =	stream.linear.scatter [tilespmem:s16], [sflag:$0x8], $0x2800, $0x38;
	[tilespmem:$0x1F800] =	vst v63  }
0x49: {  	_ =	swait.ge [sflag:s17], $0x2800  }
0x4a: {  	[sflag:s17] =	ssyncset.done $0x0  }
0x4b: {  	s31 =	simm.s32 $0x0;
	[sflag:s17] =	ssyncadd.s32 $0xFFFFD800  }
0x4c: {  	[tilespmem:s31], [sflag:$0x8] =	stream.linear.gather [hbm4b:s10+s31], $0x300, $0x38;
	[tilespmem:$0x1F800] =	vst v63  }
0x4d: {  	_ =	swait.ge [sflag:s17], $0x300  }
0x4e: {  	[sflag:s17] =	ssyncset.done $0x0  }
0x4f: {  	s18 =	simm.s32 $0x800;
	[sflag:s17] =	ssyncadd.s32 $0xFFFFFD00  }
0x50: {  	[tilespmem:s18], [sflag:$0x8] =	stream.linear.gather [hbm4b:s12+s31], $0x300, $0x38;
	[tilespmem:$0x1F800] =	vst v63  }
0x51: {  	_ =	swait.ge [sflag:s17], $0x300  }
0x52: {  	[sflag:s17] =	ssyncset.done $0x0  }
0x53: {  	[sflag:s17] =	ssyncadd.s32 $0xFFFFFD00  }
0x54: {  	[bflag:$0x0] =	sbarrier.arrive $0xFFFF  }
0x55: {  	[tilespmem:s16], [sflag:$0x1] =	stream.indirect.gather [hbm4b:s2+s19], $0x80, s31, s19, $0xb8;
	[tilespmem:$0x1F800] =	vst v63  }
0x56: {  	s20 =	simm.s32 $0x80;
	s0 =	simm.s32 $0x1;
	s1 =	simm.s32 $0x0  }
0x57: {  	[tilespmem:s21], [sflag:$0x2] =	stream.indirect.gather [hbm4b:s2+s19], $0x80, s20, s19, $0xb8;
	[tilespmem:$0x1F800] =	vst v63  }
.LBB2_4:
0x58: {  	p0 =	seq.s32 s1, $0x0  }
0x59: {  	s20 =	simm.s32 @!p0 $0x6  }
0x5a: {  	p1 =	seq.s32 @!p0 s1, $0x700;
	_ =	swait.ge @!p0 [sflag:s20], $0x3800  }
0x5b: {  	p1 =	por p0, !p1;
	[sflag:s20] =	ssyncset.done @!p0 $0x0  }
0x5c: {  	s18 =	sand.u32 $0x1, s0;
	[sflag:s20] =	ssyncadd.s32 @!p0 $0xFFFFC800;
	s20 =	sadd.s32 @p1 s1, s15  }
0x5d: {  	s6 =	sshll.u32 @p1 s18, $0xA;
	s7 =	sadd.s32 @p1 $0x80, s20  }
0x5e: {  	[tilespmem:s6], [sflag:$0x7] =	stream.linear.gather @p1 [hbm4b:s7+s4], $0x300, $0x38;
	[tilespmem:$0x1F800] =	vst v63  }
0x5f: {  	s6 =	sor.u32 @p1 $0x800, s6;
	s7 =	sadd.s32 @p1 $0xF080, s20  }
0x60: {  	[tilespmem:s6], [sflag:$0x7] =	stream.linear.gather @p1 [hbm4b:s7+s4], $0x300, $0x38;
	[tilespmem:$0x1F800] =	vst v63  }
0x61: {  	_ =	swait.ge [sflag:s22], $0x3800  }
0x62: {  	s6 =	sand.u32 $0x400, s31;
	[sflag:s22] =	ssyncset.done $0x0  }
0x63: {  	s20 =	sor.u32 $0x800, s6;
	[sflag:s22] =	ssyncadd.s32 $0xFFFFC800  }
0x64: {  	[spmem:s3] =	stream.indirect.scatter.add.f32 [tilespmem:s16], [sflag:$0x4], $0x80, s20, s19, $0xb8;
	[tilespmem:$0x1F800] =	vst v63  }
0x65: {  	s20 =	sor.u32 $0x100, s6  }
0x66: {  	[tilespmem:s23], [sflag:$0x3] =	stream.indirect.gather [hbm4b:s2+s19], $0x80, s20, s19, $0xb8;
	[tilespmem:$0x1F800] =	vst v63  }
0x67: {  	_ =	swait.ge [sflag:s24], $0x3800  }
0x68: {  	[sflag:s24] =	ssyncset.done $0x0  }
0x69: {  	s20 =	sor.u32 $0x880, s6;
	[sflag:s24] =	ssyncadd.s32 $0xFFFFC800  }
0x6a: {  	[spmem:s3] =	stream.indirect.scatter.add.f32 [tilespmem:s21], [sflag:$0x5], $0x80, s20, s19, $0xb8;
	[tilespmem:$0x1F800] =	vst v63  }
0x6b: {  	_ =	swait.ge [sflag:s25], $0x3800  }
0x6c: {  	[sflag:s25] =	ssyncset.done $0x0  }
0x6d: {  	s20 =	sor.u32 $0x180, s6;
	[sflag:s25] =	ssyncadd.s32 $0xFFFFC800  }
0x6e: {  	[tilespmem:s16], [sflag:$0x1] =	stream.indirect.gather [hbm4b:s2+s19], $0x80, s20, s19, $0xb8;
	[tilespmem:$0x1F800] =	vst v63  }
0x6f: {  	_ =	swait.ge [sflag:s26], $0x3800  }
0x70: {  	[sflag:s26] =	ssyncset.done $0x0  }
0x71: {  	s20 =	sor.u32 $0x900, s6;
	[sflag:s26] =	ssyncadd.s32 $0xFFFFC800  }
0x72: {  	[spmem:s3] =	stream.indirect.scatter.add.f32 [tilespmem:s23], [sflag:$0x6], $0x80, s20, s19, $0xb8;
	[tilespmem:$0x1F800] =	vst v63  }
0x73: {  	_ =	swait.ge [sflag:s28], $0x3800  }
0x74: {  	[sflag:s28] =	ssyncset.done $0x0  }
0x75: {  	s7 =	sor.u32 $0x200, s6;
	[sflag:s28] =	ssyncadd.s32 $0xFFFFC800  }
0x76: {  	[tilespmem:s21], [sflag:$0x2] =	stream.indirect.gather [hbm4b:s2+s19], $0x80, s7, s19, $0xb8;
	[tilespmem:$0x1F800] =	vst v63  }
0x77: {  	_ =	swait.ge [sflag:s22], $0x3800  }
0x78: {  	[sflag:s22] =	ssyncset.done $0x0  }
0x79: {  	p0 =	seq.s32 s1, $0x700;
	s20 =	sor.u32 $0x980, s6;
	[sflag:s22] =	ssyncadd.s32 $0xFFFFC800  }
0x7a: {  	[spmem:s3] =	stream.indirect.scatter.add.f32 [tilespmem:s16], [sflag:$0x4], $0x80, s20, s19, $0xb8;
	[tilespmem:$0x1F800] =	vst v63  }
0x7b: {  	s20 =	simm.s32 @!p0 $0x7  }
0x7c: {  	_ =	swait.ge @!p0 [sflag:s20], $0x300  }
0x7d: {  	[sflag:s20] =	ssyncset.done @!p0 $0x0  }
0x7e: {  	[sflag:s20] =	ssyncadd.s32 @!p0 $0xFFFFFD00  }
0x7f: {  	_ =	swait.ge @!p0 [sflag:s20], $0x300  }
0x80: {  	[sflag:s20] =	ssyncset.done @!p0 $0x0  }
0x81: {  	[sflag:s20] =	ssyncadd.s32 @!p0 $0xFFFFFD00  }
0x82: {  	_ =	swait.ge [sflag:s29], $0x3800  }
0x83: {  	[sflag:s29] =	ssyncset.done $0x0  }
0x84: {  	s20 =	sor.u32 $0x280, s6;
	[sflag:s29] =	ssyncadd.s32 $0xFFFFC800  }
0x85: {  	[tilespmem:s23], [sflag:$0x3] =	stream.indirect.gather [hbm4b:s2+s19], $0x80, s20, s19, $0xb8;
	[tilespmem:$0x1F800] =	vst v63  }
0x86: {  	_ =	swait.ge [sflag:s24], $0x3800  }
0x87: {  	p0 =	sne.s32 s1, $0x700;
	[sflag:s24] =	ssyncset.done $0x0  }
.Ltmp3:
0x88: {  	s7 =	sor.u32 $0x800, s7;
	[sflag:s24] =	ssyncadd.s32 $0xFFFFC800;
	(pc) =	sbr.rel @!p0 .LBB2_5-.Ltmp3, $4  }
0x89: {  	[spmem:s3] =	stream.indirect.scatter.add.f32 [tilespmem:s21], [sflag:$0x5], $0x80, s7, s19, $0xb8;
	[tilespmem:$0x1F800] =	vst v63  }
0x8a: {  	_ =	swait.ge [sflag:s25], $0x3800  }
0x8b: {  	[sflag:s25] =	ssyncset.done $0x0  }
0x8c: {  	[sflag:s25] =	ssyncadd.s32 $0xFFFFC800  }
0x8d: {  	s6 =	sshll.u32 s18, $0xA  }
0x8e: {  	[tilespmem:s16], [sflag:$0x1] =	stream.indirect.gather [hbm4b:s2+s19], $0x80, s6, s19, $0xb8;
	[tilespmem:$0x1F800] =	vst v63  }
0x8f: {  	_ =	swait.ge [sflag:s26], $0x3800  }
0x90: {  	s1 =	sadd.s32 $0x80, s1;
	[sflag:s26] =	ssyncset.done $0x0  }
0x91: {  	s7 =	sor.u32 $0x800, s20;
	p0 =	sne.s32 s1, $0x780;
	[sflag:s26] =	ssyncadd.s32 $0xFFFFC800  }
0x92: {  	[spmem:s3] =	stream.indirect.scatter.add.f32 [tilespmem:s23], [sflag:$0x6], $0x80, s7, s19, $0xb8;
	[tilespmem:$0x1F800] =	vst v63  }
.Ltmp4:
0x93: {  	_ = 	snop;
	(pc) =	sbr.rel @p0 .LBB2_4-.Ltmp4, $4  }
.Ltmp5:
0x94: {  	_ =	swait.ge [sflag:s28], $0x3800;
	(pc) =	sbr.rel @!p0 .LBB2_7-.Ltmp5, $4  }
0x95: {  	s0 =	sadd.s32 $0x1, s0;
	[sflag:s28] =	ssyncset.done $0x0  }
0x96: {  	s31 =	sadd.s32 $0x400, s31;
	s6 =	sor.u32 $0x80, s6;
	[sflag:s28] =	ssyncadd.s32 $0xFFFFC800  }
0x97: {  	[tilespmem:s21], [sflag:$0x2] =	stream.indirect.gather [hbm4b:s2+s19], $0x80, s6, s19, $0xb8;
	[tilespmem:$0x1F800] =	vst v63  }
0x98: {  	_ = 	snop  }
.LBB2_8:
0x99: {  	_ =	sfence.sel $0x180000  }
0x9a: {  	[bflag:$0x0] =	sbarrier.arrive $0xFFFF  }
0x9b: {  	_ =	strace $0x9000004A  }
0x9c: {  	s0 =	stileid.u32;
	[bflag:$0x2] =	sbarrier.arrive $0xFFFF  }
0x9d: {  	p0 =	sne.s32 s0, $0x0;
	s0 =	rddreg [dreg:$0x3]  }
0x9e: {  	s0 =	sadd.s32 @!p0 $0x100000, s0  }
0x9f: {  	[sflag:s0] =	ssyncadd.tile.s32 @!p0 $0x1;
	_ =	shalt  }
.Lfunc_end2:
_tile_overlayer_lowered:
.L_overlay_start_2:
0xa0: {  	(tag) =	ssettag $0x2  }
0xa1: {  	s0 =	rddreg [dreg:$0x0];
	s2 =	stileid.u32  }
0xa2: {  	s1 =	rddreg [dreg:$0x1];
	p0 =	sne.s32 s2, $0x0  }
0xa3: {  	s3 =	rddreg [dreg:$0x2];
	[bflag:$0x3] =	sbarrier.arrive $0xFFFF;
	s2 =	simm.s32 @!p0 $0x1C08  }
0xa4: {  	[timem:s3], [sflag:s2] =	dma.local @!p0 [hbm:s0], s1  }
0xa5: {  	s0 =	simm.s32 @!p0 $0x8  }
0xa6: {  	_ =	swait.ge @!p0 [sflag:s0], s1  }
0xa7: {  	s1 =	ssub.s32 @!p0 $0x0, s1;
	[sflag:s0] =	ssyncset.done @!p0 $0x0  }
0xa8: {  	[sflag:s0] =	ssyncadd.s32 @!p0 s1  }
0xa9: {  	[bflag:$0x3] =	sbarrier.arrive $0xFFFF  }
0xaa: {  	_ =	shalt  }

// kernel: kernel.8.cloned.1.call-start
scs
__scs_entry_jumppad:
0x0: {  	(pc) =	sbr.rel $0x88, $3  }
0x1: {  	(tag) =	ssettag $0x0;
	lr =	simm.s32 $0x1  }
0x2: {  	[smem:$0x3F99] =	sst lr;
	_ =	strace $0xD0000000  }
0x3: {  	_ = 	snop  }
0x4: {  	_ = 	snop  }
0x5: {  	_ = 	snop  }
0x6: {  	_ = 	snop  }
0x7: {  	_ = 	snop  }
__scs_overlays_trampoline_lowered:
0x8: {  	[smem:$0x3FA8] =	sst s0  }
0x9: {  	[smem:$0x3FA9] =	sst s1  }
0xa: {  	[smem:$0x3FAA] =	sst s2  }
0xb: {  	[smem:$0x3FAB] =	sst s3  }
0xc: {  	[smem:$0x3FAC] =	sst s4  }
0xd: {  	[smem:$0x3FAD] =	sst s5  }
0xe: {  	[smem:$0x3FAE] =	sst s6  }
0xf: {  	[smem:$0x3FAF] =	sst s7  }
0x10: {  	[smem:$0x3FB0] =	sst s8  }
0x11: {  	[smem:$0x3FB1] =	sst s9;
	s0 =	simm.s32 @!p0 $0x0  }
0x12: {  	s1 =	sld [smem:$0x3F97];
	s0 =	simm.s32 @p0 $0x1  }
0x13: {  	[smem:$0x3FB2] =	sst s0;
	s0 =	simm.s32 @!p1 $0x0  }
0x14: {  	s2 =	sld [smem:$0x3F96];
	s0 =	simm.s32 @p1 $0x1  }
0x15: {  	[smem:$0x3FB3] =	sst s0;
	s0 =	simm.s32 @!p2 $0x0  }
0x16: {  	s3 =	sld [smem:$0x3FDB];
	s0 =	simm.s32 @p2 $0x1  }
0x17: {  	s4 =	simm.s32 $0x1BF5;
	[smem:$0x3FB5] =	sst s0  }
0x18: {  	s0 =	sld [smem:$0x3F98];
	_ =	swait.ge [sflag:s4], $0x0  }
0x19: {  	s7 =	sld [smem:$0x3F99]  }
0x1a: {  	s8 =	sadd.s32 $0xFFFFE003, lr  }
0x1b: {  	s9 =	sadd.s32 $0xFFFFFEF7, lr;
	s5 =	simm.s32 $0xFFFFFFFF;
	p2 =	slt.u32 s8, $0xFFFFF086  }
0x1c: {  	p1 =	slt.u32 s9, $0xF7A;
	s5 =	simm.s32 @!p2 $0x0  }
0x1d: {  	s5 =	simm.s32 @p1 $0x1;
	p0 =	seq.s32 s7, s2  }
0x1e: {  	s7 =	smul.u32 @!p0 $0xF7A, s2;
	p2 =	seq.s32 @!p0 s5, $0x0  }
0x1f: {  	s9 =	smul.u32 $0xF7A, s1;
	s8 =	simm.s32 @!p0 $0x1BF5;
	p2 =	por !p2, p0  }
0x20: {  	[sflag:s8] =	ssyncset.s32 @!p0 $0xFFFFF086;
	s6 =	sadd.s32 @!p0 s3, s7;
	s7 =	simm.s32 @!p0 $0x108  }
0x21: {  	s3 =	sadd.s32 s3, s9;
	s6 =	sadd.s32 @!p0 $0x88, s6;
	s7 =	simm.s32 @p2 $0x1082  }
0x22: {  	[simem:s7], [sflag:s8] =	dma.local @!p0 [hbm:s6], $0xF7A  }
0x23: {  	s9 =	sor.u32 $0xD0000000, s2;
	s6 =	simm.s32 $0x108;
	_ =	swait.ge @!p0 [sflag:s8], $0x0  }
0x24: {  	s3 =	sadd.s32 $0x88, s3;
	s6 =	simm.s32 @!p1 $0x1082;
	[sflag:s4] =	ssyncset.s32 $0xFFFFF086  }
0x25: {  	[simem:s6], [sflag:s4] =	dma.local [hbm:s3], $0xF7A  }
0x26: {  	[smem:$0x3F99] =	sst s1;
	(tag) =	ssettag s2;
	_ =	strace s9  }
0x27: {  	s1 =	sld [smem:$0x3FA9]  }
0x28: {  	s2 =	sld [smem:$0x3FAA]  }
0x29: {  	s4 =	sld [smem:$0x3FAC]  }
0x2a: {  	p0 =	seq.s32 s5, $0x0;
	s5 =	sld [smem:$0x3FAD]  }
0x2b: {  	s6 =	sld [smem:$0x3FAE]  }
0x2c: {  	s7 =	sld [smem:$0x3FAF]  }
0x2d: {  	s3 =	simm.s32 $0x108;
	s8 =	sld [smem:$0x3FB0]  }
0x2e: {  	s3 =	simm.s32 @!p0 $0x1082;
	s9 =	sld [smem:$0x3FB1]  }
0x2f: {  	lr =	sadd.s32 s0, s3;
	s0 =	sld [smem:$0x3FA8]  }
0x30: {  	s3 =	sld [smem:$0x3FAB]  }
0x31: {  	[smem:$0x3FB4] =	sst s10  }
0x32: {  	s10 =	sld [smem:$0x3FB2];
	_ =	sdelay $0x3  }
0x33: {  	p0 =	seq.s32 s10, $0x1;
	s10 =	sld [smem:$0x3FB4];
	_ =	sdelay $0x3  }
0x34: {  	[smem:$0x3FB4] =	sst s10  }
0x35: {  	s10 =	sld [smem:$0x3FB3];
	_ =	sdelay $0x3  }
0x36: {  	p1 =	seq.s32 s10, $0x1;
	s10 =	sld [smem:$0x3FB4];
	_ =	sdelay $0x3  }
0x37: {  	[smem:$0x3FB4] =	sst s10  }
0x38: {  	s10 =	sld [smem:$0x3FB5]  }
0x39: {  	_ = 	snop;
	(pc) =	sbr.ind lr, $3  }
0x3a: {  	_ = 	snop  }
0x3b: {  	_ = 	snop  }
0x3c: {  	p2 =	seq.s32 s10, $0x1;
	s10 =	sld [smem:$0x3FB4]  }
0x3d: {  	_ =	shalt  }
0x3e: {  	_ =	shalt  }
0x3f: {  	_ =	shalt  }
0x40: {  	_ =	shalt  }
0x41: {  	_ =	shalt  }
0x42: {  	_ =	shalt  }
0x43: {  	_ =	shalt  }
0x44: {  	_ =	shalt  }
0x45: {  	_ =	shalt  }
0x46: {  	_ =	shalt  }
0x47: {  	_ =	shalt  }
0x48: {  	_ =	shalt  }
0x49: {  	_ =	shalt  }
0x4a: {  	_ =	shalt  }
0x4b: {  	_ =	shalt  }
0x4c: {  	_ =	shalt  }
0x4d: {  	_ =	shalt  }
0x4e: {  	_ =	shalt  }
0x4f: {  	_ =	shalt  }
0x50: {  	_ =	shalt  }
0x51: {  	_ =	shalt  }
0x52: {  	_ =	shalt  }
0x53: {  	_ =	shalt  }
0x54: {  	_ =	shalt  }
0x55: {  	_ =	shalt  }
0x56: {  	_ =	shalt  }
0x57: {  	_ =	shalt  }
0x58: {  	_ =	shalt  }
0x59: {  	_ =	shalt  }
0x5a: {  	_ =	shalt  }
0x5b: {  	_ =	shalt  }
0x5c: {  	_ =	shalt  }
0x5d: {  	_ =	shalt  }
0x5e: {  	_ =	shalt  }
0x5f: {  	_ =	shalt  }
0x60: {  	_ =	shalt  }
0x61: {  	_ =	shalt  }
0x62: {  	_ =	shalt  }
0x63: {  	_ =	shalt  }
0x64: {  	_ =	shalt  }
0x65: {  	_ =	shalt  }
0x66: {  	_ =	shalt  }
0x67: {  	_ =	shalt  }
0x68: {  	_ =	shalt  }
0x69: {  	_ =	shalt  }
0x6a: {  	_ =	shalt  }
0x6b: {  	_ =	shalt  }
0x6c: {  	_ =	shalt  }
0x6d: {  	_ =	shalt  }
0x6e: {  	_ =	shalt  }
0x6f: {  	_ =	shalt  }
0x70: {  	_ =	shalt  }
0x71: {  	_ =	shalt  }
0x72: {  	_ =	shalt  }
0x73: {  	_ =	shalt  }
0x74: {  	_ =	shalt  }
0x75: {  	_ =	shalt  }
0x76: {  	_ =	shalt  }
0x77: {  	_ =	shalt  }
0x78: {  	_ =	shalt  }
0x79: {  	_ =	shalt  }
0x7a: {  	_ =	shalt  }
0x7b: {  	_ =	shalt  }
0x7c: {  	_ =	shalt  }
0x7d: {  	_ =	shalt  }
0x7e: {  	_ =	shalt  }
0x7f: {  	_ =	shalt  }
0x80: {  	_ =	shalt  }
0x81: {  	_ =	shalt  }
0x82: {  	_ =	shalt  }
0x83: {  	_ =	shalt  }
0x84: {  	_ =	shalt  }
0x85: {  	_ =	shalt  }
0x86: {  	_ =	shalt  }
0x87: {  	_ =	shalt  }
.Lfunc_end0:
.L_simem_size_0:
called_computation_lowered:
.L_overlay_start_0:
0x88: {  	s2 =	sld [smem:$0x3FD9]  }
0x89: {  	s3 =	sld [smem:$0x3FFE];
	_ =	sdelay $0x1  }
0x8a: {  	s1 =	srdreg.scid  }
0x8b: {  	s0 =	sand.u32 $0x1, s1  }
0x8c: {  	s17 =	sshll.u32 s0, $0xA;
	s2 =	sadd.s32 s3, s2  }
0x8d: {  	s2 =	sadd.s32 s2, s17  }
0x8e: {  	[smem:$0x3FC0] =	sst s2  }
0x8f: {  	_ = 	snop  }
0x90: {  	s2 =	sld [smem:$0x3FC8]  }
0x91: {  	s18 =	sld [smem:$0x3FD0];
	(tm) =	ssettm $0x1  }
0x92: {  	s4 =	sld [smem:$0x3FFB];
	_ =	sdelay $0x3  }
0x93: {  	_ =	strace s4  }
0x94: {  	s4 =	sld [smem:$0x3FFC];
	_ =	sdelay $0x3  }
0x95: {  	_ =	strace s4  }
0x96: {  	s4 =	sld [smem:$0x3FFD];
	_ =	sdelay $0x3  }
0x97: {  	_ =	strace s4  }
0x98: {  	_ =	strace $0x8FFFFFFF  }
0x99: {  	s19 =	sld [smem:$0x3FDB];
	_ =	sdelay $0x1  }
0x9a: {  	s5 =	simm.s32 $_scs_section_size  }
0x9b: {  	s6 =	simm.s32 $_size__tile_overlayer_lowered;
	s7 =	simm.s32 $_tile_overlayer_lowered  }
0x9c: {  	s22 =	simm.s32 $0x1BFF;
	s21 =	sshll.u32 s7, $0x1;
	s4 =	sadd.s32 s5, s19  }
0x9d: {  	s8 =	simm.s32 $0x0;
	s20 =	sshll.u32 s6, $0x1;
	s6 =	sadd.s32 s21, s4  }
0x9e: {  	[timem:s8], [sflag:s22] =	dma.local [hbm:s6], s20  }
0x9f: {  	_ =	swait.ge [sflag:s22], s20  }
0xa0: {  	s5 =	ssub.s32 $0x0, s20;
	[sflag:s22] =	ssyncset.done $0x0  }
0xa1: {  	[sflag:s22] =	ssyncadd.s32 s5;
	_ =	sdelay $0x1  }
0xa2: {  	s23 =	simm.s32 $0x1B8B  }
0xa3: {  	_ =	swait.ge [sflag:s23], $0x1  }
0xa4: {  	[sflag:s23] =	ssyncset.done $0x0  }
0xa5: {  	s25 =	simm.s32 $0x1B8E;
	s24 =	sld [smem:$0x3FFE];
	[sflag:s23] =	ssyncadd.s32 $0xFFFFFFFF  }
0xa6: {  	s26 =	simm.s32 $execute0_lowered;
	[smem:$0x3FD2] =	sst s25  }
0xa7: {  	s6 =	sshll.u32 s26, $0x1;
	_ =	strace $0x80000046;
	[dreg:$0x1] =	wrdreg $0xFFFFFFFF  }
0xa8: {  	s28 =	simm.s32 $_size_execute0_lowered;
	s4 =	sadd.s32 s4, s6;
	[dreg:$0x0] =	wrdreg $0x0  }
0xa9: {  	s6 =	sshll.u32 s28, $0x1;
	[dreg:$0x2] =	wrdreg s4  }
0xaa: {  	[dreg:$0x3] =	wrdreg s6  }
0xab: {  	[dreg:$0x4] =	wrdreg $0xC0  }
0xac: {  	_ =	task [dreg:s8], $0x5FFFF  }
0xad: {  	[dreg:$0x1] =	wrdreg $0xFFFFFFFF  }
0xae: {  	[dreg:$0x0] =	wrdreg $0x60  }
0xaf: {  	[dreg:$0x2] =	wrdreg s24  }
0xb0: {  	[dreg:$0x3] =	wrdreg s2  }
0xb1: {  	[dreg:$0x4] =	wrdreg s18  }
0xb2: {  	[dreg:$0x5] =	wrdreg $0xB8000  }
0xb3: {  	[dreg:$0x6] =	wrdreg $0x1F9000  }
0xb4: {  	[dreg:$0x7] =	wrdreg $0x9  }
0xb5: {  	_ =	task.clear_ibuf [dreg:s8], $0x8FFFF;
	_ =	strace $0x90000046  }
0xb6: {  	s29 =	simm.s32 $0x9;
	_ =	strace $0x80000048  }
0xb7: {  	_ =	swait.ge [sflag:s29], $0x1  }
0xb8: {  	[sflag:s29] =	ssyncadd.s32 $0xFFFFFFFF  }
0xb9: {  	_ =	strace $0x90000048  }
0xba: {  	_ =	sfence  }
0xbb: {  	s30 =	sld [smem:$0x0];
	_ =	sdelay $0x2  }
0xbc: {  	s31 =	sshll.u32 s1, $0xD;
	s1 =	sshrl.u32 s1, $0x2  }
0xbd: {  	s3 =	sand.u32 $0x4000, s31;
	s1 =	sadd.s32 s1, s30  }
0xbe: {  	s0 =	sor.u32 s3, s0;
	s1 =	sshll.u32 s1, $0x11  }
0xbf: {  	s0 =	sor.u32 s1, s0  }
0xc0: {  	s0 =	sadd.s32 $0x8F2B, s0  }
0xc1: {  	[sflag:s0] =	ssyncadd.remote.s32 $0x1  }
0xc2: {  	_ =	sfence.sel $0xFFFF  }
0xc3: {  	[dreg:$0x0] =	wrdreg $0xFFFFFFFF;
	(pc) =	sbr.abs _section_cstart, $3  }
0xc4: {  	[dreg:$0x1] =	wrdreg $0xFFFFFFFF  }
0xc5: {  	_ =	task.clear_ibuf [dreg:s8], $0x2FFFF;
	_ =	strace $0x9FFFFFFF  }
0xc6: {  	(tm) =	ssettm $0x7FFFFFFF  }
0xc7: {  	_ =	shalt  }
tec
execute0_lowered:
.L_overlay_start_1:
0x0: {  	(tag) =	ssettag $0x1  }
0x1: {  	s1 =	rddreg [dreg:$0x0]  }
0x2: {  	s0 =	rddreg [dreg:$0x1]  }
0x3: {  	s2 =	rddreg [dreg:$0x2]  }
0x4: {  	s3 =	rddreg [dreg:$0x3];
	s13 =	stileid.u32  }
0x5: {  	s5 =	srdreg.scid;
	s8 =	smul.u32 $0x14000, s13  }
0x6: {  	s4 =	rddreg [dreg:$0x4];
	s28 =	simm.s32 $0x70;
	s23 =	smul.u32 $0x50000, s13  }
0x7: {  	s30 =	simm.s32 $0x4800;
	s31 =	simm.s32 $0x1;
	s12 =	smul.u32 $0xA00, s13  }
0x8: {  	s29 =	simm.s32 $0x2;
	s7 =	sand.u32 $0x1, s5;
	s22 =	smul.u32 $0x500, s13  }
0x9: {  	s5 =	simm.s32 $0x0;
	s25 =	sshll.u32 s13, $0x1;
	s13 =	smul.u32 $0xF00, s13  }
0xa: {  	s9 =	sadd.s32 $0x2A00, s1;
	s6 =	smul.u32 $0x140000, s7;
	[smem:$0x7FF] =	sst s5  }
0xb: {  	s10 =	ssub.s32 $0x2, s7;
	_ =	strace $0x80000047;
	s16 =	sshrl.u32 s12, $0x2  }
0xc: {  	s11 =	sshrl.u32 s10, $0x1;
	s24 =	sshrl.u32 s23, $0x2;
	s12 =	sadd.s32 s16, s4  }
0xd: {  	s6 =	sadd.s32 s8, s6;
	s10 =	ssub.s32 s10, s11;
	s11 =	sadd.s32 $0x80, s12  }
0xe: {  	s6 =	sshrl.u32 s6, $0x3;
	s19 =	sadd.s32 $0x100, s12;
	[dreg:$0xb] =	wrdreg s11  }
0xf: {  	s20 =	sadd.s32 $0x180, s12;
	s21 =	sadd.s32 $0x200, s12;
	[dreg:$0xc] =	wrdreg s19  }
0x10: {  	s1 =	sadd.s32 s6, s1;
	s6 =	sadd.s32 s24, s3;
	[dreg:$0xd] =	wrdreg s20  }
0x11: {  	s23 =	sshll.u32 s7, $0x7;
	[dreg:$0xe] =	wrdreg s21;
	s26 =	sadd.s32 $0x3800, s6  }
0x12: {  	s8 =	sor.u32 s7, s25;
	s14 =	sadd.s32 $0x7000, s6;
	[dreg:$0x6] =	wrdreg s26  }
0x13: {  	s7 =	smul.u32 $0x780, s7;
	s15 =	sadd.s32 $0xA800, s6;
	[dreg:$0x7] =	wrdreg s14  }
0x14: {  	s8 =	smul.u32 $0x780, s8;
	s17 =	sadd.s32 $0xE000, s6;
	[dreg:$0x8] =	wrdreg s15  }
0x15: {  	s21 =	smax.u32 s10, $0x1;
	s18 =	sadd.s32 $0x11800, s6;
	[dreg:$0x9] =	wrdreg s17  }
0x16: {  	s10 =	simm.s32 $0x0;
	s1 =	sadd.s32 $0x20A00, s1;
	[dreg:$0xa] =	wrdreg s18  }
0x17: {  	s17 =	sadd.s32 s9, s8;
	s8 =	sor.u32 s23, s22;
	[dreg:$0x10] =	wrdreg s1  }
0x18: {  	s26 =	sadd.s32 s13, s9;
	s23 =	simm.s32 $0x1000;
	s1 =	simm.s32 $0x1F800  }
0x19: {  	s9 =	simm.s32 $0x6;
	s24 =	sadd.s32 $0xF000, s17;
	s25 =	sshrl.u32 s8, $0x3  }
0x1a: {  	s22 =	sadd.s32 s7, s26;
	s26 =	simm.s32 $0x8000;
	s7 =	simm.s32 $0x3  }
0x1b: {  	s8 =	simm.s32 $0x5;
	[dreg:$0xf] =	wrdreg s24;
	s20 =	sadd.s32 s2, s25  }
0x1c: {  	v0 =	vimm.f32 $0.0e+00;
	v1 =	vimm.f32 $1.000000000e+00;
	s24 =	simm.s32 $0x8;
	s25 =	simm.s32 $0x1F880;
	s2 =	simm.s32 $0x4  }
.LBB2_1:
0x1d: {  	s11 =	simm.s32 $0x0;
	s13 =	simm.s32 $0x200  }
.LBB2_2:
0x1e: {  	p0 =	sne.s32 s13, $0xDE00;
	[tilespmem:s11+$0x1070] =	vst v0  }
0x1f: {  	[tilespmem:s11+$0x1000] =	vst v0  }
0x20: {  	[tilespmem:s11+$0x1010] =	vst v0  }
.Ltmp0:
0x21: {  	[tilespmem:s11+$0x1020] =	vst v0;
	(pc) =	sbr.rel @p0 .LBB2_2-.Ltmp0, $4  }
0x22: {  	[tilespmem:s11+$0x1030] =	vst v0  }
0x23: {  	[tilespmem:s11+$0x1040] =	vst v0  }
0x24: {  	[tilespmem:s11+$0x1050] =	vst v0  }
0x25: {  	[tilespmem:s11+$0x1060] =	vst v0;
	s11 =	sshra.s32 s13, $0x2;
	s13 =	sadd.s32 $0x200, s13  }
0x26: {  	[tilespmem:s11+$0x1070] =	vst v0  }
0x27: {  	[tilespmem:s11+$0x1000] =	vst v0  }
0x28: {  	[tilespmem:s11+$0x1010] =	vst v0  }
0x29: {  	[tilespmem:s11+$0x1020] =	vst v0  }
0x2a: {  	[tilespmem:s11+$0x1030] =	vst v0  }
0x2b: {  	[tilespmem:s11+$0x1040] =	vst v0  }
0x2c: {  	[tilespmem:s11+$0x1050] =	vst v0  }
0x2d: {  	[tilespmem:s11+$0x1060] =	vst v0  }
0x2e: {  	[spmem:s6] =	stream.linear.scatter [tilespmem:s23], [sflag:$0x8], $0x3800, $0x38;
	[tilespmem:$0x1FB80] =	vst v63  }
0x2f: {  	_ =	swait.ge [sflag:s24], $0x3800  }
0x30: {  	[sflag:s24] =	ssyncset.done $0x0  }
0x31: {  	s15 =	rddreg [dreg:$0x6];
	[sflag:s24] =	ssyncadd.s32 $0xFFFFC800  }
0x32: {  	[spmem:s15] =	stream.linear.scatter [tilespmem:s23], [sflag:$0x8], $0x3800, $0x38;
	[tilespmem:$0x1FB80] =	vst v63  }
0x33: {  	_ =	swait.ge [sflag:s24], $0x3800  }
0x34: {  	[sflag:s24] =	ssyncset.done $0x0  }
0x35: {  	s16 =	rddreg [dreg:$0x7];
	[sflag:s24] =	ssyncadd.s32 $0xFFFFC800  }
0x36: {  	[spmem:s16] =	stream.linear.scatter [tilespmem:s23], [sflag:$0x8], $0x3800, $0x38;
	[tilespmem:$0x1FB80] =	vst v63  }
0x37: {  	_ =	swait.ge [sflag:s24], $0x3800  }
0x38: {  	[sflag:s24] =	ssyncset.done $0x0  }
0x39: {  	s18 =	rddreg [dreg:$0x8];
	[sflag:s24] =	ssyncadd.s32 $0xFFFFC800  }
0x3a: {  	[spmem:s18] =	stream.linear.scatter [tilespmem:s23], [sflag:$0x8], $0x3800, $0x38;
	[tilespmem:$0x1FB80] =	vst v63  }
0x3b: {  	_ =	swait.ge [sflag:s24], $0x3800  }
0x3c: {  	[sflag:s24] =	ssyncset.done $0x0  }
0x3d: {  	s19 =	rddreg [dreg:$0x9];
	[sflag:s24] =	ssyncadd.s32 $0xFFFFC800  }
0x3e: {  	[spmem:s19] =	stream.linear.scatter [tilespmem:s23], [sflag:$0x8], $0x3800, $0x38;
	[tilespmem:$0x1FB80] =	vst v63  }
0x3f: {  	_ =	swait.ge [sflag:s24], $0x3800  }
0x40: {  	[sflag:s24] =	ssyncset.done $0x0  }
0x41: {  	s13 =	rddreg [dreg:$0xa];
	[sflag:s24] =	ssyncadd.s32 $0xFFFFC800  }
0x42: {  	[spmem:s13] =	stream.linear.scatter [tilespmem:s23], [sflag:$0x8], $0x2800, $0x38;
	[tilespmem:$0x1FB80] =	vst v63  }
0x43: {  	_ =	swait.ge [sflag:s24], $0x2800  }
0x44: {  	[sflag:s24] =	ssyncset.done $0x0  }
0x45: {  	[sflag:s24] =	ssyncadd.s32 $0xFFFFD800  }
0x46: {  	[tilespmem:$0x1F800] =	vst v1  }
0x47: {  	[tilespmem:$0x1F810] =	vst v1  }
0x48: {  	[tilespmem:$0x1F820] =	vst v1  }
0x49: {  	[tilespmem:$0x1F830] =	vst v1  }
0x4a: {  	[tilespmem:$0x1F840] =	vst v1  }
0x4b: {  	[tilespmem:$0x1F850] =	vst v1  }
0x4c: {  	[tilespmem:$0x1F860] =	vst v1  }
0x4d: {  	[tilespmem:$0x1F880] =	vst v0  }
0x4e: {  	[tilespmem:$0x1F890] =	vst v0  }
0x4f: {  	[tilespmem:$0x1F8A0] =	vst v0  }
0x50: {  	[tilespmem:$0x1F8B0] =	vst v0  }
0x51: {  	[tilespmem:$0x1F8C0] =	vst v0  }
0x52: {  	[tilespmem:$0x1F8D0] =	vst v0  }
0x53: {  	[tilespmem:$0x1F8E0] =	vst v0  }
0x54: {  	[tilespmem:$0x1F8F0] =	vst v0  }
0x55: {  	[spmem:s12] =	stream.linear.scatter [tilespmem:s25], [sflag:$0x8], $0x80, $0x38;
	[tilespmem:$0x1FB80] =	vst v63  }
0x56: {  	_ =	swait.ge [sflag:s24], $0x80  }
0x57: {  	[sflag:s24] =	ssyncset.done $0x0  }
0x58: {  	s14 =	rddreg [dreg:$0xb];
	[sflag:s24] =	ssyncadd.s32 $0xFFFFFF80  }
0x59: {  	[spmem:s14] =	stream.linear.scatter [tilespmem:s25], [sflag:$0x8], $0x80, $0x38;
	[tilespmem:$0x1FB80] =	vst v63  }
0x5a: {  	_ =	swait.ge [sflag:s24], $0x80  }
0x5b: {  	[sflag:s24] =	ssyncset.done $0x0  }
0x5c: {  	s15 =	rddreg [dreg:$0xc];
	[sflag:s24] =	ssyncadd.s32 $0xFFFFFF80  }
0x5d: {  	[spmem:s15] =	stream.linear.scatter [tilespmem:s25], [sflag:$0x8], $0x80, $0x38;
	[tilespmem:$0x1FB80] =	vst v63  }
0x5e: {  	_ =	swait.ge [sflag:s24], $0x80  }
0x5f: {  	[sflag:s24] =	ssyncset.done $0x0  }
0x60: {  	s16 =	rddreg [dreg:$0xd];
	[sflag:s24] =	ssyncadd.s32 $0xFFFFFF80  }
0x61: {  	[spmem:s16] =	stream.linear.scatter [tilespmem:s25], [sflag:$0x8], $0x80, $0x38;
	[tilespmem:$0x1FB80] =	vst v63  }
0x62: {  	_ =	swait.ge [sflag:s24], $0x80  }
0x63: {  	[sflag:s24] =	ssyncset.done $0x0  }
0x64: {  	s18 =	rddreg [dreg:$0xe];
	[sflag:s24] =	ssyncadd.s32 $0xFFFFFF80  }
0x65: {  	[spmem:s18] =	stream.linear.scatter [tilespmem:s25], [sflag:$0x8], $0x80, $0x38;
	[tilespmem:$0x1FB80] =	vst v63  }
0x66: {  	_ =	swait.ge [sflag:s24], $0x80  }
0x67: {  	[sflag:s24] =	ssyncset.done $0x0  }
0x68: {  	s11 =	simm.s32 $0x0;
	[sflag:s24] =	ssyncadd.s32 $0xFFFFFF80  }
0x69: {  	[tilespmem:s11], [sflag:$0x8] =	stream.linear.gather [hbm4b:s17+s11], $0x300, $0x38;
	[tilespmem:$0x1FB80] =	vst v63  }
0x6a: {  	_ =	swait.ge [sflag:s24], $0x300  }
0x6b: {  	[sflag:s24] =	ssyncset.done $0x0  }
0x6c: {  	s14 =	simm.s32 $0x800;
	s13 =	rddreg [dreg:$0xf];
	[sflag:s24] =	ssyncadd.s32 $0xFFFFFD00  }
0x6d: {  	[tilespmem:s14], [sflag:$0x8] =	stream.linear.gather [hbm4b:s13+s11], $0x300, $0x38;
	[tilespmem:$0x1FB80] =	vst v63  }
0x6e: {  	_ =	swait.ge [sflag:s24], $0x300  }
0x6f: {  	[sflag:s24] =	ssyncset.done $0x0  }
0x70: {  	[sflag:s24] =	ssyncadd.s32 $0xFFFFFD00  }
0x71: {  	[bflag:$0x0] =	sbarrier.arrive $0xFFFF  }
0x72: {  	[tilespmem:s23], [sflag:$0x1] =	stream.indirect.gather [hbm4b:s0+s28], $0x80, s11, s28, $0xb8;
	[tilespmem:$0x1FB80] =	vst v63  }
0x73: {  	s19 =	simm.s32 $0x80;
	s13 =	simm.s32 $0x1;
	s14 =	simm.s32 $0x0  }
0x74: {  	[tilespmem:s30], [sflag:$0x2] =	stream.indirect.gather [hbm4b:s0+s28], $0x80, s19, s28, $0xb8;
	[tilespmem:$0x1FB80] =	vst v63  }
.LBB2_4:
0x75: {  	p0 =	seq.s32 s14, $0x0  }
0x76: {  	s16 =	simm.s32 @!p0 $0x6  }
0x77: {  	p1 =	seq.s32 @!p0 s14, $0x700;
	_ =	swait.ge @!p0 [sflag:s16], $0x3800  }
0x78: {  	p1 =	por p0, !p1;
	[sflag:s16] =	ssyncset.done @!p0 $0x0  }
0x79: {  	s15 =	sand.u32 $0x1, s13;
	[sflag:s16] =	ssyncadd.s32 @!p0 $0xFFFFC800;
	s16 =	sadd.s32 @p1 s14, s22  }
0x7a: {  	s18 =	sshll.u32 @p1 s15, $0xA;
	s19 =	sadd.s32 @p1 $0x80, s16  }
0x7b: {  	[tilespmem:s18], [sflag:$0x7] =	stream.linear.gather @p1 [hbm4b:s19+s5], $0x300, $0x38;
	[tilespmem:$0x1FB80] =	vst v63  }
0x7c: {  	s16 =	sadd.s32 @p1 $0xF080, s16;
	s18 =	sor.u32 @p1 $0x800, s18  }
0x7d: {  	[tilespmem:s18], [sflag:$0x7] =	stream.linear.gather @p1 [hbm4b:s16+s5], $0x300, $0x38;
	[tilespmem:$0x1FB80] =	vst v63  }
0x7e: {  	_ =	swait.ge [sflag:s31], $0x3800  }
0x7f: {  	s16 =	sand.u32 $0x400, s11;
	[sflag:s31] =	ssyncset.done $0x0  }
0x80: {  	s19 =	sor.u32 $0x800, s16;
	[sflag:s31] =	ssyncadd.s32 $0xFFFFC800  }
0x81: {  	[spmem:s3] =	stream.indirect.scatter.add.f32 [tilespmem:s23], [sflag:$0x4], $0x80, s19, s28, $0xb8;
	[tilespmem:$0x1FB80] =	vst v63  }
0x82: {  	_ = 	snop  }
0x83: {  	[spmem:s4] =	stream.indirect.scatter.add.f32 [tilespmem:s1], [sflag:$0x8], $0x1, s19, s28, $0xb8;
	[tilespmem:$0x1FB80] =	vst v63  }
0x84: {  	_ =	swait.ge [sflag:s24], $0x70  }
0x85: {  	[sflag:s24] =	ssyncset.done $0x0  }
0x86: {  	s19 =	sor.u32 $0x100, s16;
	[sflag:s24] =	ssyncadd.s32 $0xFFFFFF90  }
0x87: {  	[tilespmem:s26], [sflag:$0x3] =	stream.indirect.gather [hbm4b:s0+s28], $0x80, s19, s28, $0xb8;
	[tilespmem:$0x1FB80] =	vst v63  }
0x88: {  	_ =	swait.ge [sflag:s29], $0x3800  }
0x89: {  	[sflag:s29] =	ssyncset.done $0x0  }
0x8a: {  	s19 =	sor.u32 $0x880, s16;
	[sflag:s29] =	ssyncadd.s32 $0xFFFFC800  }
0x8b: {  	[spmem:s3] =	stream.indirect.scatter.add.f32 [tilespmem:s30], [sflag:$0x5], $0x80, s19, s28, $0xb8;
	[tilespmem:$0x1FB80] =	vst v63  }
0x8c: {  	_ = 	snop  }
0x8d: {  	[spmem:s4] =	stream.indirect.scatter.add.f32 [tilespmem:s1], [sflag:$0x8], $0x1, s19, s28, $0xb8;
	[tilespmem:$0x1FB80] =	vst v63  }
0x8e: {  	_ =	swait.ge [sflag:s24], $0x70  }
0x8f: {  	[sflag:s24] =	ssyncset.done $0x0  }
0x90: {  	[sflag:s24] =	ssyncadd.s32 $0xFFFFFF90  }
0x91: {  	_ =	swait.ge [sflag:s2], $0x3800  }
0x92: {  	[sflag:s2] =	ssyncset.done $0x0  }
0x93: {  	s19 =	sor.u32 $0x180, s16;
	[sflag:s2] =	ssyncadd.s32 $0xFFFFC800  }
0x94: {  	[tilespmem:s23], [sflag:$0x1] =	stream.indirect.gather [hbm4b:s0+s28], $0x80, s19, s28, $0xb8;
	[tilespmem:$0x1FB80] =	vst v63  }
0x95: {  	_ =	swait.ge [sflag:s7], $0x3800  }
0x96: {  	[sflag:s7] =	ssyncset.done $0x0  }
0x97: {  	s19 =	sor.u32 $0x900, s16;
	[sflag:s7] =	ssyncadd.s32 $0xFFFFC800  }
0x98: {  	[spmem:s3] =	stream.indirect.scatter.add.f32 [tilespmem:s26], [sflag:$0x6], $0x80, s19, s28, $0xb8;
	[tilespmem:$0x1FB80] =	vst v63  }
0x99: {  	_ = 	snop  }
0x9a: {  	[spmem:s4] =	stream.indirect.scatter.add.f32 [tilespmem:s1], [sflag:$0x8], $0x1, s19, s28, $0xb8;
	[tilespmem:$0x1FB80] =	vst v63  }
0x9b: {  	_ =	swait.ge [sflag:s24], $0x70  }
0x9c: {  	[sflag:s24] =	ssyncset.done $0x0  }
0x9d: {  	[sflag:s24] =	ssyncadd.s32 $0xFFFFFF90  }
0x9e: {  	_ =	swait.ge [sflag:s8], $0x3800  }
0x9f: {  	[sflag:s8] =	ssyncset.done $0x0  }
0xa0: {  	s18 =	sor.u32 $0x200, s16;
	[sflag:s8] =	ssyncadd.s32 $0xFFFFC800  }
0xa1: {  	[tilespmem:s30], [sflag:$0x2] =	stream.indirect.gather [hbm4b:s0+s28], $0x80, s18, s28, $0xb8;
	[tilespmem:$0x1FB80] =	vst v63  }
0xa2: {  	_ =	swait.ge [sflag:s31], $0x3800  }
0xa3: {  	[sflag:s31] =	ssyncset.done $0x0  }
0xa4: {  	s19 =	sor.u32 $0x980, s16;
	[sflag:s31] =	ssyncadd.s32 $0xFFFFC800  }
0xa5: {  	[spmem:s3] =	stream.indirect.scatter.add.f32 [tilespmem:s23], [sflag:$0x4], $0x80, s19, s28, $0xb8;
	[tilespmem:$0x1FB80] =	vst v63  }
0xa6: {  	_ = 	snop  }
0xa7: {  	[spmem:s4] =	stream.indirect.scatter.add.f32 [tilespmem:s1], [sflag:$0x8], $0x1, s19, s28, $0xb8;
	[tilespmem:$0x1FB80] =	vst v63  }
0xa8: {  	_ =	swait.ge [sflag:s24], $0x70  }
0xa9: {  	p0 =	seq.s32 s14, $0x700;
	[sflag:s24] =	ssyncset.done $0x0  }
0xaa: {  	s19 =	simm.s32 @!p0 $0x7;
	[sflag:s24] =	ssyncadd.s32 $0xFFFFFF90  }
0xab: {  	_ =	swait.ge @!p0 [sflag:s19], $0x300  }
0xac: {  	[sflag:s19] =	ssyncset.done @!p0 $0x0  }
0xad: {  	[sflag:s19] =	ssyncadd.s32 @!p0 $0xFFFFFD00  }
0xae: {  	_ =	swait.ge @!p0 [sflag:s19], $0x300  }
0xaf: {  	[sflag:s19] =	ssyncset.done @!p0 $0x0  }
0xb0: {  	[sflag:s19] =	ssyncadd.s32 @!p0 $0xFFFFFD00  }
0xb1: {  	_ =	swait.ge [sflag:s9], $0x3800  }
0xb2: {  	[sflag:s9] =	ssyncset.done $0x0  }
0xb3: {  	s16 =	sor.u32 $0x280, s16;
	[sflag:s9] =	ssyncadd.s32 $0xFFFFC800  }
0xb4: {  	[tilespmem:s26], [sflag:$0x3] =	stream.indirect.gather [hbm4b:s0+s28], $0x80, s16, s28, $0xb8;
	[tilespmem:$0x1FB80] =	vst v63  }
0xb5: {  	_ =	swait.ge [sflag:s29], $0x3800  }
0xb6: {  	[sflag:s29] =	ssyncset.done $0x0  }
0xb7: {  	s18 =	sor.u32 $0x800, s18;
	[sflag:s29] =	ssyncadd.s32 $0xFFFFC800  }
0xb8: {  	[spmem:s3] =	stream.indirect.scatter.add.f32 [tilespmem:s30], [sflag:$0x5], $0x80, s18, s28, $0xb8;
	[tilespmem:$0x1FB80] =	vst v63  }
0xb9: {  	_ = 	snop  }
0xba: {  	[spmem:s4] =	stream.indirect.scatter.add.f32 [tilespmem:s1], [sflag:$0x8], $0x1, s18, s28, $0xb8;
	[tilespmem:$0x1FB80] =	vst v63  }
0xbb: {  	_ =	swait.ge [sflag:s24], $0x70  }
0xbc: {  	[sflag:s24] =	ssyncset.done $0x0  }
0xbd: {  	[sflag:s24] =	ssyncadd.s32 $0xFFFFFF90  }
0xbe: {  	_ =	swait.ge [sflag:s2], $0x3800  }
0xbf: {  	s15 =	sshll.u32 @!p0 s15, $0xA;
	[sflag:s2] =	ssyncset.done $0x0  }
0xc0: {  	s19 =	simm.s32 @!p0 $0x1000;
	s18 =	simm.s32 @!p0 $0x70;
	[sflag:s2] =	ssyncadd.s32 $0xFFFFC800  }
0xc1: {  	[tilespmem:s19], [sflag:$0x1] =	stream.indirect.gather @!p0 [hbm4b:s0+s18], $0x80, s15, s18, $0xb8;
	[tilespmem:$0x1FB80] =	vst v63  }
0xc2: {  	_ =	swait.ge [sflag:s7], $0x3800  }
0xc3: {  	[sflag:s7] =	ssyncset.done $0x0  }
0xc4: {  	s16 =	sor.u32 $0x800, s16;
	[sflag:s7] =	ssyncadd.s32 $0xFFFFC800  }
0xc5: {  	[spmem:s3] =	stream.indirect.scatter.add.f32 [tilespmem:s26], [sflag:$0x6], $0x80, s16, s28, $0xb8;
	[tilespmem:$0x1FB80] =	vst v63  }
0xc6: {  	s14 =	sadd.s32 @!p0 $0x80, s14  }
0xc7: {  	[spmem:s4] =	stream.indirect.scatter.add.f32 [tilespmem:s1], [sflag:$0x8], $0x1, s16, s28, $0xb8;
	[tilespmem:$0x1FB80] =	vst v63  }
0xc8: {  	p1 =	sne.s32 @!p0 s14, $0x780;
	_ =	swait.ge [sflag:s24], $0x70  }
0xc9: {  	p1 =	por p0, !p1;
	[sflag:s24] =	ssyncset.done $0x0  }
.Ltmp1:
0xca: {  	[sflag:s24] =	ssyncadd.s32 $0xFFFFFF90;
	(pc) =	sbr.rel @!p1 .LBB2_4-.Ltmp1, $4  }
0xcb: {  	_ =	swait.ge [sflag:s8], $0x3800  }
0xcc: {  	s13 =	sadd.s32 @!p0 $0x1, s13;
	s11 =	sadd.s32 @!p0 $0x400, s11;
	[sflag:s8] =	ssyncset.done $0x0  }
0xcd: {  	s15 =	sor.u32 @!p0 $0x80, s15;
	s16 =	simm.s32 @!p0 $0x4800;
	[sflag:s8] =	ssyncadd.s32 $0xFFFFC800  }
0xce: {  	[tilespmem:s16], [sflag:$0x2] =	stream.indirect.gather @!p0 [hbm4b:s0+s18], $0x80, s15, s18, $0xb8;
	[tilespmem:$0x1FB80] =	vst v63  }
0xcf: {  	_ =	swait.ge [sflag:s9], $0x3800  }
0xd0: {  	[sflag:s9] =	ssyncset.done $0x0  }
0xd1: {  	s11 =	stileid.u32;
	[sflag:s9] =	ssyncadd.s32 $0xFFFFC800  }
0xd2: {  	s11 =	sshll.u32 s11, $0x6;
	[bflag:$0x0] =	sbarrier.arrive $0xFFFF  }
0xd3: {  	s13 =	sshrl.u32 s6, $0x3;
	s11 =	sor.u32 $0x1C08, s11;
	s14 =	rddreg [dreg:$0x10]  }
0xd4: {  	[hbm:s14], [sflag:s11] =	dma.local [spmem:s13], $0x2800  }
0xd5: {  	s18 =	sshrl.u32 s12, $0x3;
	s10 =	sadd.s32 $0x1, s10;
	_ =	swait.ge [sflag:s24], $0x2800  }
0xd6: {  	s19 =	simm.s32 $0x20;
	p0 =	sne.s32 s10, s21;
	[sflag:s24] =	ssyncset.done $0x0  }
.Ltmp2:
0xd7: {  	s15 =	simm.s32 $0x10;
	[sflag:s24] =	ssyncadd.s32 $0xFFFFD800;
	(pc) =	sbr.rel @p0 .LBB2_1-.Ltmp2, $4  }
0xd8: {  	[hbm:s20@s19], [sflag:s11] =	dma.strided [spmem:s18@s15], $0x50, s31, $0x10   }
0xd9: {  	_ =	swait.ge [sflag:s24], $0x50  }
0xda: {  	[sflag:s24] =	ssyncset.done $0x0  }
0xdb: {  	[sflag:s24] =	ssyncadd.s32 $0xFFFFFFB0  }
0xdc: {  	_ =	sfence.sel $0x180000  }
0xdd: {  	[bflag:$0x0] =	sbarrier.arrive $0xFFFF  }
0xde: {  	_ =	strace $0x90000047  }
0xdf: {  	s0 =	stileid.u32;
	[bflag:$0x2] =	sbarrier.arrive $0xFFFF  }
0xe0: {  	p0 =	sne.s32 s0, $0x0;
	s0 =	rddreg [dreg:$0x5]  }
0xe1: {  	s0 =	sadd.s32 @!p0 $0x100000, s0  }
0xe2: {  	[sflag:s0] =	ssyncadd.tile.s32 @!p0 $0x1;
	_ =	shalt  }
.Lfunc_end2:
_tile_overlayer_lowered:
.L_overlay_start_2:
0xe3: {  	(tag) =	ssettag $0x2  }
0xe4: {  	s0 =	rddreg [dreg:$0x0];
	s2 =	stileid.u32  }
0xe5: {  	s1 =	rddreg [dreg:$0x1];
	p0 =	sne.s32 s2, $0x0  }
0xe6: {  	s3 =	rddreg [dreg:$0x2];
	[bflag:$0x3] =	sbarrier.arrive $0xFFFF;
	s2 =	simm.s32 @!p0 $0x1C08  }
0xe7: {  	[timem:s3], [sflag:s2] =	dma.local @!p0 [hbm:s0], s1  }
0xe8: {  	s0 =	simm.s32 @!p0 $0x8  }
0xe9: {  	_ =	swait.ge @!p0 [sflag:s0], s1  }
0xea: {  	s1 =	ssub.s32 @!p0 $0x0, s1;
	[sflag:s0] =	ssyncset.done @!p0 $0x0  }
0xeb: {  	[sflag:s0] =	ssyncadd.s32 @!p0 s1  }
0xec: {  	[bflag:$0x3] =	sbarrier.arrive $0xFFFF  }
0xed: {  	_ =	shalt  }

</sc_bundles>
